<compile_context>
chip_gen: v7x
topology: tpu7x:2x2x1
jax: 0.10.2.dev20260603
libtpu: 0.0.44.dev20260713+nightly
codegen_flags: <defaults>
</compile_context>

<pallas_src>
import jax
import jax.numpy as jnp
from jax import lax
from jax.experimental import pallas as pl
from jax.experimental.pallas import tpu as pltpu
from jax.experimental.pallas import tpu_sc as plsc

N = 10000
D = 128
E = 320000

NC = 2
NS = 16
NW = NC * NS
K = 128

E_PAD = ((E + NW * K - 1) // (NW * K)) * (NW * K)
EPT = E_PAD // NW
STEPS = EPT // K

N_ACC = 10016
RPT = 632
LAST = N - (NS - 1) * RPT

_mesh = plsc.VectorSubcoreMesh(core_axis_name="c", subcore_axis_name="s")


def _tile_rows_copy(src, dst, s):
  @pl.when(s < NS - 1)
  def _():
    pltpu.sync_copy(src.at[pl.ds(s * RPT, RPT)], dst.at[pl.ds(s * RPT, RPT)])

  @pl.when(s == NS - 1)
  def _():
    pltpu.sync_copy(src.at[pl.ds((NS - 1) * RPT, LAST)],
                    dst.at[pl.ds((NS - 1) * RPT, LAST)])



def _deg_body(row_hbm, ones_hbm, z_hbm, out0, out1,
              rowv0, rowv1, onesv, isem0, isem1, deg_sh):
  c = lax.axis_index("c")
  s = lax.axis_index("s")
  wid = s * NC + c
  base = wid * EPT
  _tile_rows_copy(z_hbm, deg_sh, s)
  pltpu.sync_copy(ones_hbm, onesv)
  plsc.subcore_barrier()

  pltpu.async_copy(row_hbm.at[pl.ds(base, K)], rowv0, isem0)

  def dbl(i, carry):
    t0 = 2 * i
    t1 = t0 + 1
    pltpu.async_copy(row_hbm.at[pl.ds(base + t1 * K, K)], rowv1, isem1)
    pltpu.make_async_copy(row_hbm.at[pl.ds(base, K)], rowv0, isem0).wait()
    pltpu.sync_copy(onesv, deg_sh.at[rowv0], add=True)

    @pl.when(t0 + 2 < STEPS)
    def _():
      pltpu.async_copy(row_hbm.at[pl.ds(base + (t0 + 2) * K, K)],
                       rowv0, isem0)

    pltpu.make_async_copy(row_hbm.at[pl.ds(base, K)], rowv1, isem1).wait()
    pltpu.sync_copy(onesv, deg_sh.at[rowv1], add=True)
    return carry

  lax.fori_loop(0, STEPS // 2, dbl, 0)
  if STEPS % 2:
    pltpu.make_async_copy(row_hbm.at[pl.ds(base, K)], rowv0, isem0).wait()
    pltpu.sync_copy(onesv, deg_sh.at[rowv0], add=True)
  plsc.subcore_barrier()

  @pl.when(c == 0)
  def _():
    _tile_rows_copy(deg_sh, out0, s)

  @pl.when(c == 1)
  def _():
    _tile_rows_copy(deg_sh, out1, s)


_deg_call = pl.kernel(
    _deg_body,
    out_type=(jax.ShapeDtypeStruct((N, D), jnp.float32),
              jax.ShapeDtypeStruct((N, D), jnp.float32)),
    mesh=_mesh,
    scratch_types=[
        pltpu.VMEM((K,), jnp.int32),
        pltpu.VMEM((K,), jnp.int32),
        pltpu.VMEM((K, D), jnp.float32),
        pltpu.SemaphoreType.DMA,
        pltpu.SemaphoreType.DMA,
        pltpu.VMEM_SHARED((N_ACC, D), jnp.float32),
    ],
)


def _edge_body(y_hbm, row_hbm, col_hbm, z_hbm, out0, out1,
               colb, rowv0, rowv1, rows0, rows1,
               isem0, isem1, gsem0, gsem1, agg_sh):
  c = lax.axis_index("c")
  s = lax.axis_index("s")
  wid = s * NC + c
  base = wid * EPT
  _tile_rows_copy(z_hbm, agg_sh, s)
  pltpu.sync_copy(col_hbm.at[pl.ds(base, EPT)], colb)
  plsc.subcore_barrier()

  pltpu.async_copy(row_hbm.at[pl.ds(base, K)], rowv0, isem0)
  pltpu.async_copy(y_hbm.at[colb.at[pl.ds(0, K)]], rows0, gsem0)

  def dbl(i, carry):
    t0 = 2 * i
    t1 = t0 + 1
    pltpu.async_copy(row_hbm.at[pl.ds(base + t1 * K, K)], rowv1, isem1)
    pltpu.async_copy(y_hbm.at[colb.at[pl.ds(t1 * K, K)]], rows1, gsem1)
    pltpu.make_async_copy(y_hbm.at[colb.at[pl.ds(0, K)]], rows0, gsem0).wait()
    pltpu.make_async_copy(row_hbm.at[pl.ds(base, K)], rowv0, isem0).wait()
    pltpu.sync_copy(rows0, agg_sh.at[rowv0], add=True)

    @pl.when(t0 + 2 < STEPS)
    def _():
      pltpu.async_copy(row_hbm.at[pl.ds(base + (t0 + 2) * K, K)],
                       rowv0, isem0)
      pltpu.async_copy(y_hbm.at[colb.at[pl.ds((t0 + 2) * K, K)]],
                       rows0, gsem0)

    pltpu.make_async_copy(y_hbm.at[colb.at[pl.ds(0, K)]], rows1, gsem1).wait()
    pltpu.make_async_copy(row_hbm.at[pl.ds(base, K)], rowv1, isem1).wait()
    pltpu.sync_copy(rows1, agg_sh.at[rowv1], add=True)
    return carry

  lax.fori_loop(0, STEPS // 2, dbl, 0)
  if STEPS % 2:
    pltpu.make_async_copy(y_hbm.at[colb.at[pl.ds(0, K)]], rows0, gsem0).wait()
    pltpu.make_async_copy(row_hbm.at[pl.ds(base, K)], rowv0, isem0).wait()
    pltpu.sync_copy(rows0, agg_sh.at[rowv0], add=True)

  plsc.subcore_barrier()

  @pl.when(c == 0)
  def _():
    _tile_rows_copy(agg_sh, out0, s)

  @pl.when(c == 1)
  def _():
    _tile_rows_copy(agg_sh, out1, s)


_edge_call = pl.kernel(
    _edge_body,
    out_type=(jax.ShapeDtypeStruct((N, D), jnp.float32),
              jax.ShapeDtypeStruct((N, D), jnp.float32)),
    mesh=_mesh,
    scratch_types=[
        pltpu.VMEM((EPT,), jnp.int32),
        pltpu.VMEM((K,), jnp.int32),
        pltpu.VMEM((K,), jnp.int32),
        pltpu.VMEM((K, D), jnp.float32),
        pltpu.VMEM((K, D), jnp.float32),
        pltpu.SemaphoreType.DMA,
        pltpu.SemaphoreType.DMA,
        pltpu.SemaphoreType.DMA,
        pltpu.SemaphoreType.DMA,
        pltpu.VMEM_SHARED((N_ACC, D), jnp.float32),
    ],
)



GRID = 10
BR = N // GRID


def _pre0_body(x_ref, w_ref, d0_ref, d1_ref, b_ref, u_ref, y_ref, dinv_ref):
  deg = 1.0 + d0_ref[:, 0:1] + d1_ref[:, 0:1]
  dinv = lax.rsqrt(deg)
  dinv_ref[...] = dinv
  x = x_ref[...]
  xw = jnp.dot(x, w_ref[...], preferred_element_type=jnp.float32)
  u_ref[...] = x + (dinv * dinv) * xw + b_ref[...]
  y_ref[...] = xw * dinv


def _pre0_call(x, w, d0, d1, b):
  return pl.pallas_call(
      _pre0_body,
      grid=(GRID,),
      in_specs=[
          pl.BlockSpec((BR, D), lambda i: (i, 0)),
          pl.BlockSpec((D, D), lambda i: (0, 0)),
          pl.BlockSpec((BR, D), lambda i: (i, 0)),
          pl.BlockSpec((BR, D), lambda i: (i, 0)),
          pl.BlockSpec((1, D), lambda i: (0, 0)),
      ],
      out_specs=[
          pl.BlockSpec((BR, D), lambda i: (i, 0)),
          pl.BlockSpec((BR, D), lambda i: (i, 0)),
          pl.BlockSpec((BR, 1), lambda i: (i, 0)),
      ],
      out_shape=[
          jax.ShapeDtypeStruct((N, D), jnp.float32),
          jax.ShapeDtypeStruct((N, D), jnp.float32),
          jax.ShapeDtypeStruct((N, 1), jnp.float32),
      ],
  )(x, w, d0, d1, b)


def _mid_body(u_ref, a0_ref, a1_ref, dinv_ref, g_ref, be_ref, b2_ref,
              w_ref, u2_ref, y2_ref):
  dinv = dinv_ref[...]
  h = u_ref[...] + dinv * (a0_ref[...] + a1_ref[...])
  r = jnp.maximum(h, 0.0)
  mu = jnp.mean(r, axis=-1, keepdims=True)
  d = r - mu
  var = jnp.mean(d * d, axis=-1, keepdims=True)
  xc = d * lax.rsqrt(var + 1e-5) * g_ref[...] + be_ref[...]
  xw2 = jnp.dot(xc, w_ref[...], preferred_element_type=jnp.float32)
  u2_ref[...] = xc + (dinv * dinv) * xw2 + b2_ref[...]
  y2_ref[...] = xw2 * dinv


def _post_last_body(u_ref, a0_ref, a1_ref, dinv_ref, emb_ref, o_ref):
  h = u_ref[...] + dinv_ref[...] * (a0_ref[...] + a1_ref[...])
  emb_ref[...] = h
  o_ref[...] = jnp.maximum(h, 0.0)


def _row_specs():
  return [
      pl.BlockSpec((BR, D), lambda i: (i, 0)),
      pl.BlockSpec((BR, D), lambda i: (i, 0)),
      pl.BlockSpec((BR, D), lambda i: (i, 0)),
      pl.BlockSpec((BR, 1), lambda i: (i, 0)),
  ]


def _mid_call(u, a0, a1, dinv, g, be, b_next, w_next):
  return pl.pallas_call(
      _mid_body,
      grid=(GRID,),
      in_specs=_row_specs() + [
          pl.BlockSpec((1, D), lambda i: (0, 0)),
          pl.BlockSpec((1, D), lambda i: (0, 0)),
          pl.BlockSpec((1, D), lambda i: (0, 0)),
          pl.BlockSpec((D, D), lambda i: (0, 0)),
      ],
      out_specs=[
          pl.BlockSpec((BR, D), lambda i: (i, 0)),
          pl.BlockSpec((BR, D), lambda i: (i, 0)),
      ],
      out_shape=[
          jax.ShapeDtypeStruct((N, D), jnp.float32),
          jax.ShapeDtypeStruct((N, D), jnp.float32),
      ],
  )(u, a0, a1, dinv, g, be, b_next, w_next)


def _post_last_call(u, a0, a1, dinv):
  return pl.pallas_call(
      _post_last_body,
      grid=(GRID,),
      in_specs=_row_specs(),
      out_specs=[
          pl.BlockSpec((BR, D), lambda i: (i, 0)),
          pl.BlockSpec((BR, D), lambda i: (i, 0)),
      ],
      out_shape=[
          jax.ShapeDtypeStruct((N, D), jnp.float32),
          jax.ShapeDtypeStruct((N, D), jnp.float32),
      ],
  )(u, a0, a1, dinv)



@jax.jit
def _run(x, edge_index, W0, b0, W1, b1, W2, b2, g0, be0, g1, be1):
  row = edge_index[0]
  col = edge_index[1]
  pad_iota = jnp.arange(E_PAD - E, dtype=row.dtype)
  rowp = jnp.concatenate([row, N + pad_iota % (N_ACC - N)])
  colp = jnp.concatenate([col, pad_iota % N])
  zeros_nd = jnp.zeros((N, D), jnp.float32)
  ones_k = jnp.ones((K, D), jnp.float32)

  d0, d1 = _deg_call(rowp, ones_k, zeros_nd)

  Ws = (W0, W1, W2)
  bs = (b0, b1, b2)
  gs = (g0, g1)
  bes = (be0, be1)

  u, y, dinv = _pre0_call(x, Ws[0], d0, d1, bs[0].reshape(1, D))
  for i in range(3):
    a0, a1 = _edge_call(y, rowp, colp, zeros_nd)
    if i < 2:
      u, y = _mid_call(u, a0, a1, dinv,
                       gs[i].reshape(1, D), bes[i].reshape(1, D),
                       bs[i + 1].reshape(1, D), Ws[i + 1])
    else:
      emb, xo = _post_last_call(u, a0, a1, dinv)
  return emb, xo


def kernel(x, edge_index, W0, b0, W1, b1, W2, b2, g0, be0, g1, be1):
  return _run(x, edge_index, W0, b0, W1, b1, W2, b2, g0, be0, g1, be1)

# --- scband reference (transcript-rebuilt; emitter-appended) ---
"""Pipeline reference for scband-gcndirectional-9594956939369 (READ-ONLY COPY).

The authoritative reference and input builder live on the scoring server;
editing this copy changes nothing except your own understanding.
"""

import jax, jax.numpy as jnp
import numpy as np

N = 10000
E = 320000
D = 128

def setup_inputs(seed: int = 0):
    key = jax.random.key(seed)
    ks = jax.random.split(key, 16)
    inp = {}
    inp['x'] = jax.random.normal(ks[0], (N, D), dtype=jnp.float32)
    inp['edge_index'] = jax.random.randint(ks[1], (2, E), 0, N, dtype=jnp.int32)
    s = 1.0 / np.sqrt(D)
    for i in range(3):
        inp['W%d' % i] = jax.random.uniform(ks[2 + i], (D, D), dtype=jnp.float32, minval=-s, maxval=s)
        inp['b%d' % i] = jnp.zeros((D,), dtype=jnp.float32)
    for i in range(2):
        inp['g%d' % i] = jnp.ones((D,), dtype=jnp.float32)
        inp['be%d' % i] = jnp.zeros((D,), dtype=jnp.float32)
    return inp

def _gcn_conv(x, edge_index, W, b):
    # PyG GCNConv with flow='target_to_source', add_self_loops=True, improved=False
    loops = jnp.arange(N, dtype=edge_index.dtype)
    ei = jnp.concatenate([edge_index, jnp.stack([loops, loops])], axis=1)
    row, col = ei[0], ei[1]
    # gcn_norm: deg index is `row` for target_to_source flow
    deg = jax.ops.segment_sum(jnp.ones(ei.shape[1], dtype=x.dtype), row, num_segments=N)
    dinv = jnp.where(deg > 0, 1.0 / jnp.sqrt(deg), 0.0)
    norm = dinv[row] * dinv[col]
    xw = x @ W
    msg = norm[:, None] * jnp.take(xw, col, axis=0)
    out = jnp.zeros((N, D), dtype=x.dtype).at[row].add(msg)
    return out + b

def _layer_norm(x, g, b):
    mu = jnp.mean(x, axis=-1, keepdims=True)
    var = jnp.mean((x - mu) ** 2, axis=-1, keepdims=True)
    return (x - mu) / jnp.sqrt(var + 1e-5) * g + b

def reference(x, edge_index, W0, b0, W1, b1, W2, b2, g0, be0, g1, be1):
    Ws = [W0, W1, W2]
    bs = [b0, b1, b2]
    gs = [g0, g1]
    bes = [be0, be1]
    emb = None
    for i in range(3):
        conv_out = _gcn_conv(x, edge_index, Ws[i], bs[i])
        x = x + conv_out  # skip_connection=True
        emb = x
        x = jax.nn.relu(x)
        # dropout: eval mode -> identity
        if i != 2:
            x = _layer_norm(x, gs[i], bes[i])
    return (emb, x)

if __name__ == "__main__":
    import jax
    _d = setup_inputs()
    print(jax.jit(kernel)(*tuple(_d.values())))

</pallas_src>

<mosaic_0001>
#map = affine_map<(d0, d1) -> (0, 0)>
#map1 = affine_map<(d0, d1) -> (0)>
module attributes {stable_mosaic.version = 14 : i64} {
  func.func @_edge_body(%arg0: i32, %arg1: i32, %arg2: memref<10000x128xf32, #tpu.memory_space<hbm>>, %arg3: memref<323584xi32, #tpu.memory_space<hbm>>, %arg4: memref<323584xi32, #tpu.memory_space<hbm>>, %arg5: memref<10000x128xf32, #tpu.memory_space<hbm>>, %arg6: memref<10000x128xf32, #tpu.memory_space<hbm>>, %arg7: memref<10000x128xf32, #tpu.memory_space<hbm>>, %arg8: memref<10112xi32, #tpu.memory_space<vmem>>, %arg9: memref<128xi32, #tpu.memory_space<vmem>>, %arg10: memref<128xi32, #tpu.memory_space<vmem>>, %arg11: memref<128x128xf32, #tpu.memory_space<vmem>>, %arg12: memref<128x128xf32, #tpu.memory_space<vmem>>, %arg13: memref<!tpu.dma_semaphore, #tpu.memory_space<semaphore_mem>>, %arg14: memref<!tpu.dma_semaphore, #tpu.memory_space<semaphore_mem>>, %arg15: memref<!tpu.dma_semaphore, #tpu.memory_space<semaphore_mem>>, %arg16: memref<!tpu.dma_semaphore, #tpu.memory_space<semaphore_mem>>, %arg17: memref<10016x128xf32, #tpu.memory_space<vmem_shared>>) attributes {dimension_semantics = [#tpu.dimension_semantics<core_parallel>, #tpu.dimension_semantics<subcore_parallel>], iteration_bounds = array<i64: 2, 16>, scalar_prefetch = 0 : i64, scratch_operands = 10 : i64, tpu.core_type = #tpu.core_type<sc_vector_subcore>, window_params = [{transform_indices = #map}, {transform_indices = #map1}, {transform_indices = #map1}, {transform_indices = #map}, {transform_indices = #map}, {transform_indices = #map}]} {
    %mul3A = arith.constant 2 : i32
    %mul3A_0 = arith.muli %arg1, %mul3A : i32
    %add3A = arith.addi %mul3A_0, %arg0 : i32
    %mul3A_1 = arith.constant 10112 : i32
    %mul3A_2 = arith.muli %add3A, %mul3A_1 : i32
    %lt3A = arith.constant 15 : i32
    %lt3A_3 = arith.cmpi slt, %arg1, %lt3A : i32
    %convert_element_type3A = arith.extui %lt3A_3 : i1 to i32
    %cond3A = arith.constant 0 : i32
    %cond3A_4 = arith.cmpi ne, %convert_element_type3A, %cond3A : i32
    scf.if %cond3A_4 {
      %mul3A_37 = arith.constant 632 : i32
      %mul3A_38 = arith.muli %arg1, %mul3A_37 : i32
      %mul3A_39 = arith.constant 632 : i32
      %mul3A_40 = arith.muli %arg1, %mul3A_39 : i32
      "tpu.region"() ({
        %run_scoped3A = tpu.sem_alloc : memref<!tpu.dma_semaphore, #tpu.memory_space<semaphore_mem>>
        %dma_start3A_41 = arith.constant 0 : i32
        %dma_start3A_42 = tpu.memref_slice %arg17[%mul3A_40, %dma_start3A_41] : memref<10016x128xf32, #tpu.memory_space<vmem_shared>> -> memref<632x128xf32, #tpu.memory_space<vmem_shared>>
        %dma_start3A_43 = arith.constant 0 : i32
        %dma_start3A_44 = tpu.memref_slice %arg5[%mul3A_38, %dma_start3A_43] : memref<10000x128xf32, #tpu.memory_space<hbm>> -> memref<632x128xf32, #tpu.memory_space<hbm>>
        tpu.enqueue_dma source(%dma_start3A_44 : memref<632x128xf32, #tpu.memory_space<hbm>>) target(%dma_start3A_42 : memref<632x128xf32, #tpu.memory_space<vmem_shared>>) target_semaphore(%run_scoped3A : memref<!tpu.dma_semaphore, #tpu.memory_space<semaphore_mem>>)
        %dma_wait3A_45 = arith.constant 0 : i32
        %dma_wait3A_46 = tpu.memref_slice %arg17[%mul3A_40, %dma_wait3A_45] : memref<10016x128xf32, #tpu.memory_space<vmem_shared>> -> memref<632x128xf32, #tpu.memory_space<vmem_shared>>
        %dma_wait3A_47 = arith.constant 0 : i32
        %dma_wait3A_48 = tpu.memref_slice %arg5[%mul3A_38, %dma_wait3A_47] : memref<10000x128xf32, #tpu.memory_space<hbm>> -> memref<632x128xf32, #tpu.memory_space<hbm>>
        tpu.wait_dma2 semaphore(%run_scoped3A : memref<!tpu.dma_semaphore, #tpu.memory_space<semaphore_mem>>) src(%dma_wait3A_48 : memref<632x128xf32, #tpu.memory_space<hbm>>) dst(%dma_wait3A_46 : memref<632x128xf32, #tpu.memory_space<vmem_shared>>)
        tpu.yield
      }) : () -> ()
    } else {
    }
    %eq3A = arith.constant 15 : i32
    %eq3A_5 = arith.cmpi eq, %arg1, %eq3A : i32
    %convert_element_type3A_6 = arith.extui %eq3A_5 : i1 to i32
    %cond3A_7 = arith.constant 0 : i32
    %cond3A_8 = arith.cmpi ne, %convert_element_type3A_6, %cond3A_7 : i32
    scf.if %cond3A_8 {
      "tpu.region"() ({
        %run_scoped3A = tpu.sem_alloc : memref<!tpu.dma_semaphore, #tpu.memory_space<semaphore_mem>>
        %dma_start3A_37 = arith.constant 9480 : i32
        %dma_start3A_38 = arith.constant 0 : i32
        %dma_start3A_39 = tpu.memref_slice %arg17[%dma_start3A_37, %dma_start3A_38] : memref<10016x128xf32, #tpu.memory_space<vmem_shared>> -> memref<520x128xf32, #tpu.memory_space<vmem_shared>>
        %dma_start3A_40 = arith.constant 9480 : i32
        %dma_start3A_41 = arith.constant 0 : i32
        %dma_start3A_42 = tpu.memref_slice %arg5[%dma_start3A_40, %dma_start3A_41] : memref<10000x128xf32, #tpu.memory_space<hbm>> -> memref<520x128xf32, #tpu.memory_space<hbm>>
        tpu.enqueue_dma source(%dma_start3A_42 : memref<520x128xf32, #tpu.memory_space<hbm>>) target(%dma_start3A_39 : memref<520x128xf32, #tpu.memory_space<vmem_shared>>) target_semaphore(%run_scoped3A : memref<!tpu.dma_semaphore, #tpu.memory_space<semaphore_mem>>)
        %dma_wait3A_43 = arith.constant 9480 : i32
        %dma_wait3A_44 = arith.constant 0 : i32
        %dma_wait3A_45 = tpu.memref_slice %arg17[%dma_wait3A_43, %dma_wait3A_44] : memref<10016x128xf32, #tpu.memory_space<vmem_shared>> -> memref<520x128xf32, #tpu.memory_space<vmem_shared>>
        %dma_wait3A_46 = arith.constant 9480 : i32
        %dma_wait3A_47 = arith.constant 0 : i32
        %dma_wait3A_48 = tpu.memref_slice %arg5[%dma_wait3A_46, %dma_wait3A_47] : memref<10000x128xf32, #tpu.memory_space<hbm>> -> memref<520x128xf32, #tpu.memory_space<hbm>>
        tpu.wait_dma2 semaphore(%run_scoped3A : memref<!tpu.dma_semaphore, #tpu.memory_space<semaphore_mem>>) src(%dma_wait3A_48 : memref<520x128xf32, #tpu.memory_space<hbm>>) dst(%dma_wait3A_45 : memref<520x128xf32, #tpu.memory_space<vmem_shared>>)
        tpu.yield
      }) : () -> ()
    } else {
    }
    "tpu.region"() ({
      %run_scoped3A = tpu.sem_alloc : memref<!tpu.dma_semaphore, #tpu.memory_space<semaphore_mem>>
      %dma_start3A_37 = tpu.memref_slice %arg4[%mul3A_2] : memref<323584xi32, #tpu.memory_space<hbm>> -> memref<10112xi32, #tpu.memory_space<hbm>>
      %dma_start3A_38 = tpu.memref_slice %arg4[%mul3A_2] : memref<323584xi32, #tpu.memory_space<hbm>> -> memref<10112xi32, #tpu.memory_space<hbm>>
      tpu.enqueue_dma source(%dma_start3A_38 : memref<10112xi32, #tpu.memory_space<hbm>>) target(%arg8 : memref<10112xi32, #tpu.memory_space<vmem>>) target_semaphore(%run_scoped3A : memref<!tpu.dma_semaphore, #tpu.memory_space<semaphore_mem>>)
      %dma_wait3A_39 = tpu.memref_slice %arg4[%mul3A_2] : memref<323584xi32, #tpu.memory_space<hbm>> -> memref<10112xi32, #tpu.memory_space<hbm>>
      %dma_wait3A_40 = tpu.memref_slice %arg4[%mul3A_2] : memref<323584xi32, #tpu.memory_space<hbm>> -> memref<10112xi32, #tpu.memory_space<hbm>>
      tpu.wait_dma2 semaphore(%run_scoped3A : memref<!tpu.dma_semaphore, #tpu.memory_space<semaphore_mem>>) src(%dma_wait3A_40 : memref<10112xi32, #tpu.memory_space<hbm>>) dst(%arg8 : memref<10112xi32, #tpu.memory_space<vmem>>)
      tpu.yield
    }) : () -> ()
    %barrier3A = arith.constant 0 : index
    tpu.barrier barrier_id(%barrier3A)
    %dma_start3A = tpu.memref_slice %arg3[%mul3A_2] : memref<323584xi32, #tpu.memory_space<hbm>> -> memref<128xi32, #tpu.memory_space<hbm>>
    %dma_start3A_9 = tpu.memref_slice %arg3[%mul3A_2] : memref<323584xi32, #tpu.memory_space<hbm>> -> memref<128xi32, #tpu.memory_space<hbm>>
    tpu.enqueue_dma source(%dma_start3A_9 : memref<128xi32, #tpu.memory_space<hbm>>) target(%arg9 : memref<128xi32, #tpu.memory_space<vmem>>) target_semaphore(%arg13 : memref<!tpu.dma_semaphore, #tpu.memory_space<semaphore_mem>>)
    %dma_start3A_10 = arith.constant 0 : i32
    %dma_start3A_11 = tpu.memref_slice %arg8[%dma_start3A_10] : memref<10112xi32, #tpu.memory_space<vmem>> -> memref<128xi32, #tpu.memory_space<vmem>>
    %dma_start3A_12 = arith.constant 0 : i32
    %dma_start3A_13 = arith.constant 0 : i32
    %dma_start3A_14 = tpu.memref_slice %arg2[%dma_start3A_12, %dma_start3A_13] : memref<10000x128xf32, #tpu.memory_space<hbm>> -> memref<10000x128xf32, #tpu.memory_space<hbm>>
    tpu.enqueue_indirect_dma source(%dma_start3A_14 : memref<10000x128xf32, #tpu.memory_space<hbm>>) target(%arg11 : memref<128x128xf32, #tpu.memory_space<vmem>>) offsets(%dma_start3A_11 : memref<128xi32, #tpu.memory_space<vmem>>) semaphore(%arg15 : memref<!tpu.dma_semaphore, #tpu.memory_space<semaphore_mem>>)
    %scan3A = arith.constant 0 : i32
    %scan3A_15 = arith.constant 0 : i32
    %scan3A_16 = arith.constant 39 : i32
    %scan3A_17 = arith.addi %scan3A_15, %scan3A_16 : i32
    %scan3A_18 = arith.constant 1 : i32
    scf.for %scan3A_37 = %scan3A_15 to %scan3A_17 step %scan3A_18  : i32 {
      %mul3A_38 = arith.constant 2 : i32
      %mul3A_39 = arith.muli %mul3A_38, %scan3A_37 : i32
      %add3A_40 = arith.constant 1 : i32
      %add3A_41 = arith.addi %mul3A_39, %add3A_40 : i32
      %mul3A_42 = arith.constant 128 : i32
      %mul3A_43 = arith.muli %add3A_41, %mul3A_42 : i32
      %add3A_44 = arith.addi %mul3A_2, %mul3A_43 : i32
      %dma_start3A_45 = tpu.memref_slice %arg3[%add3A_44] : memref<323584xi32, #tpu.memory_space<hbm>> -> memref<128xi32, #tpu.memory_space<hbm>>
      %dma_start3A_46 = tpu.memref_slice %arg3[%add3A_44] : memref<323584xi32, #tpu.memory_space<hbm>> -> memref<128xi32, #tpu.memory_space<hbm>>
      tpu.enqueue_dma source(%dma_start3A_46 : memref<128xi32, #tpu.memory_space<hbm>>) target(%arg10 : memref<128xi32, #tpu.memory_space<vmem>>) target_semaphore(%arg14 : memref<!tpu.dma_semaphore, #tpu.memory_space<semaphore_mem>>)
      %mul3A_47 = arith.constant 128 : i32
      %mul3A_48 = arith.muli %add3A_41, %mul3A_47 : i32
      %dma_start3A_49 = tpu.memref_slice %arg8[%mul3A_48] : memref<10112xi32, #tpu.memory_space<vmem>> -> memref<128xi32, #tpu.memory_space<vmem>>
      %dma_start3A_50 = arith.constant 0 : i32
      %dma_start3A_51 = arith.constant 0 : i32
      %dma_start3A_52 = tpu.memref_slice %arg2[%dma_start3A_50, %dma_start3A_51] : memref<10000x128xf32, #tpu.memory_space<hbm>> -> memref<10000x128xf32, #tpu.memory_space<hbm>>
      tpu.enqueue_indirect_dma source(%dma_start3A_52 : memref<10000x128xf32, #tpu.memory_space<hbm>>) target(%arg12 : memref<128x128xf32, #tpu.memory_space<vmem>>) offsets(%dma_start3A_49 : memref<128xi32, #tpu.memory_space<vmem>>) semaphore(%arg16 : memref<!tpu.dma_semaphore, #tpu.memory_space<semaphore_mem>>)
      %dma_wait3A_53 = arith.constant 0 : i32
      %dma_wait3A_54 = tpu.memref_slice %arg8[%dma_wait3A_53] : memref<10112xi32, #tpu.memory_space<vmem>> -> memref<128xi32, #tpu.memory_space<vmem>>
      %dma_wait3A_55 = arith.constant 0 : i32
      %dma_wait3A_56 = arith.constant 0 : i32
      %dma_wait3A_57 = tpu.memref_slice %arg2[%dma_wait3A_55, %dma_wait3A_56] : memref<10000x128xf32, #tpu.memory_space<hbm>> -> memref<10000x128xf32, #tpu.memory_space<hbm>>
      tpu.wait_indirect_dma semaphore(%arg15 : memref<!tpu.dma_semaphore, #tpu.memory_space<semaphore_mem>>) src(%dma_wait3A_57 : memref<10000x128xf32, #tpu.memory_space<hbm>>) dst(%arg11 : memref<128x128xf32, #tpu.memory_space<vmem>>)
      %dma_wait3A_58 = tpu.memref_slice %arg3[%mul3A_2] : memref<323584xi32, #tpu.memory_space<hbm>> -> memref<128xi32, #tpu.memory_space<hbm>>
      %dma_wait3A_59 = tpu.memref_slice %arg3[%mul3A_2] : memref<323584xi32, #tpu.memory_space<hbm>> -> memref<128xi32, #tpu.memory_space<hbm>>
      tpu.wait_dma2 semaphore(%arg13 : memref<!tpu.dma_semaphore, #tpu.memory_space<semaphore_mem>>) src(%dma_wait3A_59 : memref<128xi32, #tpu.memory_space<hbm>>) dst(%arg9 : memref<128xi32, #tpu.memory_space<vmem>>)
      "tpu.region"() ({
        %run_scoped3A = tpu.sem_alloc : memref<!tpu.dma_semaphore, #tpu.memory_space<semaphore_mem>>
        %dma_start3A_74 = arith.constant 0 : i32
        %dma_start3A_75 = arith.constant 0 : i32
        %dma_start3A_76 = tpu.memref_slice %arg17[%dma_start3A_74, %dma_start3A_75] : memref<10016x128xf32, #tpu.memory_space<vmem_shared>> -> memref<10016x128xf32, #tpu.memory_space<vmem_shared>>
        tpu.enqueue_indirect_dma source(%arg11 : memref<128x128xf32, #tpu.memory_space<vmem>>) target(%dma_start3A_76 : memref<10016x128xf32, #tpu.memory_space<vmem_shared>>) offsets(%arg9 : memref<128xi32, #tpu.memory_space<vmem>>) semaphore(%run_scoped3A : memref<!tpu.dma_semaphore, #tpu.memory_space<semaphore_mem>>) {add = true}
        %dma_wait3A_77 = arith.constant 0 : i32
        %dma_wait3A_78 = arith.constant 0 : i32
        %dma_wait3A_79 = tpu.memref_slice %arg17[%dma_wait3A_77, %dma_wait3A_78] : memref<10016x128xf32, #tpu.memory_space<vmem_shared>> -> memref<10016x128xf32, #tpu.memory_space<vmem_shared>>
        tpu.wait_indirect_dma semaphore(%run_scoped3A : memref<!tpu.dma_semaphore, #tpu.memory_space<semaphore_mem>>) src(%arg11 : memref<128x128xf32, #tpu.memory_space<vmem>>) dst(%dma_wait3A_79 : memref<10016x128xf32, #tpu.memory_space<vmem_shared>>)
        tpu.yield
      }) : () -> ()
      %add3A_60 = arith.constant 2 : i32
      %add3A_61 = arith.addi %mul3A_39, %add3A_60 : i32
      %lt3A_62 = arith.constant 79 : i32
      %lt3A_63 = arith.cmpi slt, %add3A_61, %lt3A_62 : i32
      %convert_element_type3A_64 = arith.extui %lt3A_63 : i1 to i32
      %cond3A_65 = arith.constant 0 : i32
      %cond3A_66 = arith.cmpi ne, %convert_element_type3A_64, %cond3A_65 : i32
      scf.if %cond3A_66 {
        %add3A_74 = arith.constant 2 : i32
        %add3A_75 = arith.addi %mul3A_39, %add3A_74 : i32
        %mul3A_76 = arith.constant 128 : i32
        %mul3A_77 = arith.muli %add3A_75, %mul3A_76 : i32
        %add3A_78 = arith.addi %mul3A_2, %mul3A_77 : i32
        %dma_start3A_79 = tpu.memref_slice %arg3[%add3A_78] : memref<323584xi32, #tpu.memory_space<hbm>> -> memref<128xi32, #tpu.memory_space<hbm>>
        %dma_start3A_80 = tpu.memref_slice %arg3[%add3A_78] : memref<323584xi32, #tpu.memory_space<hbm>> -> memref<128xi32, #tpu.memory_space<hbm>>
        tpu.enqueue_dma source(%dma_start3A_80 : memref<128xi32, #tpu.memory_space<hbm>>) target(%arg9 : memref<128xi32, #tpu.memory_space<vmem>>) target_semaphore(%arg13 : memref<!tpu.dma_semaphore, #tpu.memory_space<semaphore_mem>>)
        %add3A_81 = arith.constant 2 : i32
        %add3A_82 = arith.addi %mul3A_39, %add3A_81 : i32
        %mul3A_83 = arith.constant 128 : i32
        %mul3A_84 = arith.muli %add3A_82, %mul3A_83 : i32
        %dma_start3A_85 = tpu.memref_slice %arg8[%mul3A_84] : memref<10112xi32, #tpu.memory_space<vmem>> -> memref<128xi32, #tpu.memory_space<vmem>>
        %dma_start3A_86 = arith.constant 0 : i32
        %dma_start3A_87 = arith.constant 0 : i32
        %dma_start3A_88 = tpu.memref_slice %arg2[%dma_start3A_86, %dma_start3A_87] : memref<10000x128xf32, #tpu.memory_space<hbm>> -> memref<10000x128xf32, #tpu.memory_space<hbm>>
        tpu.enqueue_indirect_dma source(%dma_start3A_88 : memref<10000x128xf32, #tpu.memory_space<hbm>>) target(%arg11 : memref<128x128xf32, #tpu.memory_space<vmem>>) offsets(%dma_start3A_85 : memref<128xi32, #tpu.memory_space<vmem>>) semaphore(%arg15 : memref<!tpu.dma_semaphore, #tpu.memory_space<semaphore_mem>>)
      } else {
      }
      %dma_wait3A_67 = arith.constant 0 : i32
      %dma_wait3A_68 = tpu.memref_slice %arg8[%dma_wait3A_67] : memref<10112xi32, #tpu.memory_space<vmem>> -> memref<128xi32, #tpu.memory_space<vmem>>
      %dma_wait3A_69 = arith.constant 0 : i32
      %dma_wait3A_70 = arith.constant 0 : i32
      %dma_wait3A_71 = tpu.memref_slice %arg2[%dma_wait3A_69, %dma_wait3A_70] : memref<10000x128xf32, #tpu.memory_space<hbm>> -> memref<10000x128xf32, #tpu.memory_space<hbm>>
      tpu.wait_indirect_dma semaphore(%arg16 : memref<!tpu.dma_semaphore, #tpu.memory_space<semaphore_mem>>) src(%dma_wait3A_71 : memref<10000x128xf32, #tpu.memory_space<hbm>>) dst(%arg12 : memref<128x128xf32, #tpu.memory_space<vmem>>)
      %dma_wait3A_72 = tpu.memref_slice %arg3[%mul3A_2] : memref<323584xi32, #tpu.memory_space<hbm>> -> memref<128xi32, #tpu.memory_space<hbm>>
      %dma_wait3A_73 = tpu.memref_slice %arg3[%mul3A_2] : memref<323584xi32, #tpu.memory_space<hbm>> -> memref<128xi32, #tpu.memory_space<hbm>>
      tpu.wait_dma2 semaphore(%arg14 : memref<!tpu.dma_semaphore, #tpu.memory_space<semaphore_mem>>) src(%dma_wait3A_73 : memref<128xi32, #tpu.memory_space<hbm>>) dst(%arg10 : memref<128xi32, #tpu.memory_space<vmem>>)
      "tpu.region"() ({
        %run_scoped3A = tpu.sem_alloc : memref<!tpu.dma_semaphore, #tpu.memory_space<semaphore_mem>>
        %dma_start3A_74 = arith.constant 0 : i32
        %dma_start3A_75 = arith.constant 0 : i32
        %dma_start3A_76 = tpu.memref_slice %arg17[%dma_start3A_74, %dma_start3A_75] : memref<10016x128xf32, #tpu.memory_space<vmem_shared>> -> memref<10016x128xf32, #tpu.memory_space<vmem_shared>>
        tpu.enqueue_indirect_dma source(%arg12 : memref<128x128xf32, #tpu.memory_space<vmem>>) target(%dma_start3A_76 : memref<10016x128xf32, #tpu.memory_space<vmem_shared>>) offsets(%arg10 : memref<128xi32, #tpu.memory_space<vmem>>) semaphore(%run_scoped3A : memref<!tpu.dma_semaphore, #tpu.memory_space<semaphore_mem>>) {add = true}
        %dma_wait3A_77 = arith.constant 0 : i32
        %dma_wait3A_78 = arith.constant 0 : i32
        %dma_wait3A_79 = tpu.memref_slice %arg17[%dma_wait3A_77, %dma_wait3A_78] : memref<10016x128xf32, #tpu.memory_space<vmem_shared>> -> memref<10016x128xf32, #tpu.memory_space<vmem_shared>>
        tpu.wait_indirect_dma semaphore(%run_scoped3A : memref<!tpu.dma_semaphore, #tpu.memory_space<semaphore_mem>>) src(%arg12 : memref<128x128xf32, #tpu.memory_space<vmem>>) dst(%dma_wait3A_79 : memref<10016x128xf32, #tpu.memory_space<vmem_shared>>)
        tpu.yield
      }) : () -> ()
    }
    %scan3A_19 = arith.constant 39 : i32
    %dma_wait3A = arith.constant 0 : i32
    %dma_wait3A_20 = tpu.memref_slice %arg8[%dma_wait3A] : memref<10112xi32, #tpu.memory_space<vmem>> -> memref<128xi32, #tpu.memory_space<vmem>>
    %dma_wait3A_21 = arith.constant 0 : i32
    %dma_wait3A_22 = arith.constant 0 : i32
    %dma_wait3A_23 = tpu.memref_slice %arg2[%dma_wait3A_21, %dma_wait3A_22] : memref<10000x128xf32, #tpu.memory_space<hbm>> -> memref<10000x128xf32, #tpu.memory_space<hbm>>
    tpu.wait_indirect_dma semaphore(%arg15 : memref<!tpu.dma_semaphore, #tpu.memory_space<semaphore_mem>>) src(%dma_wait3A_23 : memref<10000x128xf32, #tpu.memory_space<hbm>>) dst(%arg11 : memref<128x128xf32, #tpu.memory_space<vmem>>)
    %dma_wait3A_24 = tpu.memref_slice %arg3[%mul3A_2] : memref<323584xi32, #tpu.memory_space<hbm>> -> memref<128xi32, #tpu.memory_space<hbm>>
    %dma_wait3A_25 = tpu.memref_slice %arg3[%mul3A_2] : memref<323584xi32, #tpu.memory_space<hbm>> -> memref<128xi32, #tpu.memory_space<hbm>>
    tpu.wait_dma2 semaphore(%arg13 : memref<!tpu.dma_semaphore, #tpu.memory_space<semaphore_mem>>) src(%dma_wait3A_25 : memref<128xi32, #tpu.memory_space<hbm>>) dst(%arg9 : memref<128xi32, #tpu.memory_space<vmem>>)
    "tpu.region"() ({
      %run_scoped3A = tpu.sem_alloc : memref<!tpu.dma_semaphore, #tpu.memory_space<semaphore_mem>>
      %dma_start3A_37 = arith.constant 0 : i32
      %dma_start3A_38 = arith.constant 0 : i32
      %dma_start3A_39 = tpu.memref_slice %arg17[%dma_start3A_37, %dma_start3A_38] : memref<10016x128xf32, #tpu.memory_space<vmem_shared>> -> memref<10016x128xf32, #tpu.memory_space<vmem_shared>>
      tpu.enqueue_indirect_dma source(%arg11 : memref<128x128xf32, #tpu.memory_space<vmem>>) target(%dma_start3A_39 : memref<10016x128xf32, #tpu.memory_space<vmem_shared>>) offsets(%arg9 : memref<128xi32, #tpu.memory_space<vmem>>) semaphore(%run_scoped3A : memref<!tpu.dma_semaphore, #tpu.memory_space<semaphore_mem>>) {add = true}
      %dma_wait3A_40 = arith.constant 0 : i32
      %dma_wait3A_41 = arith.constant 0 : i32
      %dma_wait3A_42 = tpu.memref_slice %arg17[%dma_wait3A_40, %dma_wait3A_41] : memref<10016x128xf32, #tpu.memory_space<vmem_shared>> -> memref<10016x128xf32, #tpu.memory_space<vmem_shared>>
      tpu.wait_indirect_dma semaphore(%run_scoped3A : memref<!tpu.dma_semaphore, #tpu.memory_space<semaphore_mem>>) src(%arg11 : memref<128x128xf32, #tpu.memory_space<vmem>>) dst(%dma_wait3A_42 : memref<10016x128xf32, #tpu.memory_space<vmem_shared>>)
      tpu.yield
    }) : () -> ()
    %barrier3A_26 = arith.constant 0 : index
    tpu.barrier barrier_id(%barrier3A_26)
    %eq3A_27 = arith.constant 0 : i32
    %eq3A_28 = arith.cmpi eq, %arg0, %eq3A_27 : i32
    %convert_element_type3A_29 = arith.extui %eq3A_28 : i1 to i32
    %cond3A_30 = arith.constant 0 : i32
    %cond3A_31 = arith.cmpi ne, %convert_element_type3A_29, %cond3A_30 : i32
    scf.if %cond3A_31 {
      %lt3A_37 = arith.constant 15 : i32
      %lt3A_38 = arith.cmpi slt, %arg1, %lt3A_37 : i32
      %convert_element_type3A_39 = arith.extui %lt3A_38 : i1 to i32
      %cond3A_40 = arith.constant 0 : i32
      %cond3A_41 = arith.cmpi ne, %convert_element_type3A_39, %cond3A_40 : i32
      scf.if %cond3A_41 {
        %mul3A_47 = arith.constant 632 : i32
        %mul3A_48 = arith.muli %arg1, %mul3A_47 : i32
        %mul3A_49 = arith.constant 632 : i32
        %mul3A_50 = arith.muli %arg1, %mul3A_49 : i32
        "tpu.region"() ({
          %run_scoped3A = tpu.sem_alloc : memref<!tpu.dma_semaphore, #tpu.memory_space<semaphore_mem>>
          %dma_start3A_51 = arith.constant 0 : i32
          %dma_start3A_52 = tpu.memref_slice %arg6[%mul3A_50, %dma_start3A_51] : memref<10000x128xf32, #tpu.memory_space<hbm>> -> memref<632x128xf32, #tpu.memory_space<hbm>>
          %dma_start3A_53 = arith.constant 0 : i32
          %dma_start3A_54 = tpu.memref_slice %arg17[%mul3A_48, %dma_start3A_53] : memref<10016x128xf32, #tpu.memory_space<vmem_shared>> -> memref<632x128xf32, #tpu.memory_space<vmem_shared>>
          tpu.enqueue_dma source(%dma_start3A_54 : memref<632x128xf32, #tpu.memory_space<vmem_shared>>) target(%dma_start3A_52 : memref<632x128xf32, #tpu.memory_space<hbm>>) target_semaphore(%run_scoped3A : memref<!tpu.dma_semaphore, #tpu.memory_space<semaphore_mem>>)
          %dma_wait3A_55 = arith.constant 0 : i32
          %dma_wait3A_56 = tpu.memref_slice %arg6[%mul3A_50, %dma_wait3A_55] : memref<10000x128xf32, #tpu.memory_space<hbm>> -> memref<632x128xf32, #tpu.memory_space<hbm>>
          %dma_wait3A_57 = arith.constant 0 : i32
          %dma_wait3A_58 = tpu.memref_slice %arg17[%mul3A_48, %dma_wait3A_57] : memref<10016x128xf32, #tpu.memory_space<vmem_shared>> -> memref<632x128xf32, #tpu.memory_space<vmem_shared>>
          tpu.wait_dma2 semaphore(%run_scoped3A : memref<!tpu.dma_semaphore, #tpu.memory_space<semaphore_mem>>) src(%dma_wait3A_58 : memref<632x128xf32, #tpu.memory_space<vmem_shared>>) dst(%dma_wait3A_56 : memref<632x128xf32, #tpu.memory_space<hbm>>)
          tpu.yield
        }) : () -> ()
      } else {
      }
      %eq3A_42 = arith.constant 15 : i32
      %eq3A_43 = arith.cmpi eq, %arg1, %eq3A_42 : i32
      %convert_element_type3A_44 = arith.extui %eq3A_43 : i1 to i32
      %cond3A_45 = arith.constant 0 : i32
      %cond3A_46 = arith.cmpi ne, %convert_element_type3A_44, %cond3A_45 : i32
      scf.if %cond3A_46 {
        "tpu.region"() ({
          %run_scoped3A = tpu.sem_alloc : memref<!tpu.dma_semaphore, #tpu.memory_space<semaphore_mem>>
          %dma_start3A_47 = arith.constant 9480 : i32
          %dma_start3A_48 = arith.constant 0 : i32
          %dma_start3A_49 = tpu.memref_slice %arg6[%dma_start3A_47, %dma_start3A_48] : memref<10000x128xf32, #tpu.memory_space<hbm>> -> memref<520x128xf32, #tpu.memory_space<hbm>>
          %dma_start3A_50 = arith.constant 9480 : i32
          %dma_start3A_51 = arith.constant 0 : i32
          %dma_start3A_52 = tpu.memref_slice %arg17[%dma_start3A_50, %dma_start3A_51] : memref<10016x128xf32, #tpu.memory_space<vmem_shared>> -> memref<520x128xf32, #tpu.memory_space<vmem_shared>>
          tpu.enqueue_dma source(%dma_start3A_52 : memref<520x128xf32, #tpu.memory_space<vmem_shared>>) target(%dma_start3A_49 : memref<520x128xf32, #tpu.memory_space<hbm>>) target_semaphore(%run_scoped3A : memref<!tpu.dma_semaphore, #tpu.memory_space<semaphore_mem>>)
          %dma_wait3A_53 = arith.constant 9480 : i32
          %dma_wait3A_54 = arith.constant 0 : i32
          %dma_wait3A_55 = tpu.memref_slice %arg6[%dma_wait3A_53, %dma_wait3A_54] : memref<10000x128xf32, #tpu.memory_space<hbm>> -> memref<520x128xf32, #tpu.memory_space<hbm>>
          %dma_wait3A_56 = arith.constant 9480 : i32
          %dma_wait3A_57 = arith.constant 0 : i32
          %dma_wait3A_58 = tpu.memref_slice %arg17[%dma_wait3A_56, %dma_wait3A_57] : memref<10016x128xf32, #tpu.memory_space<vmem_shared>> -> memref<520x128xf32, #tpu.memory_space<vmem_shared>>
          tpu.wait_dma2 semaphore(%run_scoped3A : memref<!tpu.dma_semaphore, #tpu.memory_space<semaphore_mem>>) src(%dma_wait3A_58 : memref<520x128xf32, #tpu.memory_space<vmem_shared>>) dst(%dma_wait3A_55 : memref<520x128xf32, #tpu.memory_space<hbm>>)
          tpu.yield
        }) : () -> ()
      } else {
      }
    } else {
    }
    %eq3A_32 = arith.constant 1 : i32
    %eq3A_33 = arith.cmpi eq, %arg0, %eq3A_32 : i32
    %convert_element_type3A_34 = arith.extui %eq3A_33 : i1 to i32
    %cond3A_35 = arith.constant 0 : i32
    %cond3A_36 = arith.cmpi ne, %convert_element_type3A_34, %cond3A_35 : i32
    scf.if %cond3A_36 {
      %lt3A_37 = arith.constant 15 : i32
      %lt3A_38 = arith.cmpi slt, %arg1, %lt3A_37 : i32
      %convert_element_type3A_39 = arith.extui %lt3A_38 : i1 to i32
      %cond3A_40 = arith.constant 0 : i32
      %cond3A_41 = arith.cmpi ne, %convert_element_type3A_39, %cond3A_40 : i32
      scf.if %cond3A_41 {
        %mul3A_47 = arith.constant 632 : i32
        %mul3A_48 = arith.muli %arg1, %mul3A_47 : i32
        %mul3A_49 = arith.constant 632 : i32
        %mul3A_50 = arith.muli %arg1, %mul3A_49 : i32
        "tpu.region"() ({
          %run_scoped3A = tpu.sem_alloc : memref<!tpu.dma_semaphore, #tpu.memory_space<semaphore_mem>>
          %dma_start3A_51 = arith.constant 0 : i32
          %dma_start3A_52 = tpu.memref_slice %arg7[%mul3A_50, %dma_start3A_51] : memref<10000x128xf32, #tpu.memory_space<hbm>> -> memref<632x128xf32, #tpu.memory_space<hbm>>
          %dma_start3A_53 = arith.constant 0 : i32
          %dma_start3A_54 = tpu.memref_slice %arg17[%mul3A_48, %dma_start3A_53] : memref<10016x128xf32, #tpu.memory_space<vmem_shared>> -> memref<632x128xf32, #tpu.memory_space<vmem_shared>>
          tpu.enqueue_dma source(%dma_start3A_54 : memref<632x128xf32, #tpu.memory_space<vmem_shared>>) target(%dma_start3A_52 : memref<632x128xf32, #tpu.memory_space<hbm>>) target_semaphore(%run_scoped3A : memref<!tpu.dma_semaphore, #tpu.memory_space<semaphore_mem>>)
          %dma_wait3A_55 = arith.constant 0 : i32
          %dma_wait3A_56 = tpu.memref_slice %arg7[%mul3A_50, %dma_wait3A_55] : memref<10000x128xf32, #tpu.memory_space<hbm>> -> memref<632x128xf32, #tpu.memory_space<hbm>>
          %dma_wait3A_57 = arith.constant 0 : i32
          %dma_wait3A_58 = tpu.memref_slice %arg17[%mul3A_48, %dma_wait3A_57] : memref<10016x128xf32, #tpu.memory_space<vmem_shared>> -> memref<632x128xf32, #tpu.memory_space<vmem_shared>>
          tpu.wait_dma2 semaphore(%run_scoped3A : memref<!tpu.dma_semaphore, #tpu.memory_space<semaphore_mem>>) src(%dma_wait3A_58 : memref<632x128xf32, #tpu.memory_space<vmem_shared>>) dst(%dma_wait3A_56 : memref<632x128xf32, #tpu.memory_space<hbm>>)
          tpu.yield
        }) : () -> ()
      } else {
      }
      %eq3A_42 = arith.constant 15 : i32
      %eq3A_43 = arith.cmpi eq, %arg1, %eq3A_42 : i32
      %convert_element_type3A_44 = arith.extui %eq3A_43 : i1 to i32
      %cond3A_45 = arith.constant 0 : i32
      %cond3A_46 = arith.cmpi ne, %convert_element_type3A_44, %cond3A_45 : i32
      scf.if %cond3A_46 {
        "tpu.region"() ({
          %run_scoped3A = tpu.sem_alloc : memref<!tpu.dma_semaphore, #tpu.memory_space<semaphore_mem>>
          %dma_start3A_47 = arith.constant 9480 : i32
          %dma_start3A_48 = arith.constant 0 : i32
          %dma_start3A_49 = tpu.memref_slice %arg7[%dma_start3A_47, %dma_start3A_48] : memref<10000x128xf32, #tpu.memory_space<hbm>> -> memref<520x128xf32, #tpu.memory_space<hbm>>
          %dma_start3A_50 = arith.constant 9480 : i32
          %dma_start3A_51 = arith.constant 0 : i32
          %dma_start3A_52 = tpu.memref_slice %arg17[%dma_start3A_50, %dma_start3A_51] : memref<10016x128xf32, #tpu.memory_space<vmem_shared>> -> memref<520x128xf32, #tpu.memory_space<vmem_shared>>
          tpu.enqueue_dma source(%dma_start3A_52 : memref<520x128xf32, #tpu.memory_space<vmem_shared>>) target(%dma_start3A_49 : memref<520x128xf32, #tpu.memory_space<hbm>>) target_semaphore(%run_scoped3A : memref<!tpu.dma_semaphore, #tpu.memory_space<semaphore_mem>>)
          %dma_wait3A_53 = arith.constant 9480 : i32
          %dma_wait3A_54 = arith.constant 0 : i32
          %dma_wait3A_55 = tpu.memref_slice %arg7[%dma_wait3A_53, %dma_wait3A_54] : memref<10000x128xf32, #tpu.memory_space<hbm>> -> memref<520x128xf32, #tpu.memory_space<hbm>>
          %dma_wait3A_56 = arith.constant 9480 : i32
          %dma_wait3A_57 = arith.constant 0 : i32
          %dma_wait3A_58 = tpu.memref_slice %arg17[%dma_wait3A_56, %dma_wait3A_57] : memref<10016x128xf32, #tpu.memory_space<vmem_shared>> -> memref<520x128xf32, #tpu.memory_space<vmem_shared>>
          tpu.wait_dma2 semaphore(%run_scoped3A : memref<!tpu.dma_semaphore, #tpu.memory_space<semaphore_mem>>) src(%dma_wait3A_58 : memref<520x128xf32, #tpu.memory_space<vmem_shared>>) dst(%dma_wait3A_55 : memref<520x128xf32, #tpu.memory_space<hbm>>)
          tpu.yield
        }) : () -> ()
      } else {
      }
    } else {
    }
    return
  }
}

#map = affine_map<(d0, d1) -> (0)>
#map1 = affine_map<(d0, d1) -> (0, 0)>
module attributes {stable_mosaic.version = 14 : i64} {
  func.func @_deg_body(%arg0: i32, %arg1: i32, %arg2: memref<323584xi32, #tpu.memory_space<hbm>>, %arg3: memref<128x128xf32, #tpu.memory_space<hbm>>, %arg4: memref<10000x128xf32, #tpu.memory_space<hbm>>, %arg5: memref<10000x128xf32, #tpu.memory_space<hbm>>, %arg6: memref<10000x128xf32, #tpu.memory_space<hbm>>, %arg7: memref<128xi32, #tpu.memory_space<vmem>>, %arg8: memref<128xi32, #tpu.memory_space<vmem>>, %arg9: memref<128x128xf32, #tpu.memory_space<vmem>>, %arg10: memref<!tpu.dma_semaphore, #tpu.memory_space<semaphore_mem>>, %arg11: memref<!tpu.dma_semaphore, #tpu.memory_space<semaphore_mem>>, %arg12: memref<10016x128xf32, #tpu.memory_space<vmem_shared>>) attributes {dimension_semantics = [#tpu.dimension_semantics<core_parallel>, #tpu.dimension_semantics<subcore_parallel>], iteration_bounds = array<i64: 2, 16>, scalar_prefetch = 0 : i64, scratch_operands = 6 : i64, tpu.core_type = #tpu.core_type<sc_vector_subcore>, window_params = [{transform_indices = #map}, {transform_indices = #map1}, {transform_indices = #map1}, {transform_indices = #map1}, {transform_indices = #map1}]} {
    %mul3A = arith.constant 2 : i32
    %mul3A_0 = arith.muli %arg1, %mul3A : i32
    %add3A = arith.addi %mul3A_0, %arg0 : i32
    %mul3A_1 = arith.constant 10112 : i32
    %mul3A_2 = arith.muli %add3A, %mul3A_1 : i32
    %lt3A = arith.constant 15 : i32
    %lt3A_3 = arith.cmpi slt, %arg1, %lt3A : i32
    %convert_element_type3A = arith.extui %lt3A_3 : i1 to i32
    %cond3A = arith.constant 0 : i32
    %cond3A_4 = arith.cmpi ne, %convert_element_type3A, %cond3A : i32
    scf.if %cond3A_4 {
      %mul3A_27 = arith.constant 632 : i32
      %mul3A_28 = arith.muli %arg1, %mul3A_27 : i32
      %mul3A_29 = arith.constant 632 : i32
      %mul3A_30 = arith.muli %arg1, %mul3A_29 : i32
      "tpu.region"() ({
        %run_scoped3A = tpu.sem_alloc : memref<!tpu.dma_semaphore, #tpu.memory_space<semaphore_mem>>
        %dma_start3A_31 = arith.constant 0 : i32
        %dma_start3A_32 = tpu.memref_slice %arg12[%mul3A_30, %dma_start3A_31] : memref<10016x128xf32, #tpu.memory_space<vmem_shared>> -> memref<632x128xf32, #tpu.memory_space<vmem_shared>>
        %dma_start3A_33 = arith.constant 0 : i32
        %dma_start3A_34 = tpu.memref_slice %arg4[%mul3A_28, %dma_start3A_33] : memref<10000x128xf32, #tpu.memory_space<hbm>> -> memref<632x128xf32, #tpu.memory_space<hbm>>
        tpu.enqueue_dma source(%dma_start3A_34 : memref<632x128xf32, #tpu.memory_space<hbm>>) target(%dma_start3A_32 : memref<632x128xf32, #tpu.memory_space<vmem_shared>>) target_semaphore(%run_scoped3A : memref<!tpu.dma_semaphore, #tpu.memory_space<semaphore_mem>>)
        %dma_wait3A_35 = arith.constant 0 : i32
        %dma_wait3A_36 = tpu.memref_slice %arg12[%mul3A_30, %dma_wait3A_35] : memref<10016x128xf32, #tpu.memory_space<vmem_shared>> -> memref<632x128xf32, #tpu.memory_space<vmem_shared>>
        %dma_wait3A_37 = arith.constant 0 : i32
        %dma_wait3A_38 = tpu.memref_slice %arg4[%mul3A_28, %dma_wait3A_37] : memref<10000x128xf32, #tpu.memory_space<hbm>> -> memref<632x128xf32, #tpu.memory_space<hbm>>
        tpu.wait_dma2 semaphore(%run_scoped3A : memref<!tpu.dma_semaphore, #tpu.memory_space<semaphore_mem>>) src(%dma_wait3A_38 : memref<632x128xf32, #tpu.memory_space<hbm>>) dst(%dma_wait3A_36 : memref<632x128xf32, #tpu.memory_space<vmem_shared>>)
        tpu.yield
      }) : () -> ()
    } else {
    }
    %eq3A = arith.constant 15 : i32
    %eq3A_5 = arith.cmpi eq, %arg1, %eq3A : i32
    %convert_element_type3A_6 = arith.extui %eq3A_5 : i1 to i32
    %cond3A_7 = arith.constant 0 : i32
    %cond3A_8 = arith.cmpi ne, %convert_element_type3A_6, %cond3A_7 : i32
    scf.if %cond3A_8 {
      "tpu.region"() ({
        %run_scoped3A = tpu.sem_alloc : memref<!tpu.dma_semaphore, #tpu.memory_space<semaphore_mem>>
        %dma_start3A_27 = arith.constant 9480 : i32
        %dma_start3A_28 = arith.constant 0 : i32
        %dma_start3A_29 = tpu.memref_slice %arg12[%dma_start3A_27, %dma_start3A_28] : memref<10016x128xf32, #tpu.memory_space<vmem_shared>> -> memref<520x128xf32, #tpu.memory_space<vmem_shared>>
        %dma_start3A_30 = arith.constant 9480 : i32
        %dma_start3A_31 = arith.constant 0 : i32
        %dma_start3A_32 = tpu.memref_slice %arg4[%dma_start3A_30, %dma_start3A_31] : memref<10000x128xf32, #tpu.memory_space<hbm>> -> memref<520x128xf32, #tpu.memory_space<hbm>>
        tpu.enqueue_dma source(%dma_start3A_32 : memref<520x128xf32, #tpu.memory_space<hbm>>) target(%dma_start3A_29 : memref<520x128xf32, #tpu.memory_space<vmem_shared>>) target_semaphore(%run_scoped3A : memref<!tpu.dma_semaphore, #tpu.memory_space<semaphore_mem>>)
        %dma_wait3A_33 = arith.constant 9480 : i32
        %dma_wait3A_34 = arith.constant 0 : i32
        %dma_wait3A_35 = tpu.memref_slice %arg12[%dma_wait3A_33, %dma_wait3A_34] : memref<10016x128xf32, #tpu.memory_space<vmem_shared>> -> memref<520x128xf32, #tpu.memory_space<vmem_shared>>
        %dma_wait3A_36 = arith.constant 9480 : i32
        %dma_wait3A_37 = arith.constant 0 : i32
        %dma_wait3A_38 = tpu.memref_slice %arg4[%dma_wait3A_36, %dma_wait3A_37] : memref<10000x128xf32, #tpu.memory_space<hbm>> -> memref<520x128xf32, #tpu.memory_space<hbm>>
        tpu.wait_dma2 semaphore(%run_scoped3A : memref<!tpu.dma_semaphore, #tpu.memory_space<semaphore_mem>>) src(%dma_wait3A_38 : memref<520x128xf32, #tpu.memory_space<hbm>>) dst(%dma_wait3A_35 : memref<520x128xf32, #tpu.memory_space<vmem_shared>>)
        tpu.yield
      }) : () -> ()
    } else {
    }
    "tpu.region"() ({
      %run_scoped3A = tpu.sem_alloc : memref<!tpu.dma_semaphore, #tpu.memory_space<semaphore_mem>>
      tpu.enqueue_dma source(%arg3 : memref<128x128xf32, #tpu.memory_space<hbm>>) target(%arg9 : memref<128x128xf32, #tpu.memory_space<vmem>>) target_semaphore(%run_scoped3A : memref<!tpu.dma_semaphore, #tpu.memory_space<semaphore_mem>>)
      tpu.wait_dma2 semaphore(%run_scoped3A : memref<!tpu.dma_semaphore, #tpu.memory_space<semaphore_mem>>) src(%arg3 : memref<128x128xf32, #tpu.memory_space<hbm>>) dst(%arg9 : memref<128x128xf32, #tpu.memory_space<vmem>>)
      tpu.yield
    }) : () -> ()
    %barrier3A = arith.constant 0 : index
    tpu.barrier barrier_id(%barrier3A)
    %dma_start3A = tpu.memref_slice %arg2[%mul3A_2] : memref<323584xi32, #tpu.memory_space<hbm>> -> memref<128xi32, #tpu.memory_space<hbm>>
    %dma_start3A_9 = tpu.memref_slice %arg2[%mul3A_2] : memref<323584xi32, #tpu.memory_space<hbm>> -> memref<128xi32, #tpu.memory_space<hbm>>
    tpu.enqueue_dma source(%dma_start3A_9 : memref<128xi32, #tpu.memory_space<hbm>>) target(%arg7 : memref<128xi32, #tpu.memory_space<vmem>>) target_semaphore(%arg10 : memref<!tpu.dma_semaphore, #tpu.memory_space<semaphore_mem>>)
    %scan3A = arith.constant 0 : i32
    %scan3A_10 = arith.constant 0 : i32
    %scan3A_11 = arith.constant 39 : i32
    %scan3A_12 = arith.addi %scan3A_10, %scan3A_11 : i32
    %scan3A_13 = arith.constant 1 : i32
    scf.for %scan3A_27 = %scan3A_10 to %scan3A_12 step %scan3A_13  : i32 {
      %mul3A_28 = arith.constant 2 : i32
      %mul3A_29 = arith.muli %mul3A_28, %scan3A_27 : i32
      %add3A_30 = arith.constant 1 : i32
      %add3A_31 = arith.addi %mul3A_29, %add3A_30 : i32
      %mul3A_32 = arith.constant 128 : i32
      %mul3A_33 = arith.muli %add3A_31, %mul3A_32 : i32
      %add3A_34 = arith.addi %mul3A_2, %mul3A_33 : i32
      %dma_start3A_35 = tpu.memref_slice %arg2[%add3A_34] : memref<323584xi32, #tpu.memory_space<hbm>> -> memref<128xi32, #tpu.memory_space<hbm>>
      %dma_start3A_36 = tpu.memref_slice %arg2[%add3A_34] : memref<323584xi32, #tpu.memory_space<hbm>> -> memref<128xi32, #tpu.memory_space<hbm>>
      tpu.enqueue_dma source(%dma_start3A_36 : memref<128xi32, #tpu.memory_space<hbm>>) target(%arg8 : memref<128xi32, #tpu.memory_space<vmem>>) target_semaphore(%arg11 : memref<!tpu.dma_semaphore, #tpu.memory_space<semaphore_mem>>)
      %dma_wait3A_37 = tpu.memref_slice %arg2[%mul3A_2] : memref<323584xi32, #tpu.memory_space<hbm>> -> memref<128xi32, #tpu.memory_space<hbm>>
      %dma_wait3A_38 = tpu.memref_slice %arg2[%mul3A_2] : memref<323584xi32, #tpu.memory_space<hbm>> -> memref<128xi32, #tpu.memory_space<hbm>>
      tpu.wait_dma2 semaphore(%arg10 : memref<!tpu.dma_semaphore, #tpu.memory_space<semaphore_mem>>) src(%dma_wait3A_38 : memref<128xi32, #tpu.memory_space<hbm>>) dst(%arg7 : memref<128xi32, #tpu.memory_space<vmem>>)
      "tpu.region"() ({
        %run_scoped3A = tpu.sem_alloc : memref<!tpu.dma_semaphore, #tpu.memory_space<semaphore_mem>>
        %dma_start3A_48 = arith.constant 0 : i32
        %dma_start3A_49 = arith.constant 0 : i32
        %dma_start3A_50 = tpu.memref_slice %arg12[%dma_start3A_48, %dma_start3A_49] : memref<10016x128xf32, #tpu.memory_space<vmem_shared>> -> memref<10016x128xf32, #tpu.memory_space<vmem_shared>>
        tpu.enqueue_indirect_dma source(%arg9 : memref<128x128xf32, #tpu.memory_space<vmem>>) target(%dma_start3A_50 : memref<10016x128xf32, #tpu.memory_space<vmem_shared>>) offsets(%arg7 : memref<128xi32, #tpu.memory_space<vmem>>) semaphore(%run_scoped3A : memref<!tpu.dma_semaphore, #tpu.memory_space<semaphore_mem>>) {add = true}
        %dma_wait3A_51 = arith.constant 0 : i32
        %dma_wait3A_52 = arith.constant 0 : i32
        %dma_wait3A_53 = tpu.memref_slice %arg12[%dma_wait3A_51, %dma_wait3A_52] : memref<10016x128xf32, #tpu.memory_space<vmem_shared>> -> memref<10016x128xf32, #tpu.memory_space<vmem_shared>>
        tpu.wait_indirect_dma semaphore(%run_scoped3A : memref<!tpu.dma_semaphore, #tpu.memory_space<semaphore_mem>>) src(%arg9 : memref<128x128xf32, #tpu.memory_space<vmem>>) dst(%dma_wait3A_53 : memref<10016x128xf32, #tpu.memory_space<vmem_shared>>)
        tpu.yield
      }) : () -> ()
      %add3A_39 = arith.constant 2 : i32
      %add3A_40 = arith.addi %mul3A_29, %add3A_39 : i32
      %lt3A_41 = arith.constant 79 : i32
      %lt3A_42 = arith.cmpi slt, %add3A_40, %lt3A_41 : i32
      %convert_element_type3A_43 = arith.extui %lt3A_42 : i1 to i32
      %cond3A_44 = arith.constant 0 : i32
      %cond3A_45 = arith.cmpi ne, %convert_element_type3A_43, %cond3A_44 : i32
      scf.if %cond3A_45 {
        %add3A_48 = arith.constant 2 : i32
        %add3A_49 = arith.addi %mul3A_29, %add3A_48 : i32
        %mul3A_50 = arith.constant 128 : i32
        %mul3A_51 = arith.muli %add3A_49, %mul3A_50 : i32
        %add3A_52 = arith.addi %mul3A_2, %mul3A_51 : i32
        %dma_start3A_53 = tpu.memref_slice %arg2[%add3A_52] : memref<323584xi32, #tpu.memory_space<hbm>> -> memref<128xi32, #tpu.memory_space<hbm>>
        %dma_start3A_54 = tpu.memref_slice %arg2[%add3A_52] : memref<323584xi32, #tpu.memory_space<hbm>> -> memref<128xi32, #tpu.memory_space<hbm>>
        tpu.enqueue_dma source(%dma_start3A_54 : memref<128xi32, #tpu.memory_space<hbm>>) target(%arg7 : memref<128xi32, #tpu.memory_space<vmem>>) target_semaphore(%arg10 : memref<!tpu.dma_semaphore, #tpu.memory_space<semaphore_mem>>)
      } else {
      }
      %dma_wait3A_46 = tpu.memref_slice %arg2[%mul3A_2] : memref<323584xi32, #tpu.memory_space<hbm>> -> memref<128xi32, #tpu.memory_space<hbm>>
      %dma_wait3A_47 = tpu.memref_slice %arg2[%mul3A_2] : memref<323584xi32, #tpu.memory_space<hbm>> -> memref<128xi32, #tpu.memory_space<hbm>>
      tpu.wait_dma2 semaphore(%arg11 : memref<!tpu.dma_semaphore, #tpu.memory_space<semaphore_mem>>) src(%dma_wait3A_47 : memref<128xi32, #tpu.memory_space<hbm>>) dst(%arg8 : memref<128xi32, #tpu.memory_space<vmem>>)
      "tpu.region"() ({
        %run_scoped3A = tpu.sem_alloc : memref<!tpu.dma_semaphore, #tpu.memory_space<semaphore_mem>>
        %dma_start3A_48 = arith.constant 0 : i32
        %dma_start3A_49 = arith.constant 0 : i32
        %dma_start3A_50 = tpu.memref_slice %arg12[%dma_start3A_48, %dma_start3A_49] : memref<10016x128xf32, #tpu.memory_space<vmem_shared>> -> memref<10016x128xf32, #tpu.memory_space<vmem_shared>>
        tpu.enqueue_indirect_dma source(%arg9 : memref<128x128xf32, #tpu.memory_space<vmem>>) target(%dma_start3A_50 : memref<10016x128xf32, #tpu.memory_space<vmem_shared>>) offsets(%arg8 : memref<128xi32, #tpu.memory_space<vmem>>) semaphore(%run_scoped3A : memref<!tpu.dma_semaphore, #tpu.memory_space<semaphore_mem>>) {add = true}
        %dma_wait3A_51 = arith.constant 0 : i32
        %dma_wait3A_52 = arith.constant 0 : i32
        %dma_wait3A_53 = tpu.memref_slice %arg12[%dma_wait3A_51, %dma_wait3A_52] : memref<10016x128xf32, #tpu.memory_space<vmem_shared>> -> memref<10016x128xf32, #tpu.memory_space<vmem_shared>>
        tpu.wait_indirect_dma semaphore(%run_scoped3A : memref<!tpu.dma_semaphore, #tpu.memory_space<semaphore_mem>>) src(%arg9 : memref<128x128xf32, #tpu.memory_space<vmem>>) dst(%dma_wait3A_53 : memref<10016x128xf32, #tpu.memory_space<vmem_shared>>)
        tpu.yield
      }) : () -> ()
    }
    %scan3A_14 = arith.constant 39 : i32
    %dma_wait3A = tpu.memref_slice %arg2[%mul3A_2] : memref<323584xi32, #tpu.memory_space<hbm>> -> memref<128xi32, #tpu.memory_space<hbm>>
    %dma_wait3A_15 = tpu.memref_slice %arg2[%mul3A_2] : memref<323584xi32, #tpu.memory_space<hbm>> -> memref<128xi32, #tpu.memory_space<hbm>>
    tpu.wait_dma2 semaphore(%arg10 : memref<!tpu.dma_semaphore, #tpu.memory_space<semaphore_mem>>) src(%dma_wait3A_15 : memref<128xi32, #tpu.memory_space<hbm>>) dst(%arg7 : memref<128xi32, #tpu.memory_space<vmem>>)
    "tpu.region"() ({
      %run_scoped3A = tpu.sem_alloc : memref<!tpu.dma_semaphore, #tpu.memory_space<semaphore_mem>>
      %dma_start3A_27 = arith.constant 0 : i32
      %dma_start3A_28 = arith.constant 0 : i32
      %dma_start3A_29 = tpu.memref_slice %arg12[%dma_start3A_27, %dma_start3A_28] : memref<10016x128xf32, #tpu.memory_space<vmem_shared>> -> memref<10016x128xf32, #tpu.memory_space<vmem_shared>>
      tpu.enqueue_indirect_dma source(%arg9 : memref<128x128xf32, #tpu.memory_space<vmem>>) target(%dma_start3A_29 : memref<10016x128xf32, #tpu.memory_space<vmem_shared>>) offsets(%arg7 : memref<128xi32, #tpu.memory_space<vmem>>) semaphore(%run_scoped3A : memref<!tpu.dma_semaphore, #tpu.memory_space<semaphore_mem>>) {add = true}
      %dma_wait3A_30 = arith.constant 0 : i32
      %dma_wait3A_31 = arith.constant 0 : i32
      %dma_wait3A_32 = tpu.memref_slice %arg12[%dma_wait3A_30, %dma_wait3A_31] : memref<10016x128xf32, #tpu.memory_space<vmem_shared>> -> memref<10016x128xf32, #tpu.memory_space<vmem_shared>>
      tpu.wait_indirect_dma semaphore(%run_scoped3A : memref<!tpu.dma_semaphore, #tpu.memory_space<semaphore_mem>>) src(%arg9 : memref<128x128xf32, #tpu.memory_space<vmem>>) dst(%dma_wait3A_32 : memref<10016x128xf32, #tpu.memory_space<vmem_shared>>)
      tpu.yield
    }) : () -> ()
    %barrier3A_16 = arith.constant 0 : index
    tpu.barrier barrier_id(%barrier3A_16)
    %eq3A_17 = arith.constant 0 : i32
    %eq3A_18 = arith.cmpi eq, %arg0, %eq3A_17 : i32
    %convert_element_type3A_19 = arith.extui %eq3A_18 : i1 to i32
    %cond3A_20 = arith.constant 0 : i32
    %cond3A_21 = arith.cmpi ne, %convert_element_type3A_19, %cond3A_20 : i32
    scf.if %cond3A_21 {
      %lt3A_27 = arith.constant 15 : i32
      %lt3A_28 = arith.cmpi slt, %arg1, %lt3A_27 : i32
      %convert_element_type3A_29 = arith.extui %lt3A_28 : i1 to i32
      %cond3A_30 = arith.constant 0 : i32
      %cond3A_31 = arith.cmpi ne, %convert_element_type3A_29, %cond3A_30 : i32
      scf.if %cond3A_31 {
        %mul3A_37 = arith.constant 632 : i32
        %mul3A_38 = arith.muli %arg1, %mul3A_37 : i32
        %mul3A_39 = arith.constant 632 : i32
        %mul3A_40 = arith.muli %arg1, %mul3A_39 : i32
        "tpu.region"() ({
          %run_scoped3A = tpu.sem_alloc : memref<!tpu.dma_semaphore, #tpu.memory_space<semaphore_mem>>
          %dma_start3A_41 = arith.constant 0 : i32
          %dma_start3A_42 = tpu.memref_slice %arg5[%mul3A_40, %dma_start3A_41] : memref<10000x128xf32, #tpu.memory_space<hbm>> -> memref<632x128xf32, #tpu.memory_space<hbm>>
          %dma_start3A_43 = arith.constant 0 : i32
          %dma_start3A_44 = tpu.memref_slice %arg12[%mul3A_38, %dma_start3A_43] : memref<10016x128xf32, #tpu.memory_space<vmem_shared>> -> memref<632x128xf32, #tpu.memory_space<vmem_shared>>
          tpu.enqueue_dma source(%dma_start3A_44 : memref<632x128xf32, #tpu.memory_space<vmem_shared>>) target(%dma_start3A_42 : memref<632x128xf32, #tpu.memory_space<hbm>>) target_semaphore(%run_scoped3A : memref<!tpu.dma_semaphore, #tpu.memory_space<semaphore_mem>>)
          %dma_wait3A_45 = arith.constant 0 : i32
          %dma_wait3A_46 = tpu.memref_slice %arg5[%mul3A_40, %dma_wait3A_45] : memref<10000x128xf32, #tpu.memory_space<hbm>> -> memref<632x128xf32, #tpu.memory_space<hbm>>
          %dma_wait3A_47 = arith.constant 0 : i32
          %dma_wait3A_48 = tpu.memref_slice %arg12[%mul3A_38, %dma_wait3A_47] : memref<10016x128xf32, #tpu.memory_space<vmem_shared>> -> memref<632x128xf32, #tpu.memory_space<vmem_shared>>
          tpu.wait_dma2 semaphore(%run_scoped3A : memref<!tpu.dma_semaphore, #tpu.memory_space<semaphore_mem>>) src(%dma_wait3A_48 : memref<632x128xf32, #tpu.memory_space<vmem_shared>>) dst(%dma_wait3A_46 : memref<632x128xf32, #tpu.memory_space<hbm>>)
          tpu.yield
        }) : () -> ()
      } else {
      }
      %eq3A_32 = arith.constant 15 : i32
      %eq3A_33 = arith.cmpi eq, %arg1, %eq3A_32 : i32
      %convert_element_type3A_34 = arith.extui %eq3A_33 : i1 to i32
      %cond3A_35 = arith.constant 0 : i32
      %cond3A_36 = arith.cmpi ne, %convert_element_type3A_34, %cond3A_35 : i32
      scf.if %cond3A_36 {
        "tpu.region"() ({
          %run_scoped3A = tpu.sem_alloc : memref<!tpu.dma_semaphore, #tpu.memory_space<semaphore_mem>>
          %dma_start3A_37 = arith.constant 9480 : i32
          %dma_start3A_38 = arith.constant 0 : i32
          %dma_start3A_39 = tpu.memref_slice %arg5[%dma_start3A_37, %dma_start3A_38] : memref<10000x128xf32, #tpu.memory_space<hbm>> -> memref<520x128xf32, #tpu.memory_space<hbm>>
          %dma_start3A_40 = arith.constant 9480 : i32
          %dma_start3A_41 = arith.constant 0 : i32
          %dma_start3A_42 = tpu.memref_slice %arg12[%dma_start3A_40, %dma_start3A_41] : memref<10016x128xf32, #tpu.memory_space<vmem_shared>> -> memref<520x128xf32, #tpu.memory_space<vmem_shared>>
          tpu.enqueue_dma source(%dma_start3A_42 : memref<520x128xf32, #tpu.memory_space<vmem_shared>>) target(%dma_start3A_39 : memref<520x128xf32, #tpu.memory_space<hbm>>) target_semaphore(%run_scoped3A : memref<!tpu.dma_semaphore, #tpu.memory_space<semaphore_mem>>)
          %dma_wait3A_43 = arith.constant 9480 : i32
          %dma_wait3A_44 = arith.constant 0 : i32
          %dma_wait3A_45 = tpu.memref_slice %arg5[%dma_wait3A_43, %dma_wait3A_44] : memref<10000x128xf32, #tpu.memory_space<hbm>> -> memref<520x128xf32, #tpu.memory_space<hbm>>
          %dma_wait3A_46 = arith.constant 9480 : i32
          %dma_wait3A_47 = arith.constant 0 : i32
          %dma_wait3A_48 = tpu.memref_slice %arg12[%dma_wait3A_46, %dma_wait3A_47] : memref<10016x128xf32, #tpu.memory_space<vmem_shared>> -> memref<520x128xf32, #tpu.memory_space<vmem_shared>>
          tpu.wait_dma2 semaphore(%run_scoped3A : memref<!tpu.dma_semaphore, #tpu.memory_space<semaphore_mem>>) src(%dma_wait3A_48 : memref<520x128xf32, #tpu.memory_space<vmem_shared>>) dst(%dma_wait3A_45 : memref<520x128xf32, #tpu.memory_space<hbm>>)
          tpu.yield
        }) : () -> ()
      } else {
      }
    } else {
    }
    %eq3A_22 = arith.constant 1 : i32
    %eq3A_23 = arith.cmpi eq, %arg0, %eq3A_22 : i32
    %convert_element_type3A_24 = arith.extui %eq3A_23 : i1 to i32
    %cond3A_25 = arith.constant 0 : i32
    %cond3A_26 = arith.cmpi ne, %convert_element_type3A_24, %cond3A_25 : i32
    scf.if %cond3A_26 {
      %lt3A_27 = arith.constant 15 : i32
      %lt3A_28 = arith.cmpi slt, %arg1, %lt3A_27 : i32
      %convert_element_type3A_29 = arith.extui %lt3A_28 : i1 to i32
      %cond3A_30 = arith.constant 0 : i32
      %cond3A_31 = arith.cmpi ne, %convert_element_type3A_29, %cond3A_30 : i32
      scf.if %cond3A_31 {
        %mul3A_37 = arith.constant 632 : i32
        %mul3A_38 = arith.muli %arg1, %mul3A_37 : i32
        %mul3A_39 = arith.constant 632 : i32
        %mul3A_40 = arith.muli %arg1, %mul3A_39 : i32
        "tpu.region"() ({
          %run_scoped3A = tpu.sem_alloc : memref<!tpu.dma_semaphore, #tpu.memory_space<semaphore_mem>>
          %dma_start3A_41 = arith.constant 0 : i32
          %dma_start3A_42 = tpu.memref_slice %arg6[%mul3A_40, %dma_start3A_41] : memref<10000x128xf32, #tpu.memory_space<hbm>> -> memref<632x128xf32, #tpu.memory_space<hbm>>
          %dma_start3A_43 = arith.constant 0 : i32
          %dma_start3A_44 = tpu.memref_slice %arg12[%mul3A_38, %dma_start3A_43] : memref<10016x128xf32, #tpu.memory_space<vmem_shared>> -> memref<632x128xf32, #tpu.memory_space<vmem_shared>>
          tpu.enqueue_dma source(%dma_start3A_44 : memref<632x128xf32, #tpu.memory_space<vmem_shared>>) target(%dma_start3A_42 : memref<632x128xf32, #tpu.memory_space<hbm>>) target_semaphore(%run_scoped3A : memref<!tpu.dma_semaphore, #tpu.memory_space<semaphore_mem>>)
          %dma_wait3A_45 = arith.constant 0 : i32
          %dma_wait3A_46 = tpu.memref_slice %arg6[%mul3A_40, %dma_wait3A_45] : memref<10000x128xf32, #tpu.memory_space<hbm>> -> memref<632x128xf32, #tpu.memory_space<hbm>>
          %dma_wait3A_47 = arith.constant 0 : i32
          %dma_wait3A_48 = tpu.memref_slice %arg12[%mul3A_38, %dma_wait3A_47] : memref<10016x128xf32, #tpu.memory_space<vmem_shared>> -> memref<632x128xf32, #tpu.memory_space<vmem_shared>>
          tpu.wait_dma2 semaphore(%run_scoped3A : memref<!tpu.dma_semaphore, #tpu.memory_space<semaphore_mem>>) src(%dma_wait3A_48 : memref<632x128xf32, #tpu.memory_space<vmem_shared>>) dst(%dma_wait3A_46 : memref<632x128xf32, #tpu.memory_space<hbm>>)
          tpu.yield
        }) : () -> ()
      } else {
      }
      %eq3A_32 = arith.constant 15 : i32
      %eq3A_33 = arith.cmpi eq, %arg1, %eq3A_32 : i32
      %convert_element_type3A_34 = arith.extui %eq3A_33 : i1 to i32
      %cond3A_35 = arith.constant 0 : i32
      %cond3A_36 = arith.cmpi ne, %convert_element_type3A_34, %cond3A_35 : i32
      scf.if %cond3A_36 {
        "tpu.region"() ({
          %run_scoped3A = tpu.sem_alloc : memref<!tpu.dma_semaphore, #tpu.memory_space<semaphore_mem>>
          %dma_start3A_37 = arith.constant 9480 : i32
          %dma_start3A_38 = arith.constant 0 : i32
          %dma_start3A_39 = tpu.memref_slice %arg6[%dma_start3A_37, %dma_start3A_38] : memref<10000x128xf32, #tpu.memory_space<hbm>> -> memref<520x128xf32, #tpu.memory_space<hbm>>
          %dma_start3A_40 = arith.constant 9480 : i32
          %dma_start3A_41 = arith.constant 0 : i32
          %dma_start3A_42 = tpu.memref_slice %arg12[%dma_start3A_40, %dma_start3A_41] : memref<10016x128xf32, #tpu.memory_space<vmem_shared>> -> memref<520x128xf32, #tpu.memory_space<vmem_shared>>
          tpu.enqueue_dma source(%dma_start3A_42 : memref<520x128xf32, #tpu.memory_space<vmem_shared>>) target(%dma_start3A_39 : memref<520x128xf32, #tpu.memory_space<hbm>>) target_semaphore(%run_scoped3A : memref<!tpu.dma_semaphore, #tpu.memory_space<semaphore_mem>>)
          %dma_wait3A_43 = arith.constant 9480 : i32
          %dma_wait3A_44 = arith.constant 0 : i32
          %dma_wait3A_45 = tpu.memref_slice %arg6[%dma_wait3A_43, %dma_wait3A_44] : memref<10000x128xf32, #tpu.memory_space<hbm>> -> memref<520x128xf32, #tpu.memory_space<hbm>>
          %dma_wait3A_46 = arith.constant 9480 : i32
          %dma_wait3A_47 = arith.constant 0 : i32
          %dma_wait3A_48 = tpu.memref_slice %arg12[%dma_wait3A_46, %dma_wait3A_47] : memref<10016x128xf32, #tpu.memory_space<vmem_shared>> -> memref<520x128xf32, #tpu.memory_space<vmem_shared>>
          tpu.wait_dma2 semaphore(%run_scoped3A : memref<!tpu.dma_semaphore, #tpu.memory_space<semaphore_mem>>) src(%dma_wait3A_48 : memref<520x128xf32, #tpu.memory_space<vmem_shared>>) dst(%dma_wait3A_45 : memref<520x128xf32, #tpu.memory_space<hbm>>)
          tpu.yield
        }) : () -> ()
      } else {
      }
    } else {
    }
    return
  }
}

#map = affine_map<(d0, d1) -> (0, 0)>
#map1 = affine_map<(d0, d1) -> (0)>
module attributes {stable_mosaic.version = 14 : i64} {
  func.func @_edge_body(%arg0: i32, %arg1: i32, %arg2: memref<10000x128xf32, #tpu.memory_space<hbm>>, %arg3: memref<323584xi32, #tpu.memory_space<hbm>>, %arg4: memref<323584xi32, #tpu.memory_space<hbm>>, %arg5: memref<10000x128xf32, #tpu.memory_space<hbm>>, %arg6: memref<10000x128xf32, #tpu.memory_space<hbm>>, %arg7: memref<10000x128xf32, #tpu.memory_space<hbm>>, %arg8: memref<10112xi32, #tpu.memory_space<vmem>>, %arg9: memref<128xi32, #tpu.memory_space<vmem>>, %arg10: memref<128xi32, #tpu.memory_space<vmem>>, %arg11: memref<128x128xf32, #tpu.memory_space<vmem>>, %arg12: memref<128x128xf32, #tpu.memory_space<vmem>>, %arg13: memref<!tpu.dma_semaphore, #tpu.memory_space<semaphore_mem>>, %arg14: memref<!tpu.dma_semaphore, #tpu.memory_space<semaphore_mem>>, %arg15: memref<!tpu.dma_semaphore, #tpu.memory_space<semaphore_mem>>, %arg16: memref<!tpu.dma_semaphore, #tpu.memory_space<semaphore_mem>>, %arg17: memref<10016x128xf32, #tpu.memory_space<vmem_shared>>) attributes {dimension_semantics = [#tpu.dimension_semantics<core_parallel>, #tpu.dimension_semantics<subcore_parallel>], iteration_bounds = array<i64: 2, 16>, scalar_prefetch = 0 : i64, scratch_operands = 10 : i64, tpu.core_type = #tpu.core_type<sc_vector_subcore>, window_params = [{transform_indices = #map}, {transform_indices = #map1}, {transform_indices = #map1}, {transform_indices = #map}, {transform_indices = #map}, {transform_indices = #map}]} {
    %mul3A = arith.constant 2 : i32
    %mul3A_0 = arith.muli %arg1, %mul3A : i32
    %add3A = arith.addi %mul3A_0, %arg0 : i32
    %mul3A_1 = arith.constant 10112 : i32
    %mul3A_2 = arith.muli %add3A, %mul3A_1 : i32
    %lt3A = arith.constant 15 : i32
    %lt3A_3 = arith.cmpi slt, %arg1, %lt3A : i32
    %convert_element_type3A = arith.extui %lt3A_3 : i1 to i32
    %cond3A = arith.constant 0 : i32
    %cond3A_4 = arith.cmpi ne, %convert_element_type3A, %cond3A : i32
    scf.if %cond3A_4 {
      %mul3A_37 = arith.constant 632 : i32
      %mul3A_38 = arith.muli %arg1, %mul3A_37 : i32
      %mul3A_39 = arith.constant 632 : i32
      %mul3A_40 = arith.muli %arg1, %mul3A_39 : i32
      "tpu.region"() ({
        %run_scoped3A = tpu.sem_alloc : memref<!tpu.dma_semaphore, #tpu.memory_space<semaphore_mem>>
        %dma_start3A_41 = arith.constant 0 : i32
        %dma_start3A_42 = tpu.memref_slice %arg17[%mul3A_40, %dma_start3A_41] : memref<10016x128xf32, #tpu.memory_space<vmem_shared>> -> memref<632x128xf32, #tpu.memory_space<vmem_shared>>
        %dma_start3A_43 = arith.constant 0 : i32
        %dma_start3A_44 = tpu.memref_slice %arg5[%mul3A_38, %dma_start3A_43] : memref<10000x128xf32, #tpu.memory_space<hbm>> -> memref<632x128xf32, #tpu.memory_space<hbm>>
        tpu.enqueue_dma source(%dma_start3A_44 : memref<632x128xf32, #tpu.memory_space<hbm>>) target(%dma_start3A_42 : memref<632x128xf32, #tpu.memory_space<vmem_shared>>) target_semaphore(%run_scoped3A : memref<!tpu.dma_semaphore, #tpu.memory_space<semaphore_mem>>)
        %dma_wait3A_45 = arith.constant 0 : i32
        %dma_wait3A_46 = tpu.memref_slice %arg17[%mul3A_40, %dma_wait3A_45] : memref<10016x128xf32, #tpu.memory_space<vmem_shared>> -> memref<632x128xf32, #tpu.memory_space<vmem_shared>>
        %dma_wait3A_47 = arith.constant 0 : i32
        %dma_wait3A_48 = tpu.memref_slice %arg5[%mul3A_38, %dma_wait3A_47] : memref<10000x128xf32, #tpu.memory_space<hbm>> -> memref<632x128xf32, #tpu.memory_space<hbm>>
        tpu.wait_dma2 semaphore(%run_scoped3A : memref<!tpu.dma_semaphore, #tpu.memory_space<semaphore_mem>>) src(%dma_wait3A_48 : memref<632x128xf32, #tpu.memory_space<hbm>>) dst(%dma_wait3A_46 : memref<632x128xf32, #tpu.memory_space<vmem_shared>>)
        tpu.yield
      }) : () -> ()
    } else {
    }
    %eq3A = arith.constant 15 : i32
    %eq3A_5 = arith.cmpi eq, %arg1, %eq3A : i32
    %convert_element_type3A_6 = arith.extui %eq3A_5 : i1 to i32
    %cond3A_7 = arith.constant 0 : i32
    %cond3A_8 = arith.cmpi ne, %convert_element_type3A_6, %cond3A_7 : i32
    scf.if %cond3A_8 {
      "tpu.region"() ({
        %run_scoped3A = tpu.sem_alloc : memref<!tpu.dma_semaphore, #tpu.memory_space<semaphore_mem>>
        %dma_start3A_37 = arith.constant 9480 : i32
        %dma_start3A_38 = arith.constant 0 : i32
        %dma_start3A_39 = tpu.memref_slice %arg17[%dma_start3A_37, %dma_start3A_38] : memref<10016x128xf32, #tpu.memory_space<vmem_shared>> -> memref<520x128xf32, #tpu.memory_space<vmem_shared>>
        %dma_start3A_40 = arith.constant 9480 : i32
        %dma_start3A_41 = arith.constant 0 : i32
        %dma_start3A_42 = tpu.memref_slice %arg5[%dma_start3A_40, %dma_start3A_41] : memref<10000x128xf32, #tpu.memory_space<hbm>> -> memref<520x128xf32, #tpu.memory_space<hbm>>
        tpu.enqueue_dma source(%dma_start3A_42 : memref<520x128xf32, #tpu.memory_space<hbm>>) target(%dma_start3A_39 : memref<520x128xf32, #tpu.memory_space<vmem_shared>>) target_semaphore(%run_scoped3A : memref<!tpu.dma_semaphore, #tpu.memory_space<semaphore_mem>>)
        %dma_wait3A_43 = arith.constant 9480 : i32
        %dma_wait3A_44 = arith.constant 0 : i32
        %dma_wait3A_45 = tpu.memref_slice %arg17[%dma_wait3A_43, %dma_wait3A_44] : memref<10016x128xf32, #tpu.memory_space<vmem_shared>> -> memref<520x128xf32, #tpu.memory_space<vmem_shared>>
        %dma_wait3A_46 = arith.constant 9480 : i32
        %dma_wait3A_47 = arith.constant 0 : i32
        %dma_wait3A_48 = tpu.memref_slice %arg5[%dma_wait3A_46, %dma_wait3A_47] : memref<10000x128xf32, #tpu.memory_space<hbm>> -> memref<520x128xf32, #tpu.memory_space<hbm>>
        tpu.wait_dma2 semaphore(%run_scoped3A : memref<!tpu.dma_semaphore, #tpu.memory_space<semaphore_mem>>) src(%dma_wait3A_48 : memref<520x128xf32, #tpu.memory_space<hbm>>) dst(%dma_wait3A_45 : memref<520x128xf32, #tpu.memory_space<vmem_shared>>)
        tpu.yield
      }) : () -> ()
    } else {
    }
    "tpu.region"() ({
      %run_scoped3A = tpu.sem_alloc : memref<!tpu.dma_semaphore, #tpu.memory_space<semaphore_mem>>
      %dma_start3A_37 = tpu.memref_slice %arg4[%mul3A_2] : memref<323584xi32, #tpu.memory_space<hbm>> -> memref<10112xi32, #tpu.memory_space<hbm>>
      %dma_start3A_38 = tpu.memref_slice %arg4[%mul3A_2] : memref<323584xi32, #tpu.memory_space<hbm>> -> memref<10112xi32, #tpu.memory_space<hbm>>
      tpu.enqueue_dma source(%dma_start3A_38 : memref<10112xi32, #tpu.memory_space<hbm>>) target(%arg8 : memref<10112xi32, #tpu.memory_space<vmem>>) target_semaphore(%run_scoped3A : memref<!tpu.dma_semaphore, #tpu.memory_space<semaphore_mem>>)
      %dma_wait3A_39 = tpu.memref_slice %arg4[%mul3A_2] : memref<323584xi32, #tpu.memory_space<hbm>> -> memref<10112xi32, #tpu.memory_space<hbm>>
      %dma_wait3A_40 = tpu.memref_slice %arg4[%mul3A_2] : memref<323584xi32, #tpu.memory_space<hbm>> -> memref<10112xi32, #tpu.memory_space<hbm>>
      tpu.wait_dma2 semaphore(%run_scoped3A : memref<!tpu.dma_semaphore, #tpu.memory_space<semaphore_mem>>) src(%dma_wait3A_40 : memref<10112xi32, #tpu.memory_space<hbm>>) dst(%arg8 : memref<10112xi32, #tpu.memory_space<vmem>>)
      tpu.yield
    }) : () -> ()
    %barrier3A = arith.constant 0 : index
    tpu.barrier barrier_id(%barrier3A)
    %dma_start3A = tpu.memref_slice %arg3[%mul3A_2] : memref<323584xi32, #tpu.memory_space<hbm>> -> memref<128xi32, #tpu.memory_space<hbm>>
    %dma_start3A_9 = tpu.memref_slice %arg3[%mul3A_2] : memref<323584xi32, #tpu.memory_space<hbm>> -> memref<128xi32, #tpu.memory_space<hbm>>
    tpu.enqueue_dma source(%dma_start3A_9 : memref<128xi32, #tpu.memory_space<hbm>>) target(%arg9 : memref<128xi32, #tpu.memory_space<vmem>>) target_semaphore(%arg13 : memref<!tpu.dma_semaphore, #tpu.memory_space<semaphore_mem>>)
    %dma_start3A_10 = arith.constant 0 : i32
    %dma_start3A_11 = tpu.memref_slice %arg8[%dma_start3A_10] : memref<10112xi32, #tpu.memory_space<vmem>> -> memref<128xi32, #tpu.memory_space<vmem>>
    %dma_start3A_12 = arith.constant 0 : i32
    %dma_start3A_13 = arith.constant 0 : i32
    %dma_start3A_14 = tpu.memref_slice %arg2[%dma_start3A_12, %dma_start3A_13] : memref<10000x128xf32, #tpu.memory_space<hbm>> -> memref<10000x128xf32, #tpu.memory_space<hbm>>
    tpu.enqueue_indirect_dma source(%dma_start3A_14 : memref<10000x128xf32, #tpu.memory_space<hbm>>) target(%arg11 : memref<128x128xf32, #tpu.memory_space<vmem>>) offsets(%dma_start3A_11 : memref<128xi32, #tpu.memory_space<vmem>>) semaphore(%arg15 : memref<!tpu.dma_semaphore, #tpu.memory_space<semaphore_mem>>)
    %scan3A = arith.constant 0 : i32
    %scan3A_15 = arith.constant 0 : i32
    %scan3A_16 = arith.constant 39 : i32
    %scan3A_17 = arith.addi %scan3A_15, %scan3A_16 : i32
    %scan3A_18 = arith.constant 1 : i32
    scf.for %scan3A_37 = %scan3A_15 to %scan3A_17 step %scan3A_18  : i32 {
      %mul3A_38 = arith.constant 2 : i32
      %mul3A_39 = arith.muli %mul3A_38, %scan3A_37 : i32
      %add3A_40 = arith.constant 1 : i32
      %add3A_41 = arith.addi %mul3A_39, %add3A_40 : i32
      %mul3A_42 = arith.constant 128 : i32
      %mul3A_43 = arith.muli %add3A_41, %mul3A_42 : i32
      %add3A_44 = arith.addi %mul3A_2, %mul3A_43 : i32
      %dma_start3A_45 = tpu.memref_slice %arg3[%add3A_44] : memref<323584xi32, #tpu.memory_space<hbm>> -> memref<128xi32, #tpu.memory_space<hbm>>
      %dma_start3A_46 = tpu.memref_slice %arg3[%add3A_44] : memref<323584xi32, #tpu.memory_space<hbm>> -> memref<128xi32, #tpu.memory_space<hbm>>
      tpu.enqueue_dma source(%dma_start3A_46 : memref<128xi32, #tpu.memory_space<hbm>>) target(%arg10 : memref<128xi32, #tpu.memory_space<vmem>>) target_semaphore(%arg14 : memref<!tpu.dma_semaphore, #tpu.memory_space<semaphore_mem>>)
      %mul3A_47 = arith.constant 128 : i32
      %mul3A_48 = arith.muli %add3A_41, %mul3A_47 : i32
      %dma_start3A_49 = tpu.memref_slice %arg8[%mul3A_48] : memref<10112xi32, #tpu.memory_space<vmem>> -> memref<128xi32, #tpu.memory_space<vmem>>
      %dma_start3A_50 = arith.constant 0 : i32
      %dma_start3A_51 = arith.constant 0 : i32
      %dma_start3A_52 = tpu.memref_slice %arg2[%dma_start3A_50, %dma_start3A_51] : memref<10000x128xf32, #tpu.memory_space<hbm>> -> memref<10000x128xf32, #tpu.memory_space<hbm>>
      tpu.enqueue_indirect_dma source(%dma_start3A_52 : memref<10000x128xf32, #tpu.memory_space<hbm>>) target(%arg12 : memref<128x128xf32, #tpu.memory_space<vmem>>) offsets(%dma_start3A_49 : memref<128xi32, #tpu.memory_space<vmem>>) semaphore(%arg16 : memref<!tpu.dma_semaphore, #tpu.memory_space<semaphore_mem>>)
      %dma_wait3A_53 = arith.constant 0 : i32
      %dma_wait3A_54 = tpu.memref_slice %arg8[%dma_wait3A_53] : memref<10112xi32, #tpu.memory_space<vmem>> -> memref<128xi32, #tpu.memory_space<vmem>>
      %dma_wait3A_55 = arith.constant 0 : i32
      %dma_wait3A_56 = arith.constant 0 : i32
      %dma_wait3A_57 = tpu.memref_slice %arg2[%dma_wait3A_55, %dma_wait3A_56] : memref<10000x128xf32, #tpu.memory_space<hbm>> -> memref<10000x128xf32, #tpu.memory_space<hbm>>
      tpu.wait_indirect_dma semaphore(%arg15 : memref<!tpu.dma_semaphore, #tpu.memory_space<semaphore_mem>>) src(%dma_wait3A_57 : memref<10000x128xf32, #tpu.memory_space<hbm>>) dst(%arg11 : memref<128x128xf32, #tpu.memory_space<vmem>>)
      %dma_wait3A_58 = tpu.memref_slice %arg3[%mul3A_2] : memref<323584xi32, #tpu.memory_space<hbm>> -> memref<128xi32, #tpu.memory_space<hbm>>
      %dma_wait3A_59 = tpu.memref_slice %arg3[%mul3A_2] : memref<323584xi32, #tpu.memory_space<hbm>> -> memref<128xi32, #tpu.memory_space<hbm>>
      tpu.wait_dma2 semaphore(%arg13 : memref<!tpu.dma_semaphore, #tpu.memory_space<semaphore_mem>>) src(%dma_wait3A_59 : memref<128xi32, #tpu.memory_space<hbm>>) dst(%arg9 : memref<128xi32, #tpu.memory_space<vmem>>)
      "tpu.region"() ({
        %run_scoped3A = tpu.sem_alloc : memref<!tpu.dma_semaphore, #tpu.memory_space<semaphore_mem>>
        %dma_start3A_74 = arith.constant 0 : i32
        %dma_start3A_75 = arith.constant 0 : i32
        %dma_start3A_76 = tpu.memref_slice %arg17[%dma_start3A_74, %dma_start3A_75] : memref<10016x128xf32, #tpu.memory_space<vmem_shared>> -> memref<10016x128xf32, #tpu.memory_space<vmem_shared>>
        tpu.enqueue_indirect_dma source(%arg11 : memref<128x128xf32, #tpu.memory_space<vmem>>) target(%dma_start3A_76 : memref<10016x128xf32, #tpu.memory_space<vmem_shared>>) offsets(%arg9 : memref<128xi32, #tpu.memory_space<vmem>>) semaphore(%run_scoped3A : memref<!tpu.dma_semaphore, #tpu.memory_space<semaphore_mem>>) {add = true}
        %dma_wait3A_77 = arith.constant 0 : i32
        %dma_wait3A_78 = arith.constant 0 : i32
        %dma_wait3A_79 = tpu.memref_slice %arg17[%dma_wait3A_77, %dma_wait3A_78] : memref<10016x128xf32, #tpu.memory_space<vmem_shared>> -> memref<10016x128xf32, #tpu.memory_space<vmem_shared>>
        tpu.wait_indirect_dma semaphore(%run_scoped3A : memref<!tpu.dma_semaphore, #tpu.memory_space<semaphore_mem>>) src(%arg11 : memref<128x128xf32, #tpu.memory_space<vmem>>) dst(%dma_wait3A_79 : memref<10016x128xf32, #tpu.memory_space<vmem_shared>>)
        tpu.yield
      }) : () -> ()
      %add3A_60 = arith.constant 2 : i32
      %add3A_61 = arith.addi %mul3A_39, %add3A_60 : i32
      %lt3A_62 = arith.constant 79 : i32
      %lt3A_63 = arith.cmpi slt, %add3A_61, %lt3A_62 : i32
      %convert_element_type3A_64 = arith.extui %lt3A_63 : i1 to i32
      %cond3A_65 = arith.constant 0 : i32
      %cond3A_66 = arith.cmpi ne, %convert_element_type3A_64, %cond3A_65 : i32
      scf.if %cond3A_66 {
        %add3A_74 = arith.constant 2 : i32
        %add3A_75 = arith.addi %mul3A_39, %add3A_74 : i32
        %mul3A_76 = arith.constant 128 : i32
        %mul3A_77 = arith.muli %add3A_75, %mul3A_76 : i32
        %add3A_78 = arith.addi %mul3A_2, %mul3A_77 : i32
        %dma_start3A_79 = tpu.memref_slice %arg3[%add3A_78] : memref<323584xi32, #tpu.memory_space<hbm>> -> memref<128xi32, #tpu.memory_space<hbm>>
        %dma_start3A_80 = tpu.memref_slice %arg3[%add3A_78] : memref<323584xi32, #tpu.memory_space<hbm>> -> memref<128xi32, #tpu.memory_space<hbm>>
        tpu.enqueue_dma source(%dma_start3A_80 : memref<128xi32, #tpu.memory_space<hbm>>) target(%arg9 : memref<128xi32, #tpu.memory_space<vmem>>) target_semaphore(%arg13 : memref<!tpu.dma_semaphore, #tpu.memory_space<semaphore_mem>>)
        %add3A_81 = arith.constant 2 : i32
        %add3A_82 = arith.addi %mul3A_39, %add3A_81 : i32
        %mul3A_83 = arith.constant 128 : i32
        %mul3A_84 = arith.muli %add3A_82, %mul3A_83 : i32
        %dma_start3A_85 = tpu.memref_slice %arg8[%mul3A_84] : memref<10112xi32, #tpu.memory_space<vmem>> -> memref<128xi32, #tpu.memory_space<vmem>>
        %dma_start3A_86 = arith.constant 0 : i32
        %dma_start3A_87 = arith.constant 0 : i32
        %dma_start3A_88 = tpu.memref_slice %arg2[%dma_start3A_86, %dma_start3A_87] : memref<10000x128xf32, #tpu.memory_space<hbm>> -> memref<10000x128xf32, #tpu.memory_space<hbm>>
        tpu.enqueue_indirect_dma source(%dma_start3A_88 : memref<10000x128xf32, #tpu.memory_space<hbm>>) target(%arg11 : memref<128x128xf32, #tpu.memory_space<vmem>>) offsets(%dma_start3A_85 : memref<128xi32, #tpu.memory_space<vmem>>) semaphore(%arg15 : memref<!tpu.dma_semaphore, #tpu.memory_space<semaphore_mem>>)
      } else {
      }
      %dma_wait3A_67 = arith.constant 0 : i32
      %dma_wait3A_68 = tpu.memref_slice %arg8[%dma_wait3A_67] : memref<10112xi32, #tpu.memory_space<vmem>> -> memref<128xi32, #tpu.memory_space<vmem>>
      %dma_wait3A_69 = arith.constant 0 : i32
      %dma_wait3A_70 = arith.constant 0 : i32
      %dma_wait3A_71 = tpu.memref_slice %arg2[%dma_wait3A_69, %dma_wait3A_70] : memref<10000x128xf32, #tpu.memory_space<hbm>> -> memref<10000x128xf32, #tpu.memory_space<hbm>>
      tpu.wait_indirect_dma semaphore(%arg16 : memref<!tpu.dma_semaphore, #tpu.memory_space<semaphore_mem>>) src(%dma_wait3A_71 : memref<10000x128xf32, #tpu.memory_space<hbm>>) dst(%arg12 : memref<128x128xf32, #tpu.memory_space<vmem>>)
      %dma_wait3A_72 = tpu.memref_slice %arg3[%mul3A_2] : memref<323584xi32, #tpu.memory_space<hbm>> -> memref<128xi32, #tpu.memory_space<hbm>>
      %dma_wait3A_73 = tpu.memref_slice %arg3[%mul3A_2] : memref<323584xi32, #tpu.memory_space<hbm>> -> memref<128xi32, #tpu.memory_space<hbm>>
      tpu.wait_dma2 semaphore(%arg14 : memref<!tpu.dma_semaphore, #tpu.memory_space<semaphore_mem>>) src(%dma_wait3A_73 : memref<128xi32, #tpu.memory_space<hbm>>) dst(%arg10 : memref<128xi32, #tpu.memory_space<vmem>>)
      "tpu.region"() ({
        %run_scoped3A = tpu.sem_alloc : memref<!tpu.dma_semaphore, #tpu.memory_space<semaphore_mem>>
        %dma_start3A_74 = arith.constant 0 : i32
        %dma_start3A_75 = arith.constant 0 : i32
        %dma_start3A_76 = tpu.memref_slice %arg17[%dma_start3A_74, %dma_start3A_75] : memref<10016x128xf32, #tpu.memory_space<vmem_shared>> -> memref<10016x128xf32, #tpu.memory_space<vmem_shared>>
        tpu.enqueue_indirect_dma source(%arg12 : memref<128x128xf32, #tpu.memory_space<vmem>>) target(%dma_start3A_76 : memref<10016x128xf32, #tpu.memory_space<vmem_shared>>) offsets(%arg10 : memref<128xi32, #tpu.memory_space<vmem>>) semaphore(%run_scoped3A : memref<!tpu.dma_semaphore, #tpu.memory_space<semaphore_mem>>) {add = true}
        %dma_wait3A_77 = arith.constant 0 : i32
        %dma_wait3A_78 = arith.constant 0 : i32
        %dma_wait3A_79 = tpu.memref_slice %arg17[%dma_wait3A_77, %dma_wait3A_78] : memref<10016x128xf32, #tpu.memory_space<vmem_shared>> -> memref<10016x128xf32, #tpu.memory_space<vmem_shared>>
        tpu.wait_indirect_dma semaphore(%run_scoped3A : memref<!tpu.dma_semaphore, #tpu.memory_space<semaphore_mem>>) src(%arg12 : memref<128x128xf32, #tpu.memory_space<vmem>>) dst(%dma_wait3A_79 : memref<10016x128xf32, #tpu.memory_space<vmem_shared>>)
        tpu.yield
      }) : () -> ()
    }
    %scan3A_19 = arith.constant 39 : i32
    %dma_wait3A = arith.constant 0 : i32
    %dma_wait3A_20 = tpu.memref_slice %arg8[%dma_wait3A] : memref<10112xi32, #tpu.memory_space<vmem>> -> memref<128xi32, #tpu.memory_space<vmem>>
    %dma_wait3A_21 = arith.constant 0 : i32
    %dma_wait3A_22 = arith.constant 0 : i32
    %dma_wait3A_23 = tpu.memref_slice %arg2[%dma_wait3A_21, %dma_wait3A_22] : memref<10000x128xf32, #tpu.memory_space<hbm>> -> memref<10000x128xf32, #tpu.memory_space<hbm>>
    tpu.wait_indirect_dma semaphore(%arg15 : memref<!tpu.dma_semaphore, #tpu.memory_space<semaphore_mem>>) src(%dma_wait3A_23 : memref<10000x128xf32, #tpu.memory_space<hbm>>) dst(%arg11 : memref<128x128xf32, #tpu.memory_space<vmem>>)
    %dma_wait3A_24 = tpu.memref_slice %arg3[%mul3A_2] : memref<323584xi32, #tpu.memory_space<hbm>> -> memref<128xi32, #tpu.memory_space<hbm>>
    %dma_wait3A_25 = tpu.memref_slice %arg3[%mul3A_2] : memref<323584xi32, #tpu.memory_space<hbm>> -> memref<128xi32, #tpu.memory_space<hbm>>
    tpu.wait_dma2 semaphore(%arg13 : memref<!tpu.dma_semaphore, #tpu.memory_space<semaphore_mem>>) src(%dma_wait3A_25 : memref<128xi32, #tpu.memory_space<hbm>>) dst(%arg9 : memref<128xi32, #tpu.memory_space<vmem>>)
    "tpu.region"() ({
      %run_scoped3A = tpu.sem_alloc : memref<!tpu.dma_semaphore, #tpu.memory_space<semaphore_mem>>
      %dma_start3A_37 = arith.constant 0 : i32
      %dma_start3A_38 = arith.constant 0 : i32
      %dma_start3A_39 = tpu.memref_slice %arg17[%dma_start3A_37, %dma_start3A_38] : memref<10016x128xf32, #tpu.memory_space<vmem_shared>> -> memref<10016x128xf32, #tpu.memory_space<vmem_shared>>
      tpu.enqueue_indirect_dma source(%arg11 : memref<128x128xf32, #tpu.memory_space<vmem>>) target(%dma_start3A_39 : memref<10016x128xf32, #tpu.memory_space<vmem_shared>>) offsets(%arg9 : memref<128xi32, #tpu.memory_space<vmem>>) semaphore(%run_scoped3A : memref<!tpu.dma_semaphore, #tpu.memory_space<semaphore_mem>>) {add = true}
      %dma_wait3A_40 = arith.constant 0 : i32
      %dma_wait3A_41 = arith.constant 0 : i32
      %dma_wait3A_42 = tpu.memref_slice %arg17[%dma_wait3A_40, %dma_wait3A_41] : memref<10016x128xf32, #tpu.memory_space<vmem_shared>> -> memref<10016x128xf32, #tpu.memory_space<vmem_shared>>
      tpu.wait_indirect_dma semaphore(%run_scoped3A : memref<!tpu.dma_semaphore, #tpu.memory_space<semaphore_mem>>) src(%arg11 : memref<128x128xf32, #tpu.memory_space<vmem>>) dst(%dma_wait3A_42 : memref<10016x128xf32, #tpu.memory_space<vmem_shared>>)
      tpu.yield
    }) : () -> ()
    %barrier3A_26 = arith.constant 0 : index
    tpu.barrier barrier_id(%barrier3A_26)
    %eq3A_27 = arith.constant 0 : i32
    %eq3A_28 = arith.cmpi eq, %arg0, %eq3A_27 : i32
    %convert_element_type3A_29 = arith.extui %eq3A_28 : i1 to i32
    %cond3A_30 = arith.constant 0 : i32
    %cond3A_31 = arith.cmpi ne, %convert_element_type3A_29, %cond3A_30 : i32
    scf.if %cond3A_31 {
      %lt3A_37 = arith.constant 15 : i32
      %lt3A_38 = arith.cmpi slt, %arg1, %lt3A_37 : i32
      %convert_element_type3A_39 = arith.extui %lt3A_38 : i1 to i32
      %cond3A_40 = arith.constant 0 : i32
      %cond3A_41 = arith.cmpi ne, %convert_element_type3A_39, %cond3A_40 : i32
      scf.if %cond3A_41 {
        %mul3A_47 = arith.constant 632 : i32
        %mul3A_48 = arith.muli %arg1, %mul3A_47 : i32
        %mul3A_49 = arith.constant 632 : i32
        %mul3A_50 = arith.muli %arg1, %mul3A_49 : i32
        "tpu.region"() ({
          %run_scoped3A = tpu.sem_alloc : memref<!tpu.dma_semaphore, #tpu.memory_space<semaphore_mem>>
          %dma_start3A_51 = arith.constant 0 : i32
          %dma_start3A_52 = tpu.memref_slice %arg6[%mul3A_50, %dma_start3A_51] : memref<10000x128xf32, #tpu.memory_space<hbm>> -> memref<632x128xf32, #tpu.memory_space<hbm>>
          %dma_start3A_53 = arith.constant 0 : i32
          %dma_start3A_54 = tpu.memref_slice %arg17[%mul3A_48, %dma_start3A_53] : memref<10016x128xf32, #tpu.memory_space<vmem_shared>> -> memref<632x128xf32, #tpu.memory_space<vmem_shared>>
          tpu.enqueue_dma source(%dma_start3A_54 : memref<632x128xf32, #tpu.memory_space<vmem_shared>>) target(%dma_start3A_52 : memref<632x128xf32, #tpu.memory_space<hbm>>) target_semaphore(%run_scoped3A : memref<!tpu.dma_semaphore, #tpu.memory_space<semaphore_mem>>)
          %dma_wait3A_55 = arith.constant 0 : i32
          %dma_wait3A_56 = tpu.memref_slice %arg6[%mul3A_50, %dma_wait3A_55] : memref<10000x128xf32, #tpu.memory_space<hbm>> -> memref<632x128xf32, #tpu.memory_space<hbm>>
          %dma_wait3A_57 = arith.constant 0 : i32
          %dma_wait3A_58 = tpu.memref_slice %arg17[%mul3A_48, %dma_wait3A_57] : memref<10016x128xf32, #tpu.memory_space<vmem_shared>> -> memref<632x128xf32, #tpu.memory_space<vmem_shared>>
          tpu.wait_dma2 semaphore(%run_scoped3A : memref<!tpu.dma_semaphore, #tpu.memory_space<semaphore_mem>>) src(%dma_wait3A_58 : memref<632x128xf32, #tpu.memory_space<vmem_shared>>) dst(%dma_wait3A_56 : memref<632x128xf32, #tpu.memory_space<hbm>>)
          tpu.yield
        }) : () -> ()
      } else {
      }
      %eq3A_42 = arith.constant 15 : i32
      %eq3A_43 = arith.cmpi eq, %arg1, %eq3A_42 : i32
      %convert_element_type3A_44 = arith.extui %eq3A_43 : i1 to i32
      %cond3A_45 = arith.constant 0 : i32
      %cond3A_46 = arith.cmpi ne, %convert_element_type3A_44, %cond3A_45 : i32
      scf.if %cond3A_46 {
        "tpu.region"() ({
          %run_scoped3A = tpu.sem_alloc : memref<!tpu.dma_semaphore, #tpu.memory_space<semaphore_mem>>
          %dma_start3A_47 = arith.constant 9480 : i32
          %dma_start3A_48 = arith.constant 0 : i32
          %dma_start3A_49 = tpu.memref_slice %arg6[%dma_start3A_47, %dma_start3A_48] : memref<10000x128xf32, #tpu.memory_space<hbm>> -> memref<520x128xf32, #tpu.memory_space<hbm>>
          %dma_start3A_50 = arith.constant 9480 : i32
          %dma_start3A_51 = arith.constant 0 : i32
          %dma_start3A_52 = tpu.memref_slice %arg17[%dma_start3A_50, %dma_start3A_51] : memref<10016x128xf32, #tpu.memory_space<vmem_shared>> -> memref<520x128xf32, #tpu.memory_space<vmem_shared>>
          tpu.enqueue_dma source(%dma_start3A_52 : memref<520x128xf32, #tpu.memory_space<vmem_shared>>) target(%dma_start3A_49 : memref<520x128xf32, #tpu.memory_space<hbm>>) target_semaphore(%run_scoped3A : memref<!tpu.dma_semaphore, #tpu.memory_space<semaphore_mem>>)
          %dma_wait3A_53 = arith.constant 9480 : i32
          %dma_wait3A_54 = arith.constant 0 : i32
          %dma_wait3A_55 = tpu.memref_slice %arg6[%dma_wait3A_53, %dma_wait3A_54] : memref<10000x128xf32, #tpu.memory_space<hbm>> -> memref<520x128xf32, #tpu.memory_space<hbm>>
          %dma_wait3A_56 = arith.constant 9480 : i32
          %dma_wait3A_57 = arith.constant 0 : i32
          %dma_wait3A_58 = tpu.memref_slice %arg17[%dma_wait3A_56, %dma_wait3A_57] : memref<10016x128xf32, #tpu.memory_space<vmem_shared>> -> memref<520x128xf32, #tpu.memory_space<vmem_shared>>
          tpu.wait_dma2 semaphore(%run_scoped3A : memref<!tpu.dma_semaphore, #tpu.memory_space<semaphore_mem>>) src(%dma_wait3A_58 : memref<520x128xf32, #tpu.memory_space<vmem_shared>>) dst(%dma_wait3A_55 : memref<520x128xf32, #tpu.memory_space<hbm>>)
          tpu.yield
        }) : () -> ()
      } else {
      }
    } else {
    }
    %eq3A_32 = arith.constant 1 : i32
    %eq3A_33 = arith.cmpi eq, %arg0, %eq3A_32 : i32
    %convert_element_type3A_34 = arith.extui %eq3A_33 : i1 to i32
    %cond3A_35 = arith.constant 0 : i32
    %cond3A_36 = arith.cmpi ne, %convert_element_type3A_34, %cond3A_35 : i32
    scf.if %cond3A_36 {
      %lt3A_37 = arith.constant 15 : i32
      %lt3A_38 = arith.cmpi slt, %arg1, %lt3A_37 : i32
      %convert_element_type3A_39 = arith.extui %lt3A_38 : i1 to i32
      %cond3A_40 = arith.constant 0 : i32
      %cond3A_41 = arith.cmpi ne, %convert_element_type3A_39, %cond3A_40 : i32
      scf.if %cond3A_41 {
        %mul3A_47 = arith.constant 632 : i32
        %mul3A_48 = arith.muli %arg1, %mul3A_47 : i32
        %mul3A_49 = arith.constant 632 : i32
        %mul3A_50 = arith.muli %arg1, %mul3A_49 : i32
        "tpu.region"() ({
          %run_scoped3A = tpu.sem_alloc : memref<!tpu.dma_semaphore, #tpu.memory_space<semaphore_mem>>
          %dma_start3A_51 = arith.constant 0 : i32
          %dma_start3A_52 = tpu.memref_slice %arg7[%mul3A_50, %dma_start3A_51] : memref<10000x128xf32, #tpu.memory_space<hbm>> -> memref<632x128xf32, #tpu.memory_space<hbm>>
          %dma_start3A_53 = arith.constant 0 : i32
          %dma_start3A_54 = tpu.memref_slice %arg17[%mul3A_48, %dma_start3A_53] : memref<10016x128xf32, #tpu.memory_space<vmem_shared>> -> memref<632x128xf32, #tpu.memory_space<vmem_shared>>
          tpu.enqueue_dma source(%dma_start3A_54 : memref<632x128xf32, #tpu.memory_space<vmem_shared>>) target(%dma_start3A_52 : memref<632x128xf32, #tpu.memory_space<hbm>>) target_semaphore(%run_scoped3A : memref<!tpu.dma_semaphore, #tpu.memory_space<semaphore_mem>>)
          %dma_wait3A_55 = arith.constant 0 : i32
          %dma_wait3A_56 = tpu.memref_slice %arg7[%mul3A_50, %dma_wait3A_55] : memref<10000x128xf32, #tpu.memory_space<hbm>> -> memref<632x128xf32, #tpu.memory_space<hbm>>
          %dma_wait3A_57 = arith.constant 0 : i32
          %dma_wait3A_58 = tpu.memref_slice %arg17[%mul3A_48, %dma_wait3A_57] : memref<10016x128xf32, #tpu.memory_space<vmem_shared>> -> memref<632x128xf32, #tpu.memory_space<vmem_shared>>
          tpu.wait_dma2 semaphore(%run_scoped3A : memref<!tpu.dma_semaphore, #tpu.memory_space<semaphore_mem>>) src(%dma_wait3A_58 : memref<632x128xf32, #tpu.memory_space<vmem_shared>>) dst(%dma_wait3A_56 : memref<632x128xf32, #tpu.memory_space<hbm>>)
          tpu.yield
        }) : () -> ()
      } else {
      }
      %eq3A_42 = arith.constant 15 : i32
      %eq3A_43 = arith.cmpi eq, %arg1, %eq3A_42 : i32
      %convert_element_type3A_44 = arith.extui %eq3A_43 : i1 to i32
      %cond3A_45 = arith.constant 0 : i32
      %cond3A_46 = arith.cmpi ne, %convert_element_type3A_44, %cond3A_45 : i32
      scf.if %cond3A_46 {
        "tpu.region"() ({
          %run_scoped3A = tpu.sem_alloc : memref<!tpu.dma_semaphore, #tpu.memory_space<semaphore_mem>>
          %dma_start3A_47 = arith.constant 9480 : i32
          %dma_start3A_48 = arith.constant 0 : i32
          %dma_start3A_49 = tpu.memref_slice %arg7[%dma_start3A_47, %dma_start3A_48] : memref<10000x128xf32, #tpu.memory_space<hbm>> -> memref<520x128xf32, #tpu.memory_space<hbm>>
          %dma_start3A_50 = arith.constant 9480 : i32
          %dma_start3A_51 = arith.constant 0 : i32
          %dma_start3A_52 = tpu.memref_slice %arg17[%dma_start3A_50, %dma_start3A_51] : memref<10016x128xf32, #tpu.memory_space<vmem_shared>> -> memref<520x128xf32, #tpu.memory_space<vmem_shared>>
          tpu.enqueue_dma source(%dma_start3A_52 : memref<520x128xf32, #tpu.memory_space<vmem_shared>>) target(%dma_start3A_49 : memref<520x128xf32, #tpu.memory_space<hbm>>) target_semaphore(%run_scoped3A : memref<!tpu.dma_semaphore, #tpu.memory_space<semaphore_mem>>)
          %dma_wait3A_53 = arith.constant 9480 : i32
          %dma_wait3A_54 = arith.constant 0 : i32
          %dma_wait3A_55 = tpu.memref_slice %arg7[%dma_wait3A_53, %dma_wait3A_54] : memref<10000x128xf32, #tpu.memory_space<hbm>> -> memref<520x128xf32, #tpu.memory_space<hbm>>
          %dma_wait3A_56 = arith.constant 9480 : i32
          %dma_wait3A_57 = arith.constant 0 : i32
          %dma_wait3A_58 = tpu.memref_slice %arg17[%dma_wait3A_56, %dma_wait3A_57] : memref<10016x128xf32, #tpu.memory_space<vmem_shared>> -> memref<520x128xf32, #tpu.memory_space<vmem_shared>>
          tpu.wait_dma2 semaphore(%run_scoped3A : memref<!tpu.dma_semaphore, #tpu.memory_space<semaphore_mem>>) src(%dma_wait3A_58 : memref<520x128xf32, #tpu.memory_space<vmem_shared>>) dst(%dma_wait3A_55 : memref<520x128xf32, #tpu.memory_space<hbm>>)
          tpu.yield
        }) : () -> ()
      } else {
      }
    } else {
    }
    return
  }
}

#map = affine_map<(d0, d1) -> (0, 0)>
#map1 = affine_map<(d0, d1) -> (0)>
module attributes {stable_mosaic.version = 14 : i64} {
  func.func @_edge_body(%arg0: i32, %arg1: i32, %arg2: memref<10000x128xf32, #tpu.memory_space<hbm>>, %arg3: memref<323584xi32, #tpu.memory_space<hbm>>, %arg4: memref<323584xi32, #tpu.memory_space<hbm>>, %arg5: memref<10000x128xf32, #tpu.memory_space<hbm>>, %arg6: memref<10000x128xf32, #tpu.memory_space<hbm>>, %arg7: memref<10000x128xf32, #tpu.memory_space<hbm>>, %arg8: memref<10112xi32, #tpu.memory_space<vmem>>, %arg9: memref<128xi32, #tpu.memory_space<vmem>>, %arg10: memref<128xi32, #tpu.memory_space<vmem>>, %arg11: memref<128x128xf32, #tpu.memory_space<vmem>>, %arg12: memref<128x128xf32, #tpu.memory_space<vmem>>, %arg13: memref<!tpu.dma_semaphore, #tpu.memory_space<semaphore_mem>>, %arg14: memref<!tpu.dma_semaphore, #tpu.memory_space<semaphore_mem>>, %arg15: memref<!tpu.dma_semaphore, #tpu.memory_space<semaphore_mem>>, %arg16: memref<!tpu.dma_semaphore, #tpu.memory_space<semaphore_mem>>, %arg17: memref<10016x128xf32, #tpu.memory_space<vmem_shared>>) attributes {dimension_semantics = [#tpu.dimension_semantics<core_parallel>, #tpu.dimension_semantics<subcore_parallel>], iteration_bounds = array<i64: 2, 16>, scalar_prefetch = 0 : i64, scratch_operands = 10 : i64, tpu.core_type = #tpu.core_type<sc_vector_subcore>, window_params = [{transform_indices = #map}, {transform_indices = #map1}, {transform_indices = #map1}, {transform_indices = #map}, {transform_indices = #map}, {transform_indices = #map}]} {
    %mul3A = arith.constant 2 : i32
    %mul3A_0 = arith.muli %arg1, %mul3A : i32
    %add3A = arith.addi %mul3A_0, %arg0 : i32
    %mul3A_1 = arith.constant 10112 : i32
    %mul3A_2 = arith.muli %add3A, %mul3A_1 : i32
    %lt3A = arith.constant 15 : i32
    %lt3A_3 = arith.cmpi slt, %arg1, %lt3A : i32
    %convert_element_type3A = arith.extui %lt3A_3 : i1 to i32
    %cond3A = arith.constant 0 : i32
    %cond3A_4 = arith.cmpi ne, %convert_element_type3A, %cond3A : i32
    scf.if %cond3A_4 {
      %mul3A_37 = arith.constant 632 : i32
      %mul3A_38 = arith.muli %arg1, %mul3A_37 : i32
      %mul3A_39 = arith.constant 632 : i32
      %mul3A_40 = arith.muli %arg1, %mul3A_39 : i32
      "tpu.region"() ({
        %run_scoped3A = tpu.sem_alloc : memref<!tpu.dma_semaphore, #tpu.memory_space<semaphore_mem>>
        %dma_start3A_41 = arith.constant 0 : i32
        %dma_start3A_42 = tpu.memref_slice %arg17[%mul3A_40, %dma_start3A_41] : memref<10016x128xf32, #tpu.memory_space<vmem_shared>> -> memref<632x128xf32, #tpu.memory_space<vmem_shared>>
        %dma_start3A_43 = arith.constant 0 : i32
        %dma_start3A_44 = tpu.memref_slice %arg5[%mul3A_38, %dma_start3A_43] : memref<10000x128xf32, #tpu.memory_space<hbm>> -> memref<632x128xf32, #tpu.memory_space<hbm>>
        tpu.enqueue_dma source(%dma_start3A_44 : memref<632x128xf32, #tpu.memory_space<hbm>>) target(%dma_start3A_42 : memref<632x128xf32, #tpu.memory_space<vmem_shared>>) target_semaphore(%run_scoped3A : memref<!tpu.dma_semaphore, #tpu.memory_space<semaphore_mem>>)
        %dma_wait3A_45 = arith.constant 0 : i32
        %dma_wait3A_46 = tpu.memref_slice %arg17[%mul3A_40, %dma_wait3A_45] : memref<10016x128xf32, #tpu.memory_space<vmem_shared>> -> memref<632x128xf32, #tpu.memory_space<vmem_shared>>
        %dma_wait3A_47 = arith.constant 0 : i32
        %dma_wait3A_48 = tpu.memref_slice %arg5[%mul3A_38, %dma_wait3A_47] : memref<10000x128xf32, #tpu.memory_space<hbm>> -> memref<632x128xf32, #tpu.memory_space<hbm>>
        tpu.wait_dma2 semaphore(%run_scoped3A : memref<!tpu.dma_semaphore, #tpu.memory_space<semaphore_mem>>) src(%dma_wait3A_48 : memref<632x128xf32, #tpu.memory_space<hbm>>) dst(%dma_wait3A_46 : memref<632x128xf32, #tpu.memory_space<vmem_shared>>)
        tpu.yield
      }) : () -> ()
    } else {
    }
    %eq3A = arith.constant 15 : i32
    %eq3A_5 = arith.cmpi eq, %arg1, %eq3A : i32
    %convert_element_type3A_6 = arith.extui %eq3A_5 : i1 to i32
    %cond3A_7 = arith.constant 0 : i32
    %cond3A_8 = arith.cmpi ne, %convert_element_type3A_6, %cond3A_7 : i32
    scf.if %cond3A_8 {
      "tpu.region"() ({
        %run_scoped3A = tpu.sem_alloc : memref<!tpu.dma_semaphore, #tpu.memory_space<semaphore_mem>>
        %dma_start3A_37 = arith.constant 9480 : i32
        %dma_start3A_38 = arith.constant 0 : i32
        %dma_start3A_39 = tpu.memref_slice %arg17[%dma_start3A_37, %dma_start3A_38] : memref<10016x128xf32, #tpu.memory_space<vmem_shared>> -> memref<520x128xf32, #tpu.memory_space<vmem_shared>>
        %dma_start3A_40 = arith.constant 9480 : i32
        %dma_start3A_41 = arith.constant 0 : i32
        %dma_start3A_42 = tpu.memref_slice %arg5[%dma_start3A_40, %dma_start3A_41] : memref<10000x128xf32, #tpu.memory_space<hbm>> -> memref<520x128xf32, #tpu.memory_space<hbm>>
        tpu.enqueue_dma source(%dma_start3A_42 : memref<520x128xf32, #tpu.memory_space<hbm>>) target(%dma_start3A_39 : memref<520x128xf32, #tpu.memory_space<vmem_shared>>) target_semaphore(%run_scoped3A : memref<!tpu.dma_semaphore, #tpu.memory_space<semaphore_mem>>)
        %dma_wait3A_43 = arith.constant 9480 : i32
        %dma_wait3A_44 = arith.constant 0 : i32
        %dma_wait3A_45 = tpu.memref_slice %arg17[%dma_wait3A_43, %dma_wait3A_44] : memref<10016x128xf32, #tpu.memory_space<vmem_shared>> -> memref<520x128xf32, #tpu.memory_space<vmem_shared>>
        %dma_wait3A_46 = arith.constant 9480 : i32
        %dma_wait3A_47 = arith.constant 0 : i32
        %dma_wait3A_48 = tpu.memref_slice %arg5[%dma_wait3A_46, %dma_wait3A_47] : memref<10000x128xf32, #tpu.memory_space<hbm>> -> memref<520x128xf32, #tpu.memory_space<hbm>>
        tpu.wait_dma2 semaphore(%run_scoped3A : memref<!tpu.dma_semaphore, #tpu.memory_space<semaphore_mem>>) src(%dma_wait3A_48 : memref<520x128xf32, #tpu.memory_space<hbm>>) dst(%dma_wait3A_45 : memref<520x128xf32, #tpu.memory_space<vmem_shared>>)
        tpu.yield
      }) : () -> ()
    } else {
    }
    "tpu.region"() ({
      %run_scoped3A = tpu.sem_alloc : memref<!tpu.dma_semaphore, #tpu.memory_space<semaphore_mem>>
      %dma_start3A_37 = tpu.memref_slice %arg4[%mul3A_2] : memref<323584xi32, #tpu.memory_space<hbm>> -> memref<10112xi32, #tpu.memory_space<hbm>>
      %dma_start3A_38 = tpu.memref_slice %arg4[%mul3A_2] : memref<323584xi32, #tpu.memory_space<hbm>> -> memref<10112xi32, #tpu.memory_space<hbm>>
      tpu.enqueue_dma source(%dma_start3A_38 : memref<10112xi32, #tpu.memory_space<hbm>>) target(%arg8 : memref<10112xi32, #tpu.memory_space<vmem>>) target_semaphore(%run_scoped3A : memref<!tpu.dma_semaphore, #tpu.memory_space<semaphore_mem>>)
      %dma_wait3A_39 = tpu.memref_slice %arg4[%mul3A_2] : memref<323584xi32, #tpu.memory_space<hbm>> -> memref<10112xi32, #tpu.memory_space<hbm>>
      %dma_wait3A_40 = tpu.memref_slice %arg4[%mul3A_2] : memref<323584xi32, #tpu.memory_space<hbm>> -> memref<10112xi32, #tpu.memory_space<hbm>>
      tpu.wait_dma2 semaphore(%run_scoped3A : memref<!tpu.dma_semaphore, #tpu.memory_space<semaphore_mem>>) src(%dma_wait3A_40 : memref<10112xi32, #tpu.memory_space<hbm>>) dst(%arg8 : memref<10112xi32, #tpu.memory_space<vmem>>)
      tpu.yield
    }) : () -> ()
    %barrier3A = arith.constant 0 : index
    tpu.barrier barrier_id(%barrier3A)
    %dma_start3A = tpu.memref_slice %arg3[%mul3A_2] : memref<323584xi32, #tpu.memory_space<hbm>> -> memref<128xi32, #tpu.memory_space<hbm>>
    %dma_start3A_9 = tpu.memref_slice %arg3[%mul3A_2] : memref<323584xi32, #tpu.memory_space<hbm>> -> memref<128xi32, #tpu.memory_space<hbm>>
    tpu.enqueue_dma source(%dma_start3A_9 : memref<128xi32, #tpu.memory_space<hbm>>) target(%arg9 : memref<128xi32, #tpu.memory_space<vmem>>) target_semaphore(%arg13 : memref<!tpu.dma_semaphore, #tpu.memory_space<semaphore_mem>>)
    %dma_start3A_10 = arith.constant 0 : i32
    %dma_start3A_11 = tpu.memref_slice %arg8[%dma_start3A_10] : memref<10112xi32, #tpu.memory_space<vmem>> -> memref<128xi32, #tpu.memory_space<vmem>>
    %dma_start3A_12 = arith.constant 0 : i32
    %dma_start3A_13 = arith.constant 0 : i32
    %dma_start3A_14 = tpu.memref_slice %arg2[%dma_start3A_12, %dma_start3A_13] : memref<10000x128xf32, #tpu.memory_space<hbm>> -> memref<10000x128xf32, #tpu.memory_space<hbm>>
    tpu.enqueue_indirect_dma source(%dma_start3A_14 : memref<10000x128xf32, #tpu.memory_space<hbm>>) target(%arg11 : memref<128x128xf32, #tpu.memory_space<vmem>>) offsets(%dma_start3A_11 : memref<128xi32, #tpu.memory_space<vmem>>) semaphore(%arg15 : memref<!tpu.dma_semaphore, #tpu.memory_space<semaphore_mem>>)
    %scan3A = arith.constant 0 : i32
    %scan3A_15 = arith.constant 0 : i32
    %scan3A_16 = arith.constant 39 : i32
    %scan3A_17 = arith.addi %scan3A_15, %scan3A_16 : i32
    %scan3A_18 = arith.constant 1 : i32
    scf.for %scan3A_37 = %scan3A_15 to %scan3A_17 step %scan3A_18  : i32 {
      %mul3A_38 = arith.constant 2 : i32
      %mul3A_39 = arith.muli %mul3A_38, %scan3A_37 : i32
      %add3A_40 = arith.constant 1 : i32
      %add3A_41 = arith.addi %mul3A_39, %add3A_40 : i32
      %mul3A_42 = arith.constant 128 : i32
      %mul3A_43 = arith.muli %add3A_41, %mul3A_42 : i32
      %add3A_44 = arith.addi %mul3A_2, %mul3A_43 : i32
      %dma_start3A_45 = tpu.memref_slice %arg3[%add3A_44] : memref<323584xi32, #tpu.memory_space<hbm>> -> memref<128xi32, #tpu.memory_space<hbm>>
      %dma_start3A_46 = tpu.memref_slice %arg3[%add3A_44] : memref<323584xi32, #tpu.memory_space<hbm>> -> memref<128xi32, #tpu.memory_space<hbm>>
      tpu.enqueue_dma source(%dma_start3A_46 : memref<128xi32, #tpu.memory_space<hbm>>) target(%arg10 : memref<128xi32, #tpu.memory_space<vmem>>) target_semaphore(%arg14 : memref<!tpu.dma_semaphore, #tpu.memory_space<semaphore_mem>>)
      %mul3A_47 = arith.constant 128 : i32
      %mul3A_48 = arith.muli %add3A_41, %mul3A_47 : i32
      %dma_start3A_49 = tpu.memref_slice %arg8[%mul3A_48] : memref<10112xi32, #tpu.memory_space<vmem>> -> memref<128xi32, #tpu.memory_space<vmem>>
      %dma_start3A_50 = arith.constant 0 : i32
      %dma_start3A_51 = arith.constant 0 : i32
      %dma_start3A_52 = tpu.memref_slice %arg2[%dma_start3A_50, %dma_start3A_51] : memref<10000x128xf32, #tpu.memory_space<hbm>> -> memref<10000x128xf32, #tpu.memory_space<hbm>>
      tpu.enqueue_indirect_dma source(%dma_start3A_52 : memref<10000x128xf32, #tpu.memory_space<hbm>>) target(%arg12 : memref<128x128xf32, #tpu.memory_space<vmem>>) offsets(%dma_start3A_49 : memref<128xi32, #tpu.memory_space<vmem>>) semaphore(%arg16 : memref<!tpu.dma_semaphore, #tpu.memory_space<semaphore_mem>>)
      %dma_wait3A_53 = arith.constant 0 : i32
      %dma_wait3A_54 = tpu.memref_slice %arg8[%dma_wait3A_53] : memref<10112xi32, #tpu.memory_space<vmem>> -> memref<128xi32, #tpu.memory_space<vmem>>
      %dma_wait3A_55 = arith.constant 0 : i32
      %dma_wait3A_56 = arith.constant 0 : i32
      %dma_wait3A_57 = tpu.memref_slice %arg2[%dma_wait3A_55, %dma_wait3A_56] : memref<10000x128xf32, #tpu.memory_space<hbm>> -> memref<10000x128xf32, #tpu.memory_space<hbm>>
      tpu.wait_indirect_dma semaphore(%arg15 : memref<!tpu.dma_semaphore, #tpu.memory_space<semaphore_mem>>) src(%dma_wait3A_57 : memref<10000x128xf32, #tpu.memory_space<hbm>>) dst(%arg11 : memref<128x128xf32, #tpu.memory_space<vmem>>)
      %dma_wait3A_58 = tpu.memref_slice %arg3[%mul3A_2] : memref<323584xi32, #tpu.memory_space<hbm>> -> memref<128xi32, #tpu.memory_space<hbm>>
      %dma_wait3A_59 = tpu.memref_slice %arg3[%mul3A_2] : memref<323584xi32, #tpu.memory_space<hbm>> -> memref<128xi32, #tpu.memory_space<hbm>>
      tpu.wait_dma2 semaphore(%arg13 : memref<!tpu.dma_semaphore, #tpu.memory_space<semaphore_mem>>) src(%dma_wait3A_59 : memref<128xi32, #tpu.memory_space<hbm>>) dst(%arg9 : memref<128xi32, #tpu.memory_space<vmem>>)
      "tpu.region"() ({
        %run_scoped3A = tpu.sem_alloc : memref<!tpu.dma_semaphore, #tpu.memory_space<semaphore_mem>>
        %dma_start3A_74 = arith.constant 0 : i32
        %dma_start3A_75 = arith.constant 0 : i32
        %dma_start3A_76 = tpu.memref_slice %arg17[%dma_start3A_74, %dma_start3A_75] : memref<10016x128xf32, #tpu.memory_space<vmem_shared>> -> memref<10016x128xf32, #tpu.memory_space<vmem_shared>>
        tpu.enqueue_indirect_dma source(%arg11 : memref<128x128xf32, #tpu.memory_space<vmem>>) target(%dma_start3A_76 : memref<10016x128xf32, #tpu.memory_space<vmem_shared>>) offsets(%arg9 : memref<128xi32, #tpu.memory_space<vmem>>) semaphore(%run_scoped3A : memref<!tpu.dma_semaphore, #tpu.memory_space<semaphore_mem>>) {add = true}
        %dma_wait3A_77 = arith.constant 0 : i32
        %dma_wait3A_78 = arith.constant 0 : i32
        %dma_wait3A_79 = tpu.memref_slice %arg17[%dma_wait3A_77, %dma_wait3A_78] : memref<10016x128xf32, #tpu.memory_space<vmem_shared>> -> memref<10016x128xf32, #tpu.memory_space<vmem_shared>>
        tpu.wait_indirect_dma semaphore(%run_scoped3A : memref<!tpu.dma_semaphore, #tpu.memory_space<semaphore_mem>>) src(%arg11 : memref<128x128xf32, #tpu.memory_space<vmem>>) dst(%dma_wait3A_79 : memref<10016x128xf32, #tpu.memory_space<vmem_shared>>)
        tpu.yield
      }) : () -> ()
      %add3A_60 = arith.constant 2 : i32
      %add3A_61 = arith.addi %mul3A_39, %add3A_60 : i32
      %lt3A_62 = arith.constant 79 : i32
      %lt3A_63 = arith.cmpi slt, %add3A_61, %lt3A_62 : i32
      %convert_element_type3A_64 = arith.extui %lt3A_63 : i1 to i32
      %cond3A_65 = arith.constant 0 : i32
      %cond3A_66 = arith.cmpi ne, %convert_element_type3A_64, %cond3A_65 : i32
      scf.if %cond3A_66 {
        %add3A_74 = arith.constant 2 : i32
        %add3A_75 = arith.addi %mul3A_39, %add3A_74 : i32
        %mul3A_76 = arith.constant 128 : i32
        %mul3A_77 = arith.muli %add3A_75, %mul3A_76 : i32
        %add3A_78 = arith.addi %mul3A_2, %mul3A_77 : i32
        %dma_start3A_79 = tpu.memref_slice %arg3[%add3A_78] : memref<323584xi32, #tpu.memory_space<hbm>> -> memref<128xi32, #tpu.memory_space<hbm>>
        %dma_start3A_80 = tpu.memref_slice %arg3[%add3A_78] : memref<323584xi32, #tpu.memory_space<hbm>> -> memref<128xi32, #tpu.memory_space<hbm>>
        tpu.enqueue_dma source(%dma_start3A_80 : memref<128xi32, #tpu.memory_space<hbm>>) target(%arg9 : memref<128xi32, #tpu.memory_space<vmem>>) target_semaphore(%arg13 : memref<!tpu.dma_semaphore, #tpu.memory_space<semaphore_mem>>)
        %add3A_81 = arith.constant 2 : i32
        %add3A_82 = arith.addi %mul3A_39, %add3A_81 : i32
        %mul3A_83 = arith.constant 128 : i32
        %mul3A_84 = arith.muli %add3A_82, %mul3A_83 : i32
        %dma_start3A_85 = tpu.memref_slice %arg8[%mul3A_84] : memref<10112xi32, #tpu.memory_space<vmem>> -> memref<128xi32, #tpu.memory_space<vmem>>
        %dma_start3A_86 = arith.constant 0 : i32
        %dma_start3A_87 = arith.constant 0 : i32
        %dma_start3A_88 = tpu.memref_slice %arg2[%dma_start3A_86, %dma_start3A_87] : memref<10000x128xf32, #tpu.memory_space<hbm>> -> memref<10000x128xf32, #tpu.memory_space<hbm>>
        tpu.enqueue_indirect_dma source(%dma_start3A_88 : memref<10000x128xf32, #tpu.memory_space<hbm>>) target(%arg11 : memref<128x128xf32, #tpu.memory_space<vmem>>) offsets(%dma_start3A_85 : memref<128xi32, #tpu.memory_space<vmem>>) semaphore(%arg15 : memref<!tpu.dma_semaphore, #tpu.memory_space<semaphore_mem>>)
      } else {
      }
      %dma_wait3A_67 = arith.constant 0 : i32
      %dma_wait3A_68 = tpu.memref_slice %arg8[%dma_wait3A_67] : memref<10112xi32, #tpu.memory_space<vmem>> -> memref<128xi32, #tpu.memory_space<vmem>>
      %dma_wait3A_69 = arith.constant 0 : i32
      %dma_wait3A_70 = arith.constant 0 : i32
      %dma_wait3A_71 = tpu.memref_slice %arg2[%dma_wait3A_69, %dma_wait3A_70] : memref<10000x128xf32, #tpu.memory_space<hbm>> -> memref<10000x128xf32, #tpu.memory_space<hbm>>
      tpu.wait_indirect_dma semaphore(%arg16 : memref<!tpu.dma_semaphore, #tpu.memory_space<semaphore_mem>>) src(%dma_wait3A_71 : memref<10000x128xf32, #tpu.memory_space<hbm>>) dst(%arg12 : memref<128x128xf32, #tpu.memory_space<vmem>>)
      %dma_wait3A_72 = tpu.memref_slice %arg3[%mul3A_2] : memref<323584xi32, #tpu.memory_space<hbm>> -> memref<128xi32, #tpu.memory_space<hbm>>
      %dma_wait3A_73 = tpu.memref_slice %arg3[%mul3A_2] : memref<323584xi32, #tpu.memory_space<hbm>> -> memref<128xi32, #tpu.memory_space<hbm>>
      tpu.wait_dma2 semaphore(%arg14 : memref<!tpu.dma_semaphore, #tpu.memory_space<semaphore_mem>>) src(%dma_wait3A_73 : memref<128xi32, #tpu.memory_space<hbm>>) dst(%arg10 : memref<128xi32, #tpu.memory_space<vmem>>)
      "tpu.region"() ({
        %run_scoped3A = tpu.sem_alloc : memref<!tpu.dma_semaphore, #tpu.memory_space<semaphore_mem>>
        %dma_start3A_74 = arith.constant 0 : i32
        %dma_start3A_75 = arith.constant 0 : i32
        %dma_start3A_76 = tpu.memref_slice %arg17[%dma_start3A_74, %dma_start3A_75] : memref<10016x128xf32, #tpu.memory_space<vmem_shared>> -> memref<10016x128xf32, #tpu.memory_space<vmem_shared>>
        tpu.enqueue_indirect_dma source(%arg12 : memref<128x128xf32, #tpu.memory_space<vmem>>) target(%dma_start3A_76 : memref<10016x128xf32, #tpu.memory_space<vmem_shared>>) offsets(%arg10 : memref<128xi32, #tpu.memory_space<vmem>>) semaphore(%run_scoped3A : memref<!tpu.dma_semaphore, #tpu.memory_space<semaphore_mem>>) {add = true}
        %dma_wait3A_77 = arith.constant 0 : i32
        %dma_wait3A_78 = arith.constant 0 : i32
        %dma_wait3A_79 = tpu.memref_slice %arg17[%dma_wait3A_77, %dma_wait3A_78] : memref<10016x128xf32, #tpu.memory_space<vmem_shared>> -> memref<10016x128xf32, #tpu.memory_space<vmem_shared>>
        tpu.wait_indirect_dma semaphore(%run_scoped3A : memref<!tpu.dma_semaphore, #tpu.memory_space<semaphore_mem>>) src(%arg12 : memref<128x128xf32, #tpu.memory_space<vmem>>) dst(%dma_wait3A_79 : memref<10016x128xf32, #tpu.memory_space<vmem_shared>>)
        tpu.yield
      }) : () -> ()
    }
    %scan3A_19 = arith.constant 39 : i32
    %dma_wait3A = arith.constant 0 : i32
    %dma_wait3A_20 = tpu.memref_slice %arg8[%dma_wait3A] : memref<10112xi32, #tpu.memory_space<vmem>> -> memref<128xi32, #tpu.memory_space<vmem>>
    %dma_wait3A_21 = arith.constant 0 : i32
    %dma_wait3A_22 = arith.constant 0 : i32
    %dma_wait3A_23 = tpu.memref_slice %arg2[%dma_wait3A_21, %dma_wait3A_22] : memref<10000x128xf32, #tpu.memory_space<hbm>> -> memref<10000x128xf32, #tpu.memory_space<hbm>>
    tpu.wait_indirect_dma semaphore(%arg15 : memref<!tpu.dma_semaphore, #tpu.memory_space<semaphore_mem>>) src(%dma_wait3A_23 : memref<10000x128xf32, #tpu.memory_space<hbm>>) dst(%arg11 : memref<128x128xf32, #tpu.memory_space<vmem>>)
    %dma_wait3A_24 = tpu.memref_slice %arg3[%mul3A_2] : memref<323584xi32, #tpu.memory_space<hbm>> -> memref<128xi32, #tpu.memory_space<hbm>>
    %dma_wait3A_25 = tpu.memref_slice %arg3[%mul3A_2] : memref<323584xi32, #tpu.memory_space<hbm>> -> memref<128xi32, #tpu.memory_space<hbm>>
    tpu.wait_dma2 semaphore(%arg13 : memref<!tpu.dma_semaphore, #tpu.memory_space<semaphore_mem>>) src(%dma_wait3A_25 : memref<128xi32, #tpu.memory_space<hbm>>) dst(%arg9 : memref<128xi32, #tpu.memory_space<vmem>>)
    "tpu.region"() ({
      %run_scoped3A = tpu.sem_alloc : memref<!tpu.dma_semaphore, #tpu.memory_space<semaphore_mem>>
      %dma_start3A_37 = arith.constant 0 : i32
      %dma_start3A_38 = arith.constant 0 : i32
      %dma_start3A_39 = tpu.memref_slice %arg17[%dma_start3A_37, %dma_start3A_38] : memref<10016x128xf32, #tpu.memory_space<vmem_shared>> -> memref<10016x128xf32, #tpu.memory_space<vmem_shared>>
      tpu.enqueue_indirect_dma source(%arg11 : memref<128x128xf32, #tpu.memory_space<vmem>>) target(%dma_start3A_39 : memref<10016x128xf32, #tpu.memory_space<vmem_shared>>) offsets(%arg9 : memref<128xi32, #tpu.memory_space<vmem>>) semaphore(%run_scoped3A : memref<!tpu.dma_semaphore, #tpu.memory_space<semaphore_mem>>) {add = true}
      %dma_wait3A_40 = arith.constant 0 : i32
      %dma_wait3A_41 = arith.constant 0 : i32
      %dma_wait3A_42 = tpu.memref_slice %arg17[%dma_wait3A_40, %dma_wait3A_41] : memref<10016x128xf32, #tpu.memory_space<vmem_shared>> -> memref<10016x128xf32, #tpu.memory_space<vmem_shared>>
      tpu.wait_indirect_dma semaphore(%run_scoped3A : memref<!tpu.dma_semaphore, #tpu.memory_space<semaphore_mem>>) src(%arg11 : memref<128x128xf32, #tpu.memory_space<vmem>>) dst(%dma_wait3A_42 : memref<10016x128xf32, #tpu.memory_space<vmem_shared>>)
      tpu.yield
    }) : () -> ()
    %barrier3A_26 = arith.constant 0 : index
    tpu.barrier barrier_id(%barrier3A_26)
    %eq3A_27 = arith.constant 0 : i32
    %eq3A_28 = arith.cmpi eq, %arg0, %eq3A_27 : i32
    %convert_element_type3A_29 = arith.extui %eq3A_28 : i1 to i32
    %cond3A_30 = arith.constant 0 : i32
    %cond3A_31 = arith.cmpi ne, %convert_element_type3A_29, %cond3A_30 : i32
    scf.if %cond3A_31 {
      %lt3A_37 = arith.constant 15 : i32
      %lt3A_38 = arith.cmpi slt, %arg1, %lt3A_37 : i32
      %convert_element_type3A_39 = arith.extui %lt3A_38 : i1 to i32
      %cond3A_40 = arith.constant 0 : i32
      %cond3A_41 = arith.cmpi ne, %convert_element_type3A_39, %cond3A_40 : i32
      scf.if %cond3A_41 {
        %mul3A_47 = arith.constant 632 : i32
        %mul3A_48 = arith.muli %arg1, %mul3A_47 : i32
        %mul3A_49 = arith.constant 632 : i32
        %mul3A_50 = arith.muli %arg1, %mul3A_49 : i32
        "tpu.region"() ({
          %run_scoped3A = tpu.sem_alloc : memref<!tpu.dma_semaphore, #tpu.memory_space<semaphore_mem>>
          %dma_start3A_51 = arith.constant 0 : i32
          %dma_start3A_52 = tpu.memref_slice %arg6[%mul3A_50, %dma_start3A_51] : memref<10000x128xf32, #tpu.memory_space<hbm>> -> memref<632x128xf32, #tpu.memory_space<hbm>>
          %dma_start3A_53 = arith.constant 0 : i32
          %dma_start3A_54 = tpu.memref_slice %arg17[%mul3A_48, %dma_start3A_53] : memref<10016x128xf32, #tpu.memory_space<vmem_shared>> -> memref<632x128xf32, #tpu.memory_space<vmem_shared>>
          tpu.enqueue_dma source(%dma_start3A_54 : memref<632x128xf32, #tpu.memory_space<vmem_shared>>) target(%dma_start3A_52 : memref<632x128xf32, #tpu.memory_space<hbm>>) target_semaphore(%run_scoped3A : memref<!tpu.dma_semaphore, #tpu.memory_space<semaphore_mem>>)
          %dma_wait3A_55 = arith.constant 0 : i32
          %dma_wait3A_56 = tpu.memref_slice %arg6[%mul3A_50, %dma_wait3A_55] : memref<10000x128xf32, #tpu.memory_space<hbm>> -> memref<632x128xf32, #tpu.memory_space<hbm>>
          %dma_wait3A_57 = arith.constant 0 : i32
          %dma_wait3A_58 = tpu.memref_slice %arg17[%mul3A_48, %dma_wait3A_57] : memref<10016x128xf32, #tpu.memory_space<vmem_shared>> -> memref<632x128xf32, #tpu.memory_space<vmem_shared>>
          tpu.wait_dma2 semaphore(%run_scoped3A : memref<!tpu.dma_semaphore, #tpu.memory_space<semaphore_mem>>) src(%dma_wait3A_58 : memref<632x128xf32, #tpu.memory_space<vmem_shared>>) dst(%dma_wait3A_56 : memref<632x128xf32, #tpu.memory_space<hbm>>)
          tpu.yield
        }) : () -> ()
      } else {
      }
      %eq3A_42 = arith.constant 15 : i32
      %eq3A_43 = arith.cmpi eq, %arg1, %eq3A_42 : i32
      %convert_element_type3A_44 = arith.extui %eq3A_43 : i1 to i32
      %cond3A_45 = arith.constant 0 : i32
      %cond3A_46 = arith.cmpi ne, %convert_element_type3A_44, %cond3A_45 : i32
      scf.if %cond3A_46 {
        "tpu.region"() ({
          %run_scoped3A = tpu.sem_alloc : memref<!tpu.dma_semaphore, #tpu.memory_space<semaphore_mem>>
          %dma_start3A_47 = arith.constant 9480 : i32
          %dma_start3A_48 = arith.constant 0 : i32
          %dma_start3A_49 = tpu.memref_slice %arg6[%dma_start3A_47, %dma_start3A_48] : memref<10000x128xf32, #tpu.memory_space<hbm>> -> memref<520x128xf32, #tpu.memory_space<hbm>>
          %dma_start3A_50 = arith.constant 9480 : i32
          %dma_start3A_51 = arith.constant 0 : i32
          %dma_start3A_52 = tpu.memref_slice %arg17[%dma_start3A_50, %dma_start3A_51] : memref<10016x128xf32, #tpu.memory_space<vmem_shared>> -> memref<520x128xf32, #tpu.memory_space<vmem_shared>>
          tpu.enqueue_dma source(%dma_start3A_52 : memref<520x128xf32, #tpu.memory_space<vmem_shared>>) target(%dma_start3A_49 : memref<520x128xf32, #tpu.memory_space<hbm>>) target_semaphore(%run_scoped3A : memref<!tpu.dma_semaphore, #tpu.memory_space<semaphore_mem>>)
          %dma_wait3A_53 = arith.constant 9480 : i32
          %dma_wait3A_54 = arith.constant 0 : i32
          %dma_wait3A_55 = tpu.memref_slice %arg6[%dma_wait3A_53, %dma_wait3A_54] : memref<10000x128xf32, #tpu.memory_space<hbm>> -> memref<520x128xf32, #tpu.memory_space<hbm>>
          %dma_wait3A_56 = arith.constant 9480 : i32
          %dma_wait3A_57 = arith.constant 0 : i32
          %dma_wait3A_58 = tpu.memref_slice %arg17[%dma_wait3A_56, %dma_wait3A_57] : memref<10016x128xf32, #tpu.memory_space<vmem_shared>> -> memref<520x128xf32, #tpu.memory_space<vmem_shared>>
          tpu.wait_dma2 semaphore(%run_scoped3A : memref<!tpu.dma_semaphore, #tpu.memory_space<semaphore_mem>>) src(%dma_wait3A_58 : memref<520x128xf32, #tpu.memory_space<vmem_shared>>) dst(%dma_wait3A_55 : memref<520x128xf32, #tpu.memory_space<hbm>>)
          tpu.yield
        }) : () -> ()
      } else {
      }
    } else {
    }
    %eq3A_32 = arith.constant 1 : i32
    %eq3A_33 = arith.cmpi eq, %arg0, %eq3A_32 : i32
    %convert_element_type3A_34 = arith.extui %eq3A_33 : i1 to i32
    %cond3A_35 = arith.constant 0 : i32
    %cond3A_36 = arith.cmpi ne, %convert_element_type3A_34, %cond3A_35 : i32
    scf.if %cond3A_36 {
      %lt3A_37 = arith.constant 15 : i32
      %lt3A_38 = arith.cmpi slt, %arg1, %lt3A_37 : i32
      %convert_element_type3A_39 = arith.extui %lt3A_38 : i1 to i32
      %cond3A_40 = arith.constant 0 : i32
      %cond3A_41 = arith.cmpi ne, %convert_element_type3A_39, %cond3A_40 : i32
      scf.if %cond3A_41 {
        %mul3A_47 = arith.constant 632 : i32
        %mul3A_48 = arith.muli %arg1, %mul3A_47 : i32
        %mul3A_49 = arith.constant 632 : i32
        %mul3A_50 = arith.muli %arg1, %mul3A_49 : i32
        "tpu.region"() ({
          %run_scoped3A = tpu.sem_alloc : memref<!tpu.dma_semaphore, #tpu.memory_space<semaphore_mem>>
          %dma_start3A_51 = arith.constant 0 : i32
          %dma_start3A_52 = tpu.memref_slice %arg7[%mul3A_50, %dma_start3A_51] : memref<10000x128xf32, #tpu.memory_space<hbm>> -> memref<632x128xf32, #tpu.memory_space<hbm>>
          %dma_start3A_53 = arith.constant 0 : i32
          %dma_start3A_54 = tpu.memref_slice %arg17[%mul3A_48, %dma_start3A_53] : memref<10016x128xf32, #tpu.memory_space<vmem_shared>> -> memref<632x128xf32, #tpu.memory_space<vmem_shared>>
          tpu.enqueue_dma source(%dma_start3A_54 : memref<632x128xf32, #tpu.memory_space<vmem_shared>>) target(%dma_start3A_52 : memref<632x128xf32, #tpu.memory_space<hbm>>) target_semaphore(%run_scoped3A : memref<!tpu.dma_semaphore, #tpu.memory_space<semaphore_mem>>)
          %dma_wait3A_55 = arith.constant 0 : i32
          %dma_wait3A_56 = tpu.memref_slice %arg7[%mul3A_50, %dma_wait3A_55] : memref<10000x128xf32, #tpu.memory_space<hbm>> -> memref<632x128xf32, #tpu.memory_space<hbm>>
          %dma_wait3A_57 = arith.constant 0 : i32
          %dma_wait3A_58 = tpu.memref_slice %arg17[%mul3A_48, %dma_wait3A_57] : memref<10016x128xf32, #tpu.memory_space<vmem_shared>> -> memref<632x128xf32, #tpu.memory_space<vmem_shared>>
          tpu.wait_dma2 semaphore(%run_scoped3A : memref<!tpu.dma_semaphore, #tpu.memory_space<semaphore_mem>>) src(%dma_wait3A_58 : memref<632x128xf32, #tpu.memory_space<vmem_shared>>) dst(%dma_wait3A_56 : memref<632x128xf32, #tpu.memory_space<hbm>>)
          tpu.yield
        }) : () -> ()
      } else {
      }
      %eq3A_42 = arith.constant 15 : i32
      %eq3A_43 = arith.cmpi eq, %arg1, %eq3A_42 : i32
      %convert_element_type3A_44 = arith.extui %eq3A_43 : i1 to i32
      %cond3A_45 = arith.constant 0 : i32
      %cond3A_46 = arith.cmpi ne, %convert_element_type3A_44, %cond3A_45 : i32
      scf.if %cond3A_46 {
        "tpu.region"() ({
          %run_scoped3A = tpu.sem_alloc : memref<!tpu.dma_semaphore, #tpu.memory_space<semaphore_mem>>
          %dma_start3A_47 = arith.constant 9480 : i32
          %dma_start3A_48 = arith.constant 0 : i32
          %dma_start3A_49 = tpu.memref_slice %arg7[%dma_start3A_47, %dma_start3A_48] : memref<10000x128xf32, #tpu.memory_space<hbm>> -> memref<520x128xf32, #tpu.memory_space<hbm>>
          %dma_start3A_50 = arith.constant 9480 : i32
          %dma_start3A_51 = arith.constant 0 : i32
          %dma_start3A_52 = tpu.memref_slice %arg17[%dma_start3A_50, %dma_start3A_51] : memref<10016x128xf32, #tpu.memory_space<vmem_shared>> -> memref<520x128xf32, #tpu.memory_space<vmem_shared>>
          tpu.enqueue_dma source(%dma_start3A_52 : memref<520x128xf32, #tpu.memory_space<vmem_shared>>) target(%dma_start3A_49 : memref<520x128xf32, #tpu.memory_space<hbm>>) target_semaphore(%run_scoped3A : memref<!tpu.dma_semaphore, #tpu.memory_space<semaphore_mem>>)
          %dma_wait3A_53 = arith.constant 9480 : i32
          %dma_wait3A_54 = arith.constant 0 : i32
          %dma_wait3A_55 = tpu.memref_slice %arg7[%dma_wait3A_53, %dma_wait3A_54] : memref<10000x128xf32, #tpu.memory_space<hbm>> -> memref<520x128xf32, #tpu.memory_space<hbm>>
          %dma_wait3A_56 = arith.constant 9480 : i32
          %dma_wait3A_57 = arith.constant 0 : i32
          %dma_wait3A_58 = tpu.memref_slice %arg17[%dma_wait3A_56, %dma_wait3A_57] : memref<10016x128xf32, #tpu.memory_space<vmem_shared>> -> memref<520x128xf32, #tpu.memory_space<vmem_shared>>
          tpu.wait_dma2 semaphore(%run_scoped3A : memref<!tpu.dma_semaphore, #tpu.memory_space<semaphore_mem>>) src(%dma_wait3A_58 : memref<520x128xf32, #tpu.memory_space<vmem_shared>>) dst(%dma_wait3A_55 : memref<520x128xf32, #tpu.memory_space<hbm>>)
          tpu.yield
        }) : () -> ()
      } else {
      }
    } else {
    }
    return
  }
}

module attributes {stable_mosaic.version = 14 : i64} {
  func.func @_pre0_body(%arg0: i32, %arg1: memref<1000x128xf32, #tpu.memory_space<vmem>>, %arg2: memref<128x128xf32, #tpu.memory_space<vmem>>, %arg3: memref<1000x128xf32, #tpu.memory_space<vmem>>, %arg4: memref<1000x128xf32, #tpu.memory_space<vmem>>, %arg5: memref<1x128xf32, #tpu.memory_space<vmem>>, %arg6: memref<1000x128xf32, #tpu.memory_space<vmem>>, %arg7: memref<1000x128xf32, #tpu.memory_space<vmem>>, %arg8: memref<1000x1xf32, #tpu.memory_space<vmem>>) attributes {dimension_semantics = [#tpu.dimension_semantics<arbitrary>], iteration_bounds = array<i64: 10>, scalar_prefetch = 0 : i64, scratch_operands = 0 : i64, tpu.core_type = #tpu.core_type<tc>, window_params = [{transform_indices = @transform_0, window_bounds = array<i64: 1000, 128>}, {pipeline_mode = #tpu.pipeline_mode<synchronous>, transform_indices = @transform_1, window_bounds = array<i64: 128, 128>}, {transform_indices = @transform_2, window_bounds = array<i64: 1000, 128>}, {transform_indices = @transform_3, window_bounds = array<i64: 1000, 128>}, {pipeline_mode = #tpu.pipeline_mode<synchronous>, transform_indices = @transform_4, window_bounds = array<i64: 1, 128>}, {transform_indices = @transform_5, window_bounds = array<i64: 1000, 128>}, {transform_indices = @transform_6, window_bounds = array<i64: 1000, 128>}, {transform_indices = @transform_7, window_bounds = array<i64: 1000, 1>}]} {
    %get3A = arith.constant 0 : index
    %get3A_0 = arith.constant 0 : index
    %get3A_1 = vector.load %arg3[%get3A, %get3A_0] : memref<1000x128xf32, #tpu.memory_space<vmem>>, vector<1000x1xf32>
    %add3A = arith.constant 1.000000e+00 : f32
    %add3A_2 = vector.broadcast %add3A : f32 to vector<1000x1xf32>
    %add3A_3 = arith.addf %add3A_2, %get3A_1 : vector<1000x1xf32>
    %get3A_4 = arith.constant 0 : index
    %get3A_5 = arith.constant 0 : index
    %get3A_6 = vector.load %arg4[%get3A_4, %get3A_5] : memref<1000x128xf32, #tpu.memory_space<vmem>>, vector<1000x1xf32>
    %add3A_7 = arith.addf %add3A_3, %get3A_6 : vector<1000x1xf32>
    %rsqrt3A = math.rsqrt %add3A_7 : vector<1000x1xf32>
    %swap3A = arith.constant 0 : index
    %swap3A_8 = arith.constant 0 : index
    %swap3A_9 = vector.load %arg8[%swap3A, %swap3A_8] : memref<1000x1xf32, #tpu.memory_space<vmem>>, vector<1000x1xf32>
    tpu.vector_store %arg8[%swap3A, %swap3A_8], %rsqrt3A {strides = array<i32>} : memref<1000x1xf32, #tpu.memory_space<vmem>>, vector<1000x1xf32>,
    %get3A_10 = arith.constant 0 : index
    %get3A_11 = arith.constant 0 : index
    %get3A_12 = vector.load %arg1[%get3A_10, %get3A_11] : memref<1000x128xf32, #tpu.memory_space<vmem>>, vector<1000x128xf32>
    %get3A_13 = arith.constant 0 : index
    %get3A_14 = arith.constant 0 : index
    %get3A_15 = vector.load %arg2[%get3A_13, %get3A_14] : memref<128x128xf32, #tpu.memory_space<vmem>>, vector<128x128xf32>
    %dot_general3A = arith.constant dense<0.000000e+00> : vector<1000x128xf32>
    %dot_general3A_16 = tpu.matmul %get3A_12, %get3A_15, %dot_general3A {dimension_numbers = #tpu.dot_dimension_numbers<[1], [0], [0], [1], [0, 0, 1, 1], [], []>, transpose_lhs_hint = false} : vector<1000x128xf32>, vector<128x128xf32>, vector<1000x128xf32> -> vector<1000x128xf32>
    %mul3A = arith.mulf %rsqrt3A, %rsqrt3A : vector<1000x1xf32>
    %mul3A_17 = vector.broadcast %mul3A : vector<1000x1xf32> to vector<1000x128xf32>
    %mul3A_18 = arith.mulf %mul3A_17, %dot_general3A_16 : vector<1000x128xf32>
    %add3A_19 = arith.addf %get3A_12, %mul3A_18 : vector<1000x128xf32>
    %get3A_20 = arith.constant 0 : index
    %get3A_21 = arith.constant 0 : index
    %get3A_22 = vector.load %arg5[%get3A_20, %get3A_21] : memref<1x128xf32, #tpu.memory_space<vmem>>, vector<1x128xf32>
    %add3A_23 = vector.broadcast %get3A_22 : vector<1x128xf32> to vector<1000x128xf32>
    %add3A_24 = arith.addf %add3A_19, %add3A_23 : vector<1000x128xf32>
    %swap3A_25 = arith.constant 0 : index
    %swap3A_26 = arith.constant 0 : index
    %swap3A_27 = vector.load %arg6[%swap3A_25, %swap3A_26] : memref<1000x128xf32, #tpu.memory_space<vmem>>, vector<1000x128xf32>
    tpu.vector_store %arg6[%swap3A_25, %swap3A_26], %add3A_24 {strides = array<i32>} : memref<1000x128xf32, #tpu.memory_space<vmem>>, vector<1000x128xf32>,
    %mul3A_28 = vector.broadcast %rsqrt3A : vector<1000x1xf32> to vector<1000x128xf32>
    %mul3A_29 = arith.mulf %dot_general3A_16, %mul3A_28 : vector<1000x128xf32>
    %swap3A_30 = arith.constant 0 : index
    %swap3A_31 = arith.constant 0 : index
    %swap3A_32 = vector.load %arg7[%swap3A_30, %swap3A_31] : memref<1000x128xf32, #tpu.memory_space<vmem>>, vector<1000x128xf32>
    tpu.vector_store %arg7[%swap3A_30, %swap3A_31], %mul3A_29 {strides = array<i32>} : memref<1000x128xf32, #tpu.memory_space<vmem>>, vector<1000x128xf32>,
    return
  }
  func.func @transform_0(%arg0: i32) -> (i32, i32) {
    %c0_i32 = arith.constant 0 : i32
    %c0_i32_0 = arith.constant 0 : i32
    return %arg0, %c0_i32 : i32, i32
  }
  func.func @transform_1(%arg0: i32) -> (i32, i32) {
    %c0_i32 = arith.constant 0 : i32
    %c0_i32_0 = arith.constant 0 : i32
    %c0_i32_1 = arith.constant 0 : i32
    return %c0_i32, %c0_i32_0 : i32, i32
  }
  func.func @transform_2(%arg0: i32) -> (i32, i32) {
    %c0_i32 = arith.constant 0 : i32
    %c0_i32_0 = arith.constant 0 : i32
    return %arg0, %c0_i32 : i32, i32
  }
  func.func @transform_3(%arg0: i32) -> (i32, i32) {
    %c0_i32 = arith.constant 0 : i32
    %c0_i32_0 = arith.constant 0 : i32
    return %arg0, %c0_i32 : i32, i32
  }
  func.func @transform_4(%arg0: i32) -> (i32, i32) {
    %c0_i32 = arith.constant 0 : i32
    %c0_i32_0 = arith.constant 0 : i32
    %c0_i32_1 = arith.constant 0 : i32
    return %c0_i32, %c0_i32_0 : i32, i32
  }
  func.func @transform_5(%arg0: i32) -> (i32, i32) {
    %c0_i32 = arith.constant 0 : i32
    %c0_i32_0 = arith.constant 0 : i32
    return %arg0, %c0_i32 : i32, i32
  }
  func.func @transform_6(%arg0: i32) -> (i32, i32) {
    %c0_i32 = arith.constant 0 : i32
    %c0_i32_0 = arith.constant 0 : i32
    return %arg0, %c0_i32 : i32, i32
  }
  func.func @transform_7(%arg0: i32) -> (i32, i32) {
    %c0_i32 = arith.constant 0 : i32
    %c0_i32_0 = arith.constant 0 : i32
    return %arg0, %c0_i32 : i32, i32
  }
}

module attributes {stable_mosaic.version = 14 : i64} {
  func.func @_mid_body(%arg0: i32, %arg1: memref<1000x128xf32, #tpu.memory_space<vmem>>, %arg2: memref<1000x128xf32, #tpu.memory_space<vmem>>, %arg3: memref<1000x128xf32, #tpu.memory_space<vmem>>, %arg4: memref<1000x1xf32, #tpu.memory_space<vmem>>, %arg5: memref<1x128xf32, #tpu.memory_space<vmem>>, %arg6: memref<1x128xf32, #tpu.memory_space<vmem>>, %arg7: memref<1x128xf32, #tpu.memory_space<vmem>>, %arg8: memref<128x128xf32, #tpu.memory_space<vmem>>, %arg9: memref<1000x128xf32, #tpu.memory_space<vmem>>, %arg10: memref<1000x128xf32, #tpu.memory_space<vmem>>) attributes {dimension_semantics = [#tpu.dimension_semantics<arbitrary>], iteration_bounds = array<i64: 10>, scalar_prefetch = 0 : i64, scratch_operands = 0 : i64, tpu.core_type = #tpu.core_type<tc>, window_params = [{transform_indices = @transform_0, window_bounds = array<i64: 1000, 128>}, {transform_indices = @transform_1, window_bounds = array<i64: 1000, 128>}, {transform_indices = @transform_2, window_bounds = array<i64: 1000, 128>}, {transform_indices = @transform_3, window_bounds = array<i64: 1000, 1>}, {pipeline_mode = #tpu.pipeline_mode<synchronous>, transform_indices = @transform_4, window_bounds = array<i64: 1, 128>}, {pipeline_mode = #tpu.pipeline_mode<synchronous>, transform_indices = @transform_5, window_bounds = array<i64: 1, 128>}, {pipeline_mode = #tpu.pipeline_mode<synchronous>, transform_indices = @transform_6, window_bounds = array<i64: 1, 128>}, {pipeline_mode = #tpu.pipeline_mode<synchronous>, transform_indices = @transform_7, window_bounds = array<i64: 128, 128>}, {transform_indices = @transform_8, window_bounds = array<i64: 1000, 128>}, {transform_indices = @transform_9, window_bounds = array<i64: 1000, 128>}]} {
    %get3A = arith.constant 0 : index
    %get3A_0 = arith.constant 0 : index
    %get3A_1 = vector.load %arg4[%get3A, %get3A_0] : memref<1000x1xf32, #tpu.memory_space<vmem>>, vector<1000x1xf32>
    %get3A_2 = arith.constant 0 : index
    %get3A_3 = arith.constant 0 : index
    %get3A_4 = vector.load %arg1[%get3A_2, %get3A_3] : memref<1000x128xf32, #tpu.memory_space<vmem>>, vector<1000x128xf32>
    %get3A_5 = arith.constant 0 : index
    %get3A_6 = arith.constant 0 : index
    %get3A_7 = vector.load %arg2[%get3A_5, %get3A_6] : memref<1000x128xf32, #tpu.memory_space<vmem>>, vector<1000x128xf32>
    %get3A_8 = arith.constant 0 : index
    %get3A_9 = arith.constant 0 : index
    %get3A_10 = vector.load %arg3[%get3A_8, %get3A_9] : memref<1000x128xf32, #tpu.memory_space<vmem>>, vector<1000x128xf32>
    %add3A = arith.addf %get3A_7, %get3A_10 : vector<1000x128xf32>
    %mul3A = vector.broadcast %get3A_1 : vector<1000x1xf32> to vector<1000x128xf32>
    %mul3A_11 = arith.mulf %mul3A, %add3A : vector<1000x128xf32>
    %add3A_12 = arith.addf %get3A_4, %mul3A_11 : vector<1000x128xf32>
    %max3A = arith.constant 0.000000e+00 : f32
    %max3A_13 = vector.broadcast %max3A : f32 to vector<1000x128xf32>
    %max3A_14 = arith.maximumf %add3A_12, %max3A_13 : vector<1000x128xf32>
    %reduce_sum3A = arith.constant dense<0.000000e+00> : vector<1000xf32>
    %reduce_sum3A_15 = vector.multi_reduction <add>, %max3A_14, %reduce_sum3A [1] : vector<1000x128xf32> to vector<1000xf32>
    %broadcast_in_dim3A = vector.shape_cast %reduce_sum3A_15 : vector<1000xf32> to vector<1000x1xf32>
    %div3A = arith.constant 1.280000e+02 : f32
    %div3A_16 = vector.broadcast %div3A : f32 to vector<1000x1xf32>
    %div3A_17 = arith.divf %broadcast_in_dim3A, %div3A_16 : vector<1000x1xf32>
    %sub3A = vector.broadcast %div3A_17 : vector<1000x1xf32> to vector<1000x128xf32>
    %sub3A_18 = arith.subf %max3A_14, %sub3A : vector<1000x128xf32>
    %mul3A_19 = arith.mulf %sub3A_18, %sub3A_18 : vector<1000x128xf32>
    %reduce_sum3A_20 = arith.constant dense<0.000000e+00> : vector<1000xf32>
    %reduce_sum3A_21 = vector.multi_reduction <add>, %mul3A_19, %reduce_sum3A_20 [1] : vector<1000x128xf32> to vector<1000xf32>
    %broadcast_in_dim3A_22 = vector.shape_cast %reduce_sum3A_21 : vector<1000xf32> to vector<1000x1xf32>
    %div3A_23 = arith.constant 1.280000e+02 : f32
    %div3A_24 = vector.broadcast %div3A_23 : f32 to vector<1000x1xf32>
    %div3A_25 = arith.divf %broadcast_in_dim3A_22, %div3A_24 : vector<1000x1xf32>
    %add3A_26 = arith.constant 9.99999974E-6 : f32
    %add3A_27 = vector.broadcast %add3A_26 : f32 to vector<1000x1xf32>
    %add3A_28 = arith.addf %div3A_25, %add3A_27 : vector<1000x1xf32>
    %rsqrt3A = math.rsqrt %add3A_28 : vector<1000x1xf32>
    %mul3A_29 = vector.broadcast %rsqrt3A : vector<1000x1xf32> to vector<1000x128xf32>
    %mul3A_30 = arith.mulf %sub3A_18, %mul3A_29 : vector<1000x128xf32>
    %get3A_31 = arith.constant 0 : index
    %get3A_32 = arith.constant 0 : index
    %get3A_33 = vector.load %arg5[%get3A_31, %get3A_32] : memref<1x128xf32, #tpu.memory_space<vmem>>, vector<1x128xf32>
    %mul3A_34 = vector.broadcast %get3A_33 : vector<1x128xf32> to vector<1000x128xf32>
    %mul3A_35 = arith.mulf %mul3A_30, %mul3A_34 : vector<1000x128xf32>
    %get3A_36 = arith.constant 0 : index
    %get3A_37 = arith.constant 0 : index
    %get3A_38 = vector.load %arg6[%get3A_36, %get3A_37] : memref<1x128xf32, #tpu.memory_space<vmem>>, vector<1x128xf32>
    %add3A_39 = vector.broadcast %get3A_38 : vector<1x128xf32> to vector<1000x128xf32>
    %add3A_40 = arith.addf %mul3A_35, %add3A_39 : vector<1000x128xf32>
    %get3A_41 = arith.constant 0 : index
    %get3A_42 = arith.constant 0 : index
    %get3A_43 = vector.load %arg8[%get3A_41, %get3A_42] : memref<128x128xf32, #tpu.memory_space<vmem>>, vector<128x128xf32>
    %dot_general3A = arith.constant dense<0.000000e+00> : vector<1000x128xf32>
    %dot_general3A_44 = tpu.matmul %add3A_40, %get3A_43, %dot_general3A {dimension_numbers = #tpu.dot_dimension_numbers<[1], [0], [0], [1], [0, 0, 1, 1], [], []>, transpose_lhs_hint = false} : vector<1000x128xf32>, vector<128x128xf32>, vector<1000x128xf32> -> vector<1000x128xf32>
    %mul3A_45 = arith.mulf %get3A_1, %get3A_1 : vector<1000x1xf32>
    %mul3A_46 = vector.broadcast %mul3A_45 : vector<1000x1xf32> to vector<1000x128xf32>
    %mul3A_47 = arith.mulf %mul3A_46, %dot_general3A_44 : vector<1000x128xf32>
    %add3A_48 = arith.addf %add3A_40, %mul3A_47 : vector<1000x128xf32>
    %get3A_49 = arith.constant 0 : index
    %get3A_50 = arith.constant 0 : index
    %get3A_51 = vector.load %arg7[%get3A_49, %get3A_50] : memref<1x128xf32, #tpu.memory_space<vmem>>, vector<1x128xf32>
    %add3A_52 = vector.broadcast %get3A_51 : vector<1x128xf32> to vector<1000x128xf32>
    %add3A_53 = arith.addf %add3A_48, %add3A_52 : vector<1000x128xf32>
    %swap3A = arith.constant 0 : index
    %swap3A_54 = arith.constant 0 : index
    %swap3A_55 = vector.load %arg9[%swap3A, %swap3A_54] : memref<1000x128xf32, #tpu.memory_space<vmem>>, vector<1000x128xf32>
    tpu.vector_store %arg9[%swap3A, %swap3A_54], %add3A_53 {strides = array<i32>} : memref<1000x128xf32, #tpu.memory_space<vmem>>, vector<1000x128xf32>,
    %mul3A_56 = vector.broadcast %get3A_1 : vector<1000x1xf32> to vector<1000x128xf32>
    %mul3A_57 = arith.mulf %dot_general3A_44, %mul3A_56 : vector<1000x128xf32>
    %swap3A_58 = arith.constant 0 : index
    %swap3A_59 = arith.constant 0 : index
    %swap3A_60 = vector.load %arg10[%swap3A_58, %swap3A_59] : memref<1000x128xf32, #tpu.memory_space<vmem>>, vector<1000x128xf32>
    tpu.vector_store %arg10[%swap3A_58, %swap3A_59], %mul3A_57 {strides = array<i32>} : memref<1000x128xf32, #tpu.memory_space<vmem>>, vector<1000x128xf32>,
    return
  }
  func.func @transform_0(%arg0: i32) -> (i32, i32) {
    %c0_i32 = arith.constant 0 : i32
    %c0_i32_0 = arith.constant 0 : i32
    return %arg0, %c0_i32 : i32, i32
  }
  func.func @transform_1(%arg0: i32) -> (i32, i32) {
    %c0_i32 = arith.constant 0 : i32
    %c0_i32_0 = arith.constant 0 : i32
    return %arg0, %c0_i32 : i32, i32
  }
  func.func @transform_2(%arg0: i32) -> (i32, i32) {
    %c0_i32 = arith.constant 0 : i32
    %c0_i32_0 = arith.constant 0 : i32
    return %arg0, %c0_i32 : i32, i32
  }
  func.func @transform_3(%arg0: i32) -> (i32, i32) {
    %c0_i32 = arith.constant 0 : i32
    %c0_i32_0 = arith.constant 0 : i32
    return %arg0, %c0_i32 : i32, i32
  }
  func.func @transform_4(%arg0: i32) -> (i32, i32) {
    %c0_i32 = arith.constant 0 : i32
    %c0_i32_0 = arith.constant 0 : i32
    %c0_i32_1 = arith.constant 0 : i32
    return %c0_i32, %c0_i32_0 : i32, i32
  }
  func.func @transform_5(%arg0: i32) -> (i32, i32) {
    %c0_i32 = arith.constant 0 : i32
    %c0_i32_0 = arith.constant 0 : i32
    %c0_i32_1 = arith.constant 0 : i32
    return %c0_i32, %c0_i32_0 : i32, i32
  }
  func.func @transform_6(%arg0: i32) -> (i32, i32) {
    %c0_i32 = arith.constant 0 : i32
    %c0_i32_0 = arith.constant 0 : i32
    %c0_i32_1 = arith.constant 0 : i32
    return %c0_i32, %c0_i32_0 : i32, i32
  }
  func.func @transform_7(%arg0: i32) -> (i32, i32) {
    %c0_i32 = arith.constant 0 : i32
    %c0_i32_0 = arith.constant 0 : i32
    %c0_i32_1 = arith.constant 0 : i32
    return %c0_i32, %c0_i32_0 : i32, i32
  }
  func.func @transform_8(%arg0: i32) -> (i32, i32) {
    %c0_i32 = arith.constant 0 : i32
    %c0_i32_0 = arith.constant 0 : i32
    return %arg0, %c0_i32 : i32, i32
  }
  func.func @transform_9(%arg0: i32) -> (i32, i32) {
    %c0_i32 = arith.constant 0 : i32
    %c0_i32_0 = arith.constant 0 : i32
    return %arg0, %c0_i32 : i32, i32
  }
}

module attributes {stable_mosaic.version = 14 : i64} {
  func.func @_post_last_body(%arg0: i32, %arg1: memref<1000x128xf32, #tpu.memory_space<vmem>>, %arg2: memref<1000x128xf32, #tpu.memory_space<vmem>>, %arg3: memref<1000x128xf32, #tpu.memory_space<vmem>>, %arg4: memref<1000x1xf32, #tpu.memory_space<vmem>>, %arg5: memref<1000x128xf32, #tpu.memory_space<vmem>>, %arg6: memref<1000x128xf32, #tpu.memory_space<vmem>>) attributes {dimension_semantics = [#tpu.dimension_semantics<arbitrary>], iteration_bounds = array<i64: 10>, scalar_prefetch = 0 : i64, scratch_operands = 0 : i64, tpu.core_type = #tpu.core_type<tc>, window_params = [{transform_indices = @transform_0, window_bounds = array<i64: 1000, 128>}, {transform_indices = @transform_1, window_bounds = array<i64: 1000, 128>}, {transform_indices = @transform_2, window_bounds = array<i64: 1000, 128>}, {transform_indices = @transform_3, window_bounds = array<i64: 1000, 1>}, {transform_indices = @transform_4, window_bounds = array<i64: 1000, 128>}, {transform_indices = @transform_5, window_bounds = array<i64: 1000, 128>}]} {
    %get3A = arith.constant 0 : index
    %get3A_0 = arith.constant 0 : index
    %get3A_1 = vector.load %arg1[%get3A, %get3A_0] : memref<1000x128xf32, #tpu.memory_space<vmem>>, vector<1000x128xf32>
    %get3A_2 = arith.constant 0 : index
    %get3A_3 = arith.constant 0 : index
    %get3A_4 = vector.load %arg4[%get3A_2, %get3A_3] : memref<1000x1xf32, #tpu.memory_space<vmem>>, vector<1000x1xf32>
    %get3A_5 = arith.constant 0 : index
    %get3A_6 = arith.constant 0 : index
    %get3A_7 = vector.load %arg2[%get3A_5, %get3A_6] : memref<1000x128xf32, #tpu.memory_space<vmem>>, vector<1000x128xf32>
    %get3A_8 = arith.constant 0 : index
    %get3A_9 = arith.constant 0 : index
    %get3A_10 = vector.load %arg3[%get3A_8, %get3A_9] : memref<1000x128xf32, #tpu.memory_space<vmem>>, vector<1000x128xf32>
    %add3A = arith.addf %get3A_7, %get3A_10 : vector<1000x128xf32>
    %mul3A = vector.broadcast %get3A_4 : vector<1000x1xf32> to vector<1000x128xf32>
    %mul3A_11 = arith.mulf %mul3A, %add3A : vector<1000x128xf32>
    %add3A_12 = arith.addf %get3A_1, %mul3A_11 : vector<1000x128xf32>
    %swap3A = arith.constant 0 : index
    %swap3A_13 = arith.constant 0 : index
    %swap3A_14 = vector.load %arg5[%swap3A, %swap3A_13] : memref<1000x128xf32, #tpu.memory_space<vmem>>, vector<1000x128xf32>
    tpu.vector_store %arg5[%swap3A, %swap3A_13], %add3A_12 {strides = array<i32>} : memref<1000x128xf32, #tpu.memory_space<vmem>>, vector<1000x128xf32>,
    %max3A = arith.constant 0.000000e+00 : f32
    %max3A_15 = vector.broadcast %max3A : f32 to vector<1000x128xf32>
    %max3A_16 = arith.maximumf %add3A_12, %max3A_15 : vector<1000x128xf32>
    %swap3A_17 = arith.constant 0 : index
    %swap3A_18 = arith.constant 0 : index
    %swap3A_19 = vector.load %arg6[%swap3A_17, %swap3A_18] : memref<1000x128xf32, #tpu.memory_space<vmem>>, vector<1000x128xf32>
    tpu.vector_store %arg6[%swap3A_17, %swap3A_18], %max3A_16 {strides = array<i32>} : memref<1000x128xf32, #tpu.memory_space<vmem>>, vector<1000x128xf32>,
    return
  }
  func.func @transform_0(%arg0: i32) -> (i32, i32) {
    %c0_i32 = arith.constant 0 : i32
    %c0_i32_0 = arith.constant 0 : i32
    return %arg0, %c0_i32 : i32, i32
  }
  func.func @transform_1(%arg0: i32) -> (i32, i32) {
    %c0_i32 = arith.constant 0 : i32
    %c0_i32_0 = arith.constant 0 : i32
    return %arg0, %c0_i32 : i32, i32
  }
  func.func @transform_2(%arg0: i32) -> (i32, i32) {
    %c0_i32 = arith.constant 0 : i32
    %c0_i32_0 = arith.constant 0 : i32
    return %arg0, %c0_i32 : i32, i32
  }
  func.func @transform_3(%arg0: i32) -> (i32, i32) {
    %c0_i32 = arith.constant 0 : i32
    %c0_i32_0 = arith.constant 0 : i32
    return %arg0, %c0_i32 : i32, i32
  }
  func.func @transform_4(%arg0: i32) -> (i32, i32) {
    %c0_i32 = arith.constant 0 : i32
    %c0_i32_0 = arith.constant 0 : i32
    return %arg0, %c0_i32 : i32, i32
  }
  func.func @transform_5(%arg0: i32) -> (i32, i32) {
    %c0_i32 = arith.constant 0 : i32
    %c0_i32_0 = arith.constant 0 : i32
    return %arg0, %c0_i32 : i32, i32
  }
}

</mosaic_0001>

<sc_bundles>
// kernel: _run.10.cloned.1.call-start
scs
__scs_entry_jumppad:
0x0: {  	(pc) =	sbr.rel $0x88, $3  }
0x1: {  	(tag) =	ssettag $0x0;
	lr =	simm.s32 $0x1  }
0x2: {  	[smem:$0x3F95] =	sst lr;
	_ =	strace $0xD0000000  }
0x3: {  	_ = 	snop  }
0x4: {  	_ = 	snop  }
0x5: {  	_ = 	snop  }
0x6: {  	_ = 	snop  }
0x7: {  	_ = 	snop  }
__scs_overlays_trampoline_lowered:
0x8: {  	[smem:$0x3FA4] =	sst s0  }
0x9: {  	[smem:$0x3FA5] =	sst s1  }
0xa: {  	[smem:$0x3FA6] =	sst s2  }
0xb: {  	[smem:$0x3FA7] =	sst s3  }
0xc: {  	[smem:$0x3FA8] =	sst s4  }
0xd: {  	[smem:$0x3FA9] =	sst s5  }
0xe: {  	[smem:$0x3FAA] =	sst s6  }
0xf: {  	[smem:$0x3FAB] =	sst s7  }
0x10: {  	[smem:$0x3FAC] =	sst s8  }
0x11: {  	[smem:$0x3FAD] =	sst s9;
	s0 =	simm.s32 @!p0 $0x0  }
0x12: {  	s1 =	sld [smem:$0x3F93];
	s0 =	simm.s32 @p0 $0x1  }
0x13: {  	[smem:$0x3FAE] =	sst s0;
	s0 =	simm.s32 @!p1 $0x0  }
0x14: {  	s2 =	sld [smem:$0x3F92];
	s0 =	simm.s32 @p1 $0x1  }
0x15: {  	[smem:$0x3FAF] =	sst s0;
	s0 =	simm.s32 @!p2 $0x0  }
0x16: {  	s3 =	sld [smem:$0x3FDB];
	s0 =	simm.s32 @p2 $0x1  }
0x17: {  	s4 =	simm.s32 $0x1BF5;
	[smem:$0x3FB1] =	sst s0  }
0x18: {  	s0 =	sld [smem:$0x3F94];
	_ =	swait.ge [sflag:s4], $0x0  }
0x19: {  	s7 =	sld [smem:$0x3F95]  }
0x1a: {  	s8 =	sadd.s32 $0xFFFFE003, lr  }
0x1b: {  	s9 =	sadd.s32 $0xFFFFFEF7, lr;
	s5 =	simm.s32 $0xFFFFFFFF;
	p2 =	slt.u32 s8, $0xFFFFF086  }
0x1c: {  	p1 =	slt.u32 s9, $0xF7A;
	s5 =	simm.s32 @!p2 $0x0  }
0x1d: {  	s5 =	simm.s32 @p1 $0x1;
	p0 =	seq.s32 s7, s2  }
0x1e: {  	s7 =	smul.u32 @!p0 $0xF7A, s2;
	p2 =	seq.s32 @!p0 s5, $0x0  }
0x1f: {  	s9 =	smul.u32 $0xF7A, s1;
	s8 =	simm.s32 @!p0 $0x1BF5;
	p2 =	por !p2, p0  }
0x20: {  	[sflag:s8] =	ssyncset.s32 @!p0 $0xFFFFF086;
	s6 =	sadd.s32 @!p0 s3, s7;
	s7 =	simm.s32 @!p0 $0x108  }
0x21: {  	s3 =	sadd.s32 s3, s9;
	s6 =	sadd.s32 @!p0 $0x88, s6;
	s7 =	simm.s32 @p2 $0x1082  }
0x22: {  	[simem:s7], [sflag:s8] =	dma.local @!p0 [hbm:s6], $0xF7A  }
0x23: {  	s9 =	sor.u32 $0xD0000000, s2;
	s6 =	simm.s32 $0x108;
	_ =	swait.ge @!p0 [sflag:s8], $0x0  }
0x24: {  	s3 =	sadd.s32 $0x88, s3;
	s6 =	simm.s32 @!p1 $0x1082;
	[sflag:s4] =	ssyncset.s32 $0xFFFFF086  }
0x25: {  	[simem:s6], [sflag:s4] =	dma.local [hbm:s3], $0xF7A  }
0x26: {  	[smem:$0x3F95] =	sst s1;
	(tag) =	ssettag s2;
	_ =	strace s9  }
0x27: {  	s1 =	sld [smem:$0x3FA5]  }
0x28: {  	s2 =	sld [smem:$0x3FA6]  }
0x29: {  	s4 =	sld [smem:$0x3FA8]  }
0x2a: {  	p0 =	seq.s32 s5, $0x0;
	s5 =	sld [smem:$0x3FA9]  }
0x2b: {  	s6 =	sld [smem:$0x3FAA]  }
0x2c: {  	s7 =	sld [smem:$0x3FAB]  }
0x2d: {  	s3 =	simm.s32 $0x108;
	s8 =	sld [smem:$0x3FAC]  }
0x2e: {  	s3 =	simm.s32 @!p0 $0x1082;
	s9 =	sld [smem:$0x3FAD]  }
0x2f: {  	lr =	sadd.s32 s0, s3;
	s0 =	sld [smem:$0x3FA4]  }
0x30: {  	s3 =	sld [smem:$0x3FA7]  }
0x31: {  	[smem:$0x3FB0] =	sst s10  }
0x32: {  	s10 =	sld [smem:$0x3FAE];
	_ =	sdelay $0x3  }
0x33: {  	p0 =	seq.s32 s10, $0x1;
	s10 =	sld [smem:$0x3FB0];
	_ =	sdelay $0x3  }
0x34: {  	[smem:$0x3FB0] =	sst s10  }
0x35: {  	s10 =	sld [smem:$0x3FAF];
	_ =	sdelay $0x3  }
0x36: {  	p1 =	seq.s32 s10, $0x1;
	s10 =	sld [smem:$0x3FB0];
	_ =	sdelay $0x3  }
0x37: {  	[smem:$0x3FB0] =	sst s10  }
0x38: {  	s10 =	sld [smem:$0x3FB1]  }
0x39: {  	_ = 	snop;
	(pc) =	sbr.ind lr, $3  }
0x3a: {  	_ = 	snop  }
0x3b: {  	_ = 	snop  }
0x3c: {  	p2 =	seq.s32 s10, $0x1;
	s10 =	sld [smem:$0x3FB0]  }
0x3d: {  	_ =	shalt  }
0x3e: {  	_ =	shalt  }
0x3f: {  	_ =	shalt  }
0x40: {  	_ =	shalt  }
0x41: {  	_ =	shalt  }
0x42: {  	_ =	shalt  }
0x43: {  	_ =	shalt  }
0x44: {  	_ =	shalt  }
0x45: {  	_ =	shalt  }
0x46: {  	_ =	shalt  }
0x47: {  	_ =	shalt  }
0x48: {  	_ =	shalt  }
0x49: {  	_ =	shalt  }
0x4a: {  	_ =	shalt  }
0x4b: {  	_ =	shalt  }
0x4c: {  	_ =	shalt  }
0x4d: {  	_ =	shalt  }
0x4e: {  	_ =	shalt  }
0x4f: {  	_ =	shalt  }
0x50: {  	_ =	shalt  }
0x51: {  	_ =	shalt  }
0x52: {  	_ =	shalt  }
0x53: {  	_ =	shalt  }
0x54: {  	_ =	shalt  }
0x55: {  	_ =	shalt  }
0x56: {  	_ =	shalt  }
0x57: {  	_ =	shalt  }
0x58: {  	_ =	shalt  }
0x59: {  	_ =	shalt  }
0x5a: {  	_ =	shalt  }
0x5b: {  	_ =	shalt  }
0x5c: {  	_ =	shalt  }
0x5d: {  	_ =	shalt  }
0x5e: {  	_ =	shalt  }
0x5f: {  	_ =	shalt  }
0x60: {  	_ =	shalt  }
0x61: {  	_ =	shalt  }
0x62: {  	_ =	shalt  }
0x63: {  	_ =	shalt  }
0x64: {  	_ =	shalt  }
0x65: {  	_ =	shalt  }
0x66: {  	_ =	shalt  }
0x67: {  	_ =	shalt  }
0x68: {  	_ =	shalt  }
0x69: {  	_ =	shalt  }
0x6a: {  	_ =	shalt  }
0x6b: {  	_ =	shalt  }
0x6c: {  	_ =	shalt  }
0x6d: {  	_ =	shalt  }
0x6e: {  	_ =	shalt  }
0x6f: {  	_ =	shalt  }
0x70: {  	_ =	shalt  }
0x71: {  	_ =	shalt  }
0x72: {  	_ =	shalt  }
0x73: {  	_ =	shalt  }
0x74: {  	_ =	shalt  }
0x75: {  	_ =	shalt  }
0x76: {  	_ =	shalt  }
0x77: {  	_ =	shalt  }
0x78: {  	_ =	shalt  }
0x79: {  	_ =	shalt  }
0x7a: {  	_ =	shalt  }
0x7b: {  	_ =	shalt  }
0x7c: {  	_ =	shalt  }
0x7d: {  	_ =	shalt  }
0x7e: {  	_ =	shalt  }
0x7f: {  	_ =	shalt  }
0x80: {  	_ =	shalt  }
0x81: {  	_ =	shalt  }
0x82: {  	_ =	shalt  }
0x83: {  	_ =	shalt  }
0x84: {  	_ =	shalt  }
0x85: {  	_ =	shalt  }
0x86: {  	_ =	shalt  }
0x87: {  	_ =	shalt  }
.Lfunc_end0:
.L_simem_size_0:
called_computation_lowered:
.L_overlay_start_0:
0x88: {  	s2 =	sld [smem:$0x3FD9]  }
0x89: {  	s3 =	sld [smem:$0x3FFE];
	_ =	sdelay $0x1  }
0x8a: {  	s1 =	srdreg.scid  }
0x8b: {  	s0 =	sand.u32 $0x1, s1  }
0x8c: {  	s14 =	sshll.u32 s0, $0xA;
	s2 =	sadd.s32 s3, s2  }
0x8d: {  	s2 =	sadd.s32 s2, s14  }
0x8e: {  	[smem:$0x3FBC] =	sst s2  }
0x8f: {  	_ = 	snop  }
0x90: {  	s2 =	sld [smem:$0x3FD0];
	_ =	sdelay $0x2  }
0x91: {  	s15 =	simm.s32 $0xA;
	s4 =	simm.s32 $0x10  }
0x92: {  	[smem:s4], [sflag:s15] =	dma.local [hbm:s2], $0x1  }
0x93: {  	_ =	swait.eq [sflag:s15], $0x1  }
0x94: {  	[sflag:s15] =	ssyncset.done $0x0  }
0x95: {  	s16 =	sld [smem:$0x10];
	[sflag:s15] =	ssyncadd.s32 $0xFFFFFFFF  }
0x96: {  	s17 =	sld [smem:$0x11];
	(tm) =	ssettm $0x1  }
0x97: {  	s18 =	sld [smem:$0x3FFB];
	_ =	sdelay $0x3  }
0x98: {  	_ =	strace s18  }
0x99: {  	s4 =	sld [smem:$0x3FFC];
	_ =	sdelay $0x3  }
0x9a: {  	_ =	strace s4  }
0x9b: {  	s4 =	sld [smem:$0x3FFD];
	_ =	sdelay $0x3  }
0x9c: {  	_ =	strace s4  }
0x9d: {  	_ =	strace $0x8FFFFFFF  }
0x9e: {  	s19 =	sld [smem:$0x3FDB];
	_ =	sdelay $0x1  }
0x9f: {  	s5 =	simm.s32 $_scs_section_size  }
0xa0: {  	s6 =	simm.s32 $_size__tile_overlayer_lowered;
	s7 =	simm.s32 $_tile_overlayer_lowered  }
0xa1: {  	s22 =	simm.s32 $0x1BFF;
	s21 =	sshll.u32 s7, $0x1;
	s4 =	sadd.s32 s5, s19  }
0xa2: {  	s8 =	simm.s32 $0x0;
	s20 =	sshll.u32 s6, $0x1;
	s6 =	sadd.s32 s21, s4  }
0xa3: {  	[timem:s8], [sflag:s22] =	dma.local [hbm:s6], s20  }
0xa4: {  	_ =	swait.ge [sflag:s22], s20  }
0xa5: {  	s5 =	ssub.s32 $0x0, s20;
	[sflag:s22] =	ssyncset.done $0x0  }
0xa6: {  	[sflag:s22] =	ssyncadd.s32 s5;
	_ =	sdelay $0x1  }
0xa7: {  	s23 =	simm.s32 $0x1B8B  }
0xa8: {  	_ =	swait.ge [sflag:s23], $0x1  }
0xa9: {  	[sflag:s23] =	ssyncset.done $0x0  }
0xaa: {  	s25 =	simm.s32 $0x1B8E;
	s24 =	sld [smem:$0x3FFE];
	[sflag:s23] =	ssyncadd.s32 $0xFFFFFFFF  }
0xab: {  	s26 =	simm.s32 $execute0_lowered;
	[smem:$0x3FD2] =	sst s25  }
0xac: {  	s6 =	sshll.u32 s26, $0x1;
	_ =	strace $0x80000046;
	[dreg:$0x1] =	wrdreg $0xFFFFFFFF  }
0xad: {  	s28 =	simm.s32 $_size_execute0_lowered;
	s4 =	sadd.s32 s4, s6;
	[dreg:$0x0] =	wrdreg $0x0  }
0xae: {  	s6 =	sshll.u32 s28, $0x1;
	[dreg:$0x2] =	wrdreg s4  }
0xaf: {  	[dreg:$0x3] =	wrdreg s6  }
0xb0: {  	[dreg:$0x4] =	wrdreg $0xC0  }
0xb1: {  	_ =	task [dreg:s8], $0x5FFFF  }
0xb2: {  	[dreg:$0x1] =	wrdreg $0xFFFFFFFF  }
0xb3: {  	[dreg:$0x0] =	wrdreg $0x60  }
0xb4: {  	[dreg:$0x2] =	wrdreg s24  }
0xb5: {  	[dreg:$0x3] =	wrdreg s17  }
0xb6: {  	[dreg:$0x4] =	wrdreg s16  }
0xb7: {  	[dreg:$0x5] =	wrdreg $0x41000  }
0xb8: {  	[dreg:$0x6] =	wrdreg $0x9  }
0xb9: {  	_ =	task.clear_ibuf [dreg:s8], $0x7FFFF;
	_ =	strace $0x90000046  }
0xba: {  	s29 =	simm.s32 $0x9;
	_ =	strace $0x80000048  }
0xbb: {  	_ =	swait.ge [sflag:s29], $0x1  }
0xbc: {  	[sflag:s29] =	ssyncadd.s32 $0xFFFFFFFF  }
0xbd: {  	_ =	strace $0x90000048  }
0xbe: {  	_ =	sfence  }
0xbf: {  	s30 =	sld [smem:$0x0];
	_ =	sdelay $0x2  }
0xc0: {  	s31 =	sshll.u32 s1, $0xD;
	s1 =	sshrl.u32 s1, $0x2  }
0xc1: {  	s3 =	sand.u32 $0x4000, s31;
	s1 =	sadd.s32 s1, s30  }
0xc2: {  	s0 =	sor.u32 s3, s0;
	s1 =	sshll.u32 s1, $0x11  }
0xc3: {  	s0 =	sor.u32 s1, s0  }
0xc4: {  	s0 =	sadd.s32 $0x8F2B, s0  }
0xc5: {  	[sflag:s0] =	ssyncadd.remote.s32 $0x1  }
0xc6: {  	_ =	sfence.sel $0xFFFF  }
0xc7: {  	[dreg:$0x0] =	wrdreg $0xFFFFFFFF;
	(pc) =	sbr.abs _section_cstart, $3  }
0xc8: {  	[dreg:$0x1] =	wrdreg $0xFFFFFFFF  }
0xc9: {  	_ =	task.clear_ibuf [dreg:s8], $0x2FFFF;
	_ =	strace $0x9FFFFFFF  }
0xca: {  	(tm) =	ssettm $0x7FFFFFFF  }
0xcb: {  	_ =	shalt  }
tec
execute0_lowered:
.L_overlay_start_1:
0x0: {  	(tag) =	ssettag $0x1  }
0x1: {  	s14 =	rddreg [dreg:$0x0]  }
0x2: {  	s9 =	rddreg [dreg:$0x1]  }
0x3: {  	s12 =	rddreg [dreg:$0x2]  }
0x4: {  	s1 =	rddreg [dreg:$0x3]  }
0x5: {  	s3 =	simm.s32 $0x0;
	s2 =	stileid.u32;
	s6 =	srdreg.scid  }
0x6: {  	s21 =	simm.s32 $0x100;
	s22 =	simm.s32 $0x3;
	s23 =	simm.s32 $0x80  }
0x7: {  	s24 =	simm.s32 $0x1;
	s25 =	simm.s32 $0x2;
	s26 =	simm.s32 $0x0  }
0x8: {  	[smem:$0x7FF] =	sst s3;
	s4 =	sadd.s32 $0x5400, s14;
	s11 =	smul.u32 $0x2780, s2  }
0x9: {  	s5 =	sadd.s32 $0x19000, s14;
	s13 =	sand.u32 $0x1, s6;
	s8 =	smul.u32 $0x4F000, s2  }
0xa: {  	s7 =	sshll.u32 s2, $0x1;
	s17 =	smul.u32 $0x4F00, s2;
	p0 =	seq.s32 s2, $0xF  }
0xb: {  	_ =	strace $0x80000047;
	s6 =	ssub.s32 $0x2, s13;
	s7 =	sor.u32 s13, s7  }
0xc: {  	s18 =	smul.u32 $0x2780, s13;
	p4 =	seq.s32 s13, $0x1;
	s19 =	sshll.u32 @!p0 s2, $0x6  }
0xd: {  	s15 =	sadd.s32 s11, s14;
	s10 =	sshrl.u32 s6, $0x1;
	s30 =	smul.u32 $0x2780, s7  }
0xe: {  	s31 =	sshrl.u32 s8, $0x2;
	s7 =	sadd.s32 s9, s11;
	s8 =	sadd.s32 $0x128400, s1  }
0xf: {  	s9 =	sadd.s32 $0x25080, s9;
	s11 =	sadd.s32 s12, s11;
	s12 =	sadd.s32 $0x25080, s12  }
0x10: {  	s14 =	sadd.s32 $0x3E880, s14;
	s19 =	sor.u32 @!p0 $0x1C03, s19;
	p2 =	seq.s32 @p4 s2, $0xF  }
0x11: {  	p5 =	seq.s32 @!p4 s2, $0xF;
	s16 =	ssub.s32 s6, s10;
	s6 =	sadd.s32 s31, s1  }
0x12: {  	s17 =	sadd.s32 s18, s17;
	s13 =	sadd.s32 $0x19800, s15;
	p1 =	por !p2, !p4  }
0x13: {  	p2 =	por p2, !p4;
	p3 =	por !p5, p4;
	p4 =	por p5, p4  }
0x14: {  	s10 =	sshrl.u32 s30, $0x3;
	s18 =	sadd.s32 $0x80, s17;
	s15 =	smax.u32 s16, $0x1  }
0x15: {  	s16 =	sadd.s32 $0x100, s17;
	s20 =	sshrl.u32 @!p0 s6, $0x3;
	s18 =	sshrl.u32 s18, $0x3  }
0x16: {  	s10 =	sadd.s32 s4, s10;
	s17 =	sadd.s32 s18, s4;
	s18 =	sshrl.u32 @p0 s8, $0x3  }
.LBB2_1:
0x17: {  	s28 =	simm.s32 @p0 $0x1FC3  }
0x18: {  	[spmem:s18], [sflag:s28] =	dma.local @p0 [hbm:s9], $0x2080  }
0x19: {  	s28 =	simm.s32 @p0 $0x3  }
0x1a: {  	_ =	swait.ge @p0 [sflag:s28], $0x2080  }
0x1b: {  	[sflag:s28] =	ssyncset.done @p0 $0x0  }
0x1c: {  	[sflag:s28] =	ssyncadd.s32 @p0 $0xFFFFDF80;
	s28 =	simm.s32 @!p0 $0x3  }
0x1d: {  	[spmem:s20], [sflag:s19] =	dma.local @!p0 [hbm:s7], $0x2780  }
0x1e: {  	_ =	swait.ge @!p0 [sflag:s28], $0x2780  }
0x1f: {  	[sflag:s28] =	ssyncset.done @!p0 $0x0  }
0x20: {  	[sflag:s28] =	ssyncadd.s32 @!p0 $0xFFFFD880  }
0x21: {  	[tilespmem:s21], [sflag:$0x3] =	stream.linear.gather [hbm4b:s5+s3], $0x4000, $0x38;
	[tilespmem:$0x17A00] =	vst v63  }
0x22: {  	_ =	swait.ge [sflag:s22], $0x4000  }
0x23: {  	[sflag:s22] =	ssyncset.done $0x0  }
0x24: {  	[sflag:s22] =	ssyncadd.s32 $0xFFFFC000  }
0x25: {  	[bflag:$0x0] =	sbarrier.arrive $0xFFFF  }
0x26: {  	[tilespmem:s3], [sflag:$0x1] =	stream.linear.gather [hbm4b:s10+s3], $0x80, $0x38;
	[tilespmem:$0x17A00] =	vst v63  }
0x27: {  	s28 =	sadd.s32 $0x0, s17  }
0x28: {  	[tilespmem:s23], [sflag:$0x2] =	stream.linear.gather [hbm4b:s28+s3], $0x80, $0x38;
	[tilespmem:$0x17A00] =	vst v63  }
0x29: {  	_ =	swait.ge [sflag:s24], $0x80  }
0x2a: {  	[sflag:s24] =	ssyncset.done $0x0  }
0x2b: {  	[sflag:s24] =	ssyncadd.s32 $0xFFFFFF80  }
0x2c: {  	[spmem:s1] =	stream.indirect.scatter.add.f32 [tilespmem:s21], [sflag:$0x3], $0x80, s3, s23, $0xb8;
	[tilespmem:$0x17A00] =	vst v63  }
0x2d: {  	_ =	swait.ge [sflag:s22], $0x4000  }
0x2e: {  	s28 =	sshrl.u32 s16, $0x3;
	[sflag:s22] =	ssyncset.done $0x0  }
0x2f: {  	s28 =	sadd.s32 s4, s28;
	[sflag:s22] =	ssyncadd.s32 $0xFFFFC000  }
0x30: {  	[tilespmem:s3], [sflag:$0x1] =	stream.linear.gather [hbm4b:s28+s3], $0x80, $0x38;
	[tilespmem:$0x17A00] =	vst v63  }
0x31: {  	_ =	swait.ge [sflag:s25], $0x80  }
0x32: {  	[sflag:s25] =	ssyncset.done $0x0  }
0x33: {  	[sflag:s25] =	ssyncadd.s32 $0xFFFFFF80  }
0x34: {  	[spmem:s1] =	stream.indirect.scatter.add.f32 [tilespmem:s21], [sflag:$0x3], $0x80, s23, s23, $0xb8;
	[tilespmem:$0x17A00] =	vst v63  }
0x35: {  	s29 =	simm.s32 $0x20;
	_ =	swait.ge [sflag:s22], $0x4000  }
0x36: {  	s30 =	simm.s32 $0x40;
	s28 =	sadd.s32 $0x100, s16;
	[sflag:s22] =	ssyncset.done $0x0  }
.LBB2_2:
0x37: {  	s31 =	sadd.s32 s29, s17  }
0x38: {  	[sflag:s22] =	ssyncadd.s32 $0xFFFFC000;
	s29 =	smov.u32 s30;
	s0 =	sadd.s32 $0x20, s30  }
0x39: {  	[tilespmem:s23], [sflag:$0x2] =	stream.linear.gather [hbm4b:s31+s3], $0x80, $0x38;
	[tilespmem:$0x17A00] =	vst v63  }
0x3a: {  	p5 =	sne.s32 s30, $0x4C0;
	_ =	swait.ge [sflag:s24], $0x80  }
0x3b: {  	[sflag:s24] =	ssyncset.done $0x0  }
0x3c: {  	[sflag:s24] =	ssyncadd.s32 $0xFFFFFF80  }
0x3d: {  	[spmem:s1] =	stream.indirect.scatter.add.f32 [tilespmem:s21], [sflag:$0x3], $0x80, s3, s23, $0xb8;
	[tilespmem:$0x17A00] =	vst v63  }
0x3e: {  	_ =	swait.ge [sflag:s22], $0x4000  }
0x3f: {  	s30 =	sshrl.u32 s28, $0x3;
	[sflag:s22] =	ssyncset.done $0x0  }
0x40: {  	s30 =	sadd.s32 s4, s30;
	[sflag:s22] =	ssyncadd.s32 $0xFFFFC000  }
0x41: {  	[tilespmem:s3], [sflag:$0x1] =	stream.linear.gather [hbm4b:s30+s3], $0x80, $0x38;
	[tilespmem:$0x17A00] =	vst v63  }
0x42: {  	_ =	swait.ge [sflag:s25], $0x80  }
.Ltmp0:
0x43: {  	[sflag:s25] =	ssyncset.done $0x0;
	(pc) =	sbr.rel @p5 .LBB2_2-.Ltmp0, $4  }
0x44: {  	[sflag:s25] =	ssyncadd.s32 $0xFFFFFF80  }
0x45: {  	[spmem:s1] =	stream.indirect.scatter.add.f32 [tilespmem:s21], [sflag:$0x3], $0x80, s23, s23, $0xb8;
	[tilespmem:$0x17A00] =	vst v63  }
0x46: {  	_ =	swait.ge [sflag:s22], $0x4000  }
0x47: {  	s28 =	sadd.s32 $0x100, s28;
	s30 =	smov.u32 s0;
	[sflag:s22] =	ssyncset.done $0x0  }
0x48: {  	s0 =	sadd.s32 s29, s17;
	[sflag:s22] =	ssyncadd.s32 $0xFFFFC000  }
0x49: {  	[tilespmem:s23], [sflag:$0x2] =	stream.linear.gather [hbm4b:s0+s3], $0x80, $0x38;
	[tilespmem:$0x17A00] =	vst v63  }
0x4a: {  	_ =	swait.ge [sflag:s24], $0x80  }
0x4b: {  	[sflag:s24] =	ssyncset.done $0x0  }
0x4c: {  	[sflag:s24] =	ssyncadd.s32 $0xFFFFFF80  }
0x4d: {  	[spmem:s1] =	stream.indirect.scatter.add.f32 [tilespmem:s21], [sflag:$0x3], $0x80, s3, s23, $0xb8;
	[tilespmem:$0x17A00] =	vst v63  }
0x4e: {  	_ =	swait.ge [sflag:s22], $0x4000  }
0x4f: {  	s31 =	sshrl.u32 s28, $0x3;
	[sflag:s22] =	ssyncset.done $0x0  }
0x50: {  	s0 =	sadd.s32 s4, s31;
	[sflag:s22] =	ssyncadd.s32 $0xFFFFC000  }
0x51: {  	[tilespmem:s3], [sflag:$0x1] =	stream.linear.gather [hbm4b:s0+s3], $0x80, $0x38;
	[tilespmem:$0x17A00] =	vst v63  }
0x52: {  	_ =	swait.ge [sflag:s25], $0x80  }
0x53: {  	[sflag:s25] =	ssyncset.done $0x0  }
0x54: {  	[sflag:s25] =	ssyncadd.s32 $0xFFFFFF80  }
0x55: {  	[spmem:s1] =	stream.indirect.scatter.add.f32 [tilespmem:s21], [sflag:$0x3], $0x80, s23, s23, $0xb8;
	[tilespmem:$0x17A00] =	vst v63  }
0x56: {  	_ =	swait.ge [sflag:s22], $0x4000  }
0x57: {  	[sflag:s22] =	ssyncset.done $0x0  }
0x58: {  	[sflag:s22] =	ssyncadd.s32 $0xFFFFC000  }
0x59: {  	_ =	swait.ge [sflag:s24], $0x80  }
0x5a: {  	[sflag:s24] =	ssyncset.done $0x0  }
0x5b: {  	[sflag:s24] =	ssyncadd.s32 $0xFFFFFF80  }
0x5c: {  	[spmem:s1] =	stream.indirect.scatter.add.f32 [tilespmem:s21], [sflag:$0x3], $0x80, s3, s23, $0xb8;
	[tilespmem:$0x17A00] =	vst v63  }
0x5d: {  	_ =	swait.ge [sflag:s22], $0x4000  }
0x5e: {  	[sflag:s22] =	ssyncset.done $0x0  }
0x5f: {  	[sflag:s22] =	ssyncadd.s32 $0xFFFFC000  }
0x60: {  	s28 =	simm.s32 @!p1 $0x1FC3;
	s0 =	sshrl.u32 @!p1 s8, $0x3;
	[bflag:$0x0] =	sbarrier.arrive $0xFFFF  }
0x61: {  	[hbm:s14], [sflag:s28] =	dma.local @!p1 [spmem:s0], $0x2080  }
0x62: {  	s0 =	simm.s32 @!p1 $0x3  }
0x63: {  	_ =	swait.ge @!p1 [sflag:s0], $0x2080  }
0x64: {  	s28 =	sshll.u32 @!p2 s2, $0x6;
	[sflag:s0] =	ssyncset.done @!p1 $0x0  }
0x65: {  	[sflag:s0] =	ssyncadd.s32 @!p1 $0xFFFFDF80;
	s0 =	sor.u32 @!p2 $0x1C03, s28;
	s28 =	sshrl.u32 @!p2 s6, $0x3  }
0x66: {  	[hbm:s13], [sflag:s0] =	dma.local @!p2 [spmem:s28], $0x2780  }
0x67: {  	s0 =	simm.s32 @!p2 $0x3  }
0x68: {  	_ =	swait.ge @!p2 [sflag:s0], $0x2780  }
0x69: {  	[sflag:s0] =	ssyncset.done @!p2 $0x0  }
0x6a: {  	s28 =	simm.s32 @!p3 $0x1FC3;
	[sflag:s0] =	ssyncadd.s32 @!p2 $0xFFFFD880;
	s0 =	sshrl.u32 @!p3 s8, $0x3  }
0x6b: {  	[hbm:s12], [sflag:s28] =	dma.local @!p3 [spmem:s0], $0x2080  }
0x6c: {  	s0 =	simm.s32 @!p3 $0x3  }
0x6d: {  	s26 =	sadd.s32 $0x1, s26;
	_ =	swait.ge @!p3 [sflag:s0], $0x2080  }
0x6e: {  	p5 =	sne.s32 s26, s15;
	s28 =	sshll.u32 @!p4 s2, $0x6;
	[sflag:s0] =	ssyncset.done @!p3 $0x0  }
0x6f: {  	[sflag:s0] =	ssyncadd.s32 @!p3 $0xFFFFDF80;
	s0 =	sor.u32 @!p4 $0x1C03, s28;
	s28 =	sshrl.u32 @!p4 s6, $0x3  }
0x70: {  	[hbm:s11], [sflag:s0] =	dma.local @!p4 [spmem:s28], $0x2780  }
.Ltmp1:
0x71: {  	_ = 	snop;
	(pc) =	sbr.rel @p5 .LBB2_1-.Ltmp1, $4  }
0x72: {  	s0 =	simm.s32 @!p4 $0x3  }
0x73: {  	_ =	swait.ge @!p4 [sflag:s0], $0x2780  }
0x74: {  	[sflag:s0] =	ssyncset.done @!p4 $0x0  }
0x75: {  	[sflag:s0] =	ssyncadd.s32 @!p4 $0xFFFFD880  }
0x76: {  	_ =	sfence.sel $0x180000  }
0x77: {  	[bflag:$0x0] =	sbarrier.arrive $0xFFFF  }
0x78: {  	_ =	strace $0x90000047  }
0x79: {  	[bflag:$0x2] =	sbarrier.arrive $0xFFFF  }
0x7a: {  	p0 =	sne.s32 s2, $0x0;
	s0 =	rddreg [dreg:$0x4]  }
0x7b: {  	s0 =	sadd.s32 @!p0 $0x100000, s0  }
0x7c: {  	[sflag:s0] =	ssyncadd.tile.s32 @!p0 $0x1;
	_ =	shalt  }
.Lfunc_end2:
_tile_overlayer_lowered:
.L_overlay_start_2:
0x7d: {  	(tag) =	ssettag $0x2  }
0x7e: {  	s0 =	rddreg [dreg:$0x0];
	s2 =	stileid.u32  }
0x7f: {  	s1 =	rddreg [dreg:$0x1];
	p0 =	sne.s32 s2, $0x0  }
0x80: {  	s3 =	rddreg [dreg:$0x2];
	[bflag:$0x3] =	sbarrier.arrive $0xFFFF;
	s2 =	simm.s32 @!p0 $0x1C03  }
0x81: {  	[timem:s3], [sflag:s2] =	dma.local @!p0 [hbm:s0], s1  }
0x82: {  	s0 =	simm.s32 @!p0 $0x3  }
0x83: {  	_ =	swait.ge @!p0 [sflag:s0], s1  }
0x84: {  	s1 =	ssub.s32 @!p0 $0x0, s1;
	[sflag:s0] =	ssyncset.done @!p0 $0x0  }
0x85: {  	[sflag:s0] =	ssyncadd.s32 @!p0 s1  }
0x86: {  	[bflag:$0x3] =	sbarrier.arrive $0xFFFF  }
0x87: {  	_ =	shalt  }

// kernel: _run.13.cloned.1.call-start
scs
__scs_entry_jumppad:
0x0: {  	(pc) =	sbr.rel $0x88, $3  }
0x1: {  	(tag) =	ssettag $0x0;
	lr =	simm.s32 $0x1  }
0x2: {  	[smem:$0x3F95] =	sst lr;
	_ =	strace $0xD0000000  }
0x3: {  	_ = 	snop  }
0x4: {  	_ = 	snop  }
0x5: {  	_ = 	snop  }
0x6: {  	_ = 	snop  }
0x7: {  	_ = 	snop  }
__scs_overlays_trampoline_lowered:
0x8: {  	[smem:$0x3FA4] =	sst s0  }
0x9: {  	[smem:$0x3FA5] =	sst s1  }
0xa: {  	[smem:$0x3FA6] =	sst s2  }
0xb: {  	[smem:$0x3FA7] =	sst s3  }
0xc: {  	[smem:$0x3FA8] =	sst s4  }
0xd: {  	[smem:$0x3FA9] =	sst s5  }
0xe: {  	[smem:$0x3FAA] =	sst s6  }
0xf: {  	[smem:$0x3FAB] =	sst s7  }
0x10: {  	[smem:$0x3FAC] =	sst s8  }
0x11: {  	[smem:$0x3FAD] =	sst s9;
	s0 =	simm.s32 @!p0 $0x0  }
0x12: {  	s1 =	sld [smem:$0x3F93];
	s0 =	simm.s32 @p0 $0x1  }
0x13: {  	[smem:$0x3FAE] =	sst s0;
	s0 =	simm.s32 @!p1 $0x0  }
0x14: {  	s2 =	sld [smem:$0x3F92];
	s0 =	simm.s32 @p1 $0x1  }
0x15: {  	[smem:$0x3FAF] =	sst s0;
	s0 =	simm.s32 @!p2 $0x0  }
0x16: {  	s3 =	sld [smem:$0x3FDB];
	s0 =	simm.s32 @p2 $0x1  }
0x17: {  	s4 =	simm.s32 $0x1BF5;
	[smem:$0x3FB1] =	sst s0  }
0x18: {  	s0 =	sld [smem:$0x3F94];
	_ =	swait.ge [sflag:s4], $0x0  }
0x19: {  	s7 =	sld [smem:$0x3F95]  }
0x1a: {  	s8 =	sadd.s32 $0xFFFFE003, lr  }
0x1b: {  	s9 =	sadd.s32 $0xFFFFFEF7, lr;
	s5 =	simm.s32 $0xFFFFFFFF;
	p2 =	slt.u32 s8, $0xFFFFF086  }
0x1c: {  	p1 =	slt.u32 s9, $0xF7A;
	s5 =	simm.s32 @!p2 $0x0  }
0x1d: {  	s5 =	simm.s32 @p1 $0x1;
	p0 =	seq.s32 s7, s2  }
0x1e: {  	s7 =	smul.u32 @!p0 $0xF7A, s2;
	p2 =	seq.s32 @!p0 s5, $0x0  }
0x1f: {  	s9 =	smul.u32 $0xF7A, s1;
	s8 =	simm.s32 @!p0 $0x1BF5;
	p2 =	por !p2, p0  }
0x20: {  	[sflag:s8] =	ssyncset.s32 @!p0 $0xFFFFF086;
	s6 =	sadd.s32 @!p0 s3, s7;
	s7 =	simm.s32 @!p0 $0x108  }
0x21: {  	s3 =	sadd.s32 s3, s9;
	s6 =	sadd.s32 @!p0 $0x88, s6;
	s7 =	simm.s32 @p2 $0x1082  }
0x22: {  	[simem:s7], [sflag:s8] =	dma.local @!p0 [hbm:s6], $0xF7A  }
0x23: {  	s9 =	sor.u32 $0xD0000000, s2;
	s6 =	simm.s32 $0x108;
	_ =	swait.ge @!p0 [sflag:s8], $0x0  }
0x24: {  	s3 =	sadd.s32 $0x88, s3;
	s6 =	simm.s32 @!p1 $0x1082;
	[sflag:s4] =	ssyncset.s32 $0xFFFFF086  }
0x25: {  	[simem:s6], [sflag:s4] =	dma.local [hbm:s3], $0xF7A  }
0x26: {  	[smem:$0x3F95] =	sst s1;
	(tag) =	ssettag s2;
	_ =	strace s9  }
0x27: {  	s1 =	sld [smem:$0x3FA5]  }
0x28: {  	s2 =	sld [smem:$0x3FA6]  }
0x29: {  	s4 =	sld [smem:$0x3FA8]  }
0x2a: {  	p0 =	seq.s32 s5, $0x0;
	s5 =	sld [smem:$0x3FA9]  }
0x2b: {  	s6 =	sld [smem:$0x3FAA]  }
0x2c: {  	s7 =	sld [smem:$0x3FAB]  }
0x2d: {  	s3 =	simm.s32 $0x108;
	s8 =	sld [smem:$0x3FAC]  }
0x2e: {  	s3 =	simm.s32 @!p0 $0x1082;
	s9 =	sld [smem:$0x3FAD]  }
0x2f: {  	lr =	sadd.s32 s0, s3;
	s0 =	sld [smem:$0x3FA4]  }
0x30: {  	s3 =	sld [smem:$0x3FA7]  }
0x31: {  	[smem:$0x3FB0] =	sst s10  }
0x32: {  	s10 =	sld [smem:$0x3FAE];
	_ =	sdelay $0x3  }
0x33: {  	p0 =	seq.s32 s10, $0x1;
	s10 =	sld [smem:$0x3FB0];
	_ =	sdelay $0x3  }
0x34: {  	[smem:$0x3FB0] =	sst s10  }
0x35: {  	s10 =	sld [smem:$0x3FAF];
	_ =	sdelay $0x3  }
0x36: {  	p1 =	seq.s32 s10, $0x1;
	s10 =	sld [smem:$0x3FB0];
	_ =	sdelay $0x3  }
0x37: {  	[smem:$0x3FB0] =	sst s10  }
0x38: {  	s10 =	sld [smem:$0x3FB1]  }
0x39: {  	_ = 	snop;
	(pc) =	sbr.ind lr, $3  }
0x3a: {  	_ = 	snop  }
0x3b: {  	_ = 	snop  }
0x3c: {  	p2 =	seq.s32 s10, $0x1;
	s10 =	sld [smem:$0x3FB0]  }
0x3d: {  	_ =	shalt  }
0x3e: {  	_ =	shalt  }
0x3f: {  	_ =	shalt  }
0x40: {  	_ =	shalt  }
0x41: {  	_ =	shalt  }
0x42: {  	_ =	shalt  }
0x43: {  	_ =	shalt  }
0x44: {  	_ =	shalt  }
0x45: {  	_ =	shalt  }
0x46: {  	_ =	shalt  }
0x47: {  	_ =	shalt  }
0x48: {  	_ =	shalt  }
0x49: {  	_ =	shalt  }
0x4a: {  	_ =	shalt  }
0x4b: {  	_ =	shalt  }
0x4c: {  	_ =	shalt  }
0x4d: {  	_ =	shalt  }
0x4e: {  	_ =	shalt  }
0x4f: {  	_ =	shalt  }
0x50: {  	_ =	shalt  }
0x51: {  	_ =	shalt  }
0x52: {  	_ =	shalt  }
0x53: {  	_ =	shalt  }
0x54: {  	_ =	shalt  }
0x55: {  	_ =	shalt  }
0x56: {  	_ =	shalt  }
0x57: {  	_ =	shalt  }
0x58: {  	_ =	shalt  }
0x59: {  	_ =	shalt  }
0x5a: {  	_ =	shalt  }
0x5b: {  	_ =	shalt  }
0x5c: {  	_ =	shalt  }
0x5d: {  	_ =	shalt  }
0x5e: {  	_ =	shalt  }
0x5f: {  	_ =	shalt  }
0x60: {  	_ =	shalt  }
0x61: {  	_ =	shalt  }
0x62: {  	_ =	shalt  }
0x63: {  	_ =	shalt  }
0x64: {  	_ =	shalt  }
0x65: {  	_ =	shalt  }
0x66: {  	_ =	shalt  }
0x67: {  	_ =	shalt  }
0x68: {  	_ =	shalt  }
0x69: {  	_ =	shalt  }
0x6a: {  	_ =	shalt  }
0x6b: {  	_ =	shalt  }
0x6c: {  	_ =	shalt  }
0x6d: {  	_ =	shalt  }
0x6e: {  	_ =	shalt  }
0x6f: {  	_ =	shalt  }
0x70: {  	_ =	shalt  }
0x71: {  	_ =	shalt  }
0x72: {  	_ =	shalt  }
0x73: {  	_ =	shalt  }
0x74: {  	_ =	shalt  }
0x75: {  	_ =	shalt  }
0x76: {  	_ =	shalt  }
0x77: {  	_ =	shalt  }
0x78: {  	_ =	shalt  }
0x79: {  	_ =	shalt  }
0x7a: {  	_ =	shalt  }
0x7b: {  	_ =	shalt  }
0x7c: {  	_ =	shalt  }
0x7d: {  	_ =	shalt  }
0x7e: {  	_ =	shalt  }
0x7f: {  	_ =	shalt  }
0x80: {  	_ =	shalt  }
0x81: {  	_ =	shalt  }
0x82: {  	_ =	shalt  }
0x83: {  	_ =	shalt  }
0x84: {  	_ =	shalt  }
0x85: {  	_ =	shalt  }
0x86: {  	_ =	shalt  }
0x87: {  	_ =	shalt  }
.Lfunc_end0:
.L_simem_size_0:
called_computation.1_lowered:
.L_overlay_start_0:
0x88: {  	s2 =	sld [smem:$0x3FD9]  }
0x89: {  	s3 =	sld [smem:$0x3FFE];
	_ =	sdelay $0x1  }
0x8a: {  	s1 =	srdreg.scid  }
0x8b: {  	s0 =	sand.u32 $0x1, s1  }
0x8c: {  	s14 =	sshll.u32 s0, $0xA;
	s2 =	sadd.s32 s3, s2  }
0x8d: {  	s2 =	sadd.s32 s2, s14  }
0x8e: {  	[smem:$0x3FBC] =	sst s2  }
0x8f: {  	_ = 	snop  }
0x90: {  	s2 =	sld [smem:$0x3FD0];
	_ =	sdelay $0x2  }
0x91: {  	s15 =	simm.s32 $0xA;
	s4 =	simm.s32 $0x10  }
0x92: {  	[smem:s4], [sflag:s15] =	dma.local [hbm:s2], $0x1  }
0x93: {  	_ =	swait.eq [sflag:s15], $0x1  }
0x94: {  	[sflag:s15] =	ssyncset.done $0x0  }
0x95: {  	s16 =	sld [smem:$0x10];
	[sflag:s15] =	ssyncadd.s32 $0xFFFFFFFF  }
0x96: {  	s17 =	sld [smem:$0x11];
	(tm) =	ssettm $0x1  }
0x97: {  	s18 =	sld [smem:$0x3FFB];
	_ =	sdelay $0x3  }
0x98: {  	_ =	strace s18  }
0x99: {  	s4 =	sld [smem:$0x3FFC];
	_ =	sdelay $0x3  }
0x9a: {  	_ =	strace s4  }
0x9b: {  	s4 =	sld [smem:$0x3FFD];
	_ =	sdelay $0x3  }
0x9c: {  	_ =	strace s4  }
0x9d: {  	_ =	strace $0x8FFFFFFF  }
0x9e: {  	s19 =	sld [smem:$0x3FDB];
	_ =	sdelay $0x1  }
0x9f: {  	s5 =	simm.s32 $_scs_section_size  }
0xa0: {  	s6 =	simm.s32 $_size__tile_overlayer_lowered;
	s7 =	simm.s32 $_tile_overlayer_lowered  }
0xa1: {  	s22 =	simm.s32 $0x1BFF;
	s21 =	sshll.u32 s7, $0x1;
	s4 =	sadd.s32 s5, s19  }
0xa2: {  	s8 =	simm.s32 $0x0;
	s20 =	sshll.u32 s6, $0x1;
	s6 =	sadd.s32 s21, s4  }
0xa3: {  	[timem:s8], [sflag:s22] =	dma.local [hbm:s6], s20  }
0xa4: {  	_ =	swait.ge [sflag:s22], s20  }
0xa5: {  	s5 =	ssub.s32 $0x0, s20;
	[sflag:s22] =	ssyncset.done $0x0  }
0xa6: {  	[sflag:s22] =	ssyncadd.s32 s5;
	_ =	sdelay $0x1  }
0xa7: {  	s23 =	simm.s32 $0x1B8B  }
0xa8: {  	_ =	swait.ge [sflag:s23], $0x1  }
0xa9: {  	[sflag:s23] =	ssyncset.done $0x0  }
0xaa: {  	s25 =	simm.s32 $0x1B8E;
	s24 =	sld [smem:$0x3FFE];
	[sflag:s23] =	ssyncadd.s32 $0xFFFFFFFF  }
0xab: {  	s26 =	simm.s32 $execute0_lowered;
	[smem:$0x3FD2] =	sst s25  }
0xac: {  	s6 =	sshll.u32 s26, $0x1;
	_ =	strace $0x80000049;
	[dreg:$0x1] =	wrdreg $0xFFFFFFFF  }
0xad: {  	s28 =	simm.s32 $_size_execute0_lowered;
	s4 =	sadd.s32 s4, s6;
	[dreg:$0x0] =	wrdreg $0x0  }
0xae: {  	s6 =	sshll.u32 s28, $0x1;
	[dreg:$0x2] =	wrdreg s4  }
0xaf: {  	[dreg:$0x3] =	wrdreg s6  }
0xb0: {  	[dreg:$0x4] =	wrdreg $0xC0  }
0xb1: {  	_ =	task [dreg:s8], $0x5FFFF  }
0xb2: {  	[dreg:$0x1] =	wrdreg $0xFFFFFFFF  }
0xb3: {  	[dreg:$0x0] =	wrdreg $0x60  }
0xb4: {  	[dreg:$0x2] =	wrdreg s16  }
0xb5: {  	[dreg:$0x3] =	wrdreg s24  }
0xb6: {  	[dreg:$0x4] =	wrdreg s17  }
0xb7: {  	[dreg:$0x5] =	wrdreg $0xA8800  }
0xb8: {  	[dreg:$0x6] =	wrdreg $0x9  }
0xb9: {  	_ =	task.clear_ibuf [dreg:s8], $0x7FFFF;
	_ =	strace $0x90000049  }
0xba: {  	s29 =	simm.s32 $0x9;
	_ =	strace $0x8000004B  }
0xbb: {  	_ =	swait.ge [sflag:s29], $0x1  }
0xbc: {  	[sflag:s29] =	ssyncadd.s32 $0xFFFFFFFF  }
0xbd: {  	_ =	strace $0x9000004B  }
0xbe: {  	_ =	sfence  }
0xbf: {  	s30 =	sld [smem:$0x0];
	_ =	sdelay $0x2  }
0xc0: {  	s31 =	sshll.u32 s1, $0xD;
	s1 =	sshrl.u32 s1, $0x2  }
0xc1: {  	s3 =	sand.u32 $0x4000, s31;
	s1 =	sadd.s32 s1, s30  }
0xc2: {  	s0 =	sor.u32 s3, s0;
	s1 =	sshll.u32 s1, $0x11  }
0xc3: {  	s0 =	sor.u32 s1, s0  }
0xc4: {  	s0 =	sadd.s32 $0x8F2B, s0  }
0xc5: {  	[sflag:s0] =	ssyncadd.remote.s32 $0x1  }
0xc6: {  	_ =	sfence.sel $0xFFFF  }
0xc7: {  	[dreg:$0x0] =	wrdreg $0xFFFFFFFF;
	(pc) =	sbr.abs _section_cstart, $3  }
0xc8: {  	[dreg:$0x1] =	wrdreg $0xFFFFFFFF  }
0xc9: {  	_ =	task.clear_ibuf [dreg:s8], $0x2FFFF;
	_ =	strace $0x9FFFFFFF  }
0xca: {  	(tm) =	ssettm $0x7FFFFFFF  }
0xcb: {  	_ =	shalt  }
tec
execute0_lowered:
.L_overlay_start_1:
0x0: {  	(tag) =	ssettag $0x1  }
0x1: {  	s1 =	rddreg [dreg:$0x0]  }
0x2: {  	s0 =	rddreg [dreg:$0x1]  }
0x3: {  	s2 =	srdreg.scid;
	s7 =	rddreg [dreg:$0x2]  }
0x4: {  	s26 =	stileid.u32;
	s3 =	rddreg [dreg:$0x3];
	s28 =	simm.s32 $0x6880  }
0x5: {  	s29 =	simm.s32 $0x3;
	s30 =	simm.s32 $0x1;
	s8 =	smul.u32 $0x2780, s26  }
0x6: {  	s31 =	simm.s32 $0x4;
	s2 =	sand.u32 $0x1, s2;
	s6 =	smul.u32 $0x4F000, s26  }
0x7: {  	s4 =	sshll.u32 s26, $0x1;
	s13 =	smul.u32 $0x4F00, s26;
	s23 =	sadd.s32 $0x65280, s0  }
0x8: {  	p0 =	seq.s32 s26, $0xF;
	s5 =	sor.u32 s2, s4;
	s4 =	simm.s32 $0x0  }
0x9: {  	s11 =	ssub.s32 $0x2, s2;
	s15 =	smul.u32 $0x2780, s2;
	p4 =	seq.s32 s2, $0x1  }
0xa: {  	s2 =	simm.s32 $0x2;
	s5 =	smul.u32 $0x2780, s5;
	[smem:$0x7FF] =	sst s4  }
0xb: {  	s14 =	sadd.s32 s8, s0;
	s12 =	sshrl.u32 s11, $0x1;
	s6 =	sshrl.u32 s6, $0x2  }
0xc: {  	s8 =	sadd.s32 s7, s8;
	s7 =	sadd.s32 $0x25080, s7;
	p2 =	seq.s32 @p4 s26, $0xF  }
0xd: {  	p5 =	seq.s32 @!p4 s26, $0xF;
	_ =	strace $0x8000004A;
	s11 =	ssub.s32 s11, s12  }
0xe: {  	s6 =	sadd.s32 s6, s3;
	[dreg:$0x5] =	wrdreg s8;
	s8 =	sadd.s32 $0x128400, s3  }
0xf: {  	[dreg:$0x6] =	wrdreg s7;
	s21 =	sadd.s32 $0x40200, s14;
	s22 =	sadd.s32 s15, s13  }
0x10: {  	[dreg:$0xa] =	wrdreg s23;
	s14 =	sadd.s32 $0x67400, s14;
	s15 =	sadd.s32 $0x8C480, s0  }
0x11: {  	s23 =	simm.s32 $0x2780;
	p1 =	por !p2, !p4;
	p2 =	por p2, !p4  }
0x12: {  	p3 =	por !p5, p4;
	p4 =	por p5, p4;
	s7 =	simm.s32 $0x0  }
0x13: {  	s9 =	sshrl.u32 s5, $0x3;
	s5 =	sadd.s32 $0x5400, s0;
	[dreg:$0x9] =	wrdreg s21  }
0x14: {  	s24 =	sadd.s32 $0x80, s22;
	s16 =	smax.u32 s11, $0x1;
	s18 =	sadd.s32 $0x100, s22  }
0x15: {  	s21 =	sshrl.u32 @!p0 s6, $0x3;
	s22 =	simm.s32 $0x5;
	s10 =	sadd.s32 s9, s0  }
0x16: {  	s20 =	sadd.s32 s5, s9;
	s25 =	sshrl.u32 s24, $0x3;
	s0 =	sshll.u32 @!p0 s26, $0x6  }
0x17: {  	s24 =	simm.s32 $0x2880;
	s26 =	simm.s32 $0x80;
	s19 =	sadd.s32 $0xF200, s10  }
0x18: {  	[dreg:$0x8] =	wrdreg s20;
	s17 =	sadd.s32 s25, s5;
	s20 =	sor.u32 @!p0 $0x1C05, s0  }
0x19: {  	s25 =	simm.s32 $0x2800;
	[dreg:$0x7] =	wrdreg s19;
	s19 =	sshrl.u32 @p0 s8, $0x3  }
.LBB2_1:
0x1a: {  	s0 =	simm.s32 @p0 $0x1FC5;
	s9 =	rddreg [dreg:$0x6]  }
0x1b: {  	[spmem:s19], [sflag:s0] =	dma.local @p0 [hbm:s9], $0x2080  }
0x1c: {  	s0 =	simm.s32 @p0 $0x5  }
0x1d: {  	_ =	swait.ge @p0 [sflag:s0], $0x2080  }
0x1e: {  	[sflag:s0] =	ssyncset.done @p0 $0x0  }
0x1f: {  	[sflag:s0] =	ssyncadd.s32 @p0 $0xFFFFDF80;
	s0 =	rddreg [dreg:$0x5]  }
0x20: {  	[spmem:s21], [sflag:s20] =	dma.local @!p0 [hbm:s0], $0x2780  }
0x21: {  	s0 =	simm.s32 @!p0 $0x5  }
0x22: {  	_ =	swait.ge @!p0 [sflag:s0], $0x2780  }
0x23: {  	[sflag:s0] =	ssyncset.done @!p0 $0x0  }
0x24: {  	s9 =	rddreg [dreg:$0x7];
	[sflag:s0] =	ssyncadd.s32 @!p0 $0xFFFFD880  }
0x25: {  	[tilespmem:s4], [sflag:$0x5] =	stream.linear.gather [hbm4b:s9+s4], $0x2780, $0x38;
	[tilespmem:$0x1E180] =	vst v63  }
0x26: {  	_ =	swait.ge [sflag:s22], $0x2780  }
0x27: {  	[sflag:s22] =	ssyncset.done $0x0  }
0x28: {  	[sflag:s22] =	ssyncadd.s32 $0xFFFFD880  }
0x29: {  	[bflag:$0x0] =	sbarrier.arrive $0xFFFF  }
0x2a: {  	s10 =	rddreg [dreg:$0x8]  }
0x2b: {  	[tilespmem:s23], [sflag:$0x1] =	stream.linear.gather [hbm4b:s10+s4], $0x80, $0x38;
	[tilespmem:$0x1E180] =	vst v63  }
0x2c: {  	_ = 	snop  }
0x2d: {  	[tilespmem:s24], [sflag:$0x3] =	stream.indirect.gather [hbm4b:s1+s26], $0x80, s4, s26, $0xb8;
	[tilespmem:$0x1E180] =	vst v63  }
0x2e: {  	s11 =	sadd.s32 $0x0, s17  }
0x2f: {  	[tilespmem:s25], [sflag:$0x2] =	stream.linear.gather [hbm4b:s11+s4], $0x80, $0x38;
	[tilespmem:$0x1E180] =	vst v63  }
0x30: {  	_ = 	snop  }
0x31: {  	[tilespmem:s28], [sflag:$0x4] =	stream.indirect.gather [hbm4b:s1+s26], $0x80, s26, s26, $0xb8;
	[tilespmem:$0x1E180] =	vst v63  }
0x32: {  	_ =	swait.ge [sflag:s29], $0x4000  }
0x33: {  	[sflag:s29] =	ssyncset.done $0x0  }
0x34: {  	[sflag:s29] =	ssyncadd.s32 $0xFFFFC000  }
0x35: {  	_ =	swait.ge [sflag:s30], $0x80  }
0x36: {  	[sflag:s30] =	ssyncset.done $0x0  }
0x37: {  	[sflag:s30] =	ssyncadd.s32 $0xFFFFFF80  }
0x38: {  	[spmem:s3] =	stream.indirect.scatter.add.f32 [tilespmem:s24], [sflag:$0x5], $0x80, s23, s26, $0xb8;
	[tilespmem:$0x1E180] =	vst v63  }
0x39: {  	_ =	swait.ge [sflag:s22], $0x4000  }
0x3a: {  	s12 =	sshrl.u32 s18, $0x3;
	[sflag:s22] =	ssyncset.done $0x0  }
0x3b: {  	s0 =	sadd.s32 s5, s12;
	[sflag:s22] =	ssyncadd.s32 $0xFFFFC000  }
0x3c: {  	[tilespmem:s23], [sflag:$0x1] =	stream.linear.gather [hbm4b:s0+s4], $0x80, $0x38;
	[tilespmem:$0x1E180] =	vst v63  }
0x3d: {  	s13 =	simm.s32 $0x100  }
0x3e: {  	[tilespmem:s24], [sflag:$0x3] =	stream.indirect.gather [hbm4b:s1+s26], $0x80, s13, s26, $0xb8;
	[tilespmem:$0x1E180] =	vst v63  }
0x3f: {  	_ =	swait.ge [sflag:s31], $0x4000  }
0x40: {  	[sflag:s31] =	ssyncset.done $0x0  }
0x41: {  	[sflag:s31] =	ssyncadd.s32 $0xFFFFC000  }
0x42: {  	_ =	swait.ge [sflag:s2], $0x80  }
0x43: {  	[sflag:s2] =	ssyncset.done $0x0  }
0x44: {  	[sflag:s2] =	ssyncadd.s32 $0xFFFFFF80  }
0x45: {  	[spmem:s3] =	stream.indirect.scatter.add.f32 [tilespmem:s28], [sflag:$0x5], $0x80, s25, s26, $0xb8;
	[tilespmem:$0x1E180] =	vst v63  }
0x46: {  	s9 =	simm.s32 $0x180;
	s10 =	simm.s32 $0x20;
	_ =	swait.ge [sflag:s22], $0x4000  }
0x47: {  	s11 =	simm.s32 $0x40;
	s0 =	sadd.s32 $0x100, s18;
	[sflag:s22] =	ssyncset.done $0x0  }
.LBB2_2:
0x48: {  	s12 =	sadd.s32 s10, s17  }
0x49: {  	[sflag:s22] =	ssyncadd.s32 $0xFFFFC000;
	s10 =	smov.u32 s11;
	s13 =	sadd.s32 $0x20, s11  }
0x4a: {  	[tilespmem:s25], [sflag:$0x2] =	stream.linear.gather [hbm4b:s12+s4], $0x80, $0x38;
	[tilespmem:$0x1E180] =	vst v63  }
0x4b: {  	p5 =	sne.s32 s11, $0x4C0  }
0x4c: {  	[tilespmem:s28], [sflag:$0x4] =	stream.indirect.gather [hbm4b:s1+s26], $0x80, s9, s26, $0xb8;
	[tilespmem:$0x1E180] =	vst v63  }
0x4d: {  	_ =	swait.ge [sflag:s29], $0x4000  }
0x4e: {  	[sflag:s29] =	ssyncset.done $0x0  }
0x4f: {  	[sflag:s29] =	ssyncadd.s32 $0xFFFFC000  }
0x50: {  	_ =	swait.ge [sflag:s30], $0x80  }
0x51: {  	[sflag:s30] =	ssyncset.done $0x0  }
0x52: {  	[sflag:s30] =	ssyncadd.s32 $0xFFFFFF80  }
0x53: {  	[spmem:s3] =	stream.indirect.scatter.add.f32 [tilespmem:s24], [sflag:$0x5], $0x80, s23, s26, $0xb8;
	[tilespmem:$0x1E180] =	vst v63  }
0x54: {  	_ =	swait.ge [sflag:s22], $0x4000  }
0x55: {  	s11 =	sshrl.u32 s0, $0x3;
	[sflag:s22] =	ssyncset.done $0x0  }
0x56: {  	s11 =	sadd.s32 s5, s11;
	[sflag:s22] =	ssyncadd.s32 $0xFFFFC000  }
0x57: {  	[tilespmem:s23], [sflag:$0x1] =	stream.linear.gather [hbm4b:s11+s4], $0x80, $0x38;
	[tilespmem:$0x1E180] =	vst v63  }
0x58: {  	s11 =	sadd.s32 $0x80, s9  }
0x59: {  	[tilespmem:s24], [sflag:$0x3] =	stream.indirect.gather [hbm4b:s1+s26], $0x80, s11, s26, $0xb8;
	[tilespmem:$0x1E180] =	vst v63  }
0x5a: {  	_ =	swait.ge [sflag:s31], $0x4000  }
0x5b: {  	[sflag:s31] =	ssyncset.done $0x0  }
0x5c: {  	[sflag:s31] =	ssyncadd.s32 $0xFFFFC000  }
0x5d: {  	_ =	swait.ge [sflag:s2], $0x80  }
.Ltmp0:
0x5e: {  	[sflag:s2] =	ssyncset.done $0x0;
	(pc) =	sbr.rel @p5 .LBB2_2-.Ltmp0, $4  }
0x5f: {  	[sflag:s2] =	ssyncadd.s32 $0xFFFFFF80  }
0x60: {  	[spmem:s3] =	stream.indirect.scatter.add.f32 [tilespmem:s28], [sflag:$0x5], $0x80, s25, s26, $0xb8;
	[tilespmem:$0x1E180] =	vst v63  }
0x61: {  	s0 =	sadd.s32 $0x100, s0;
	_ =	swait.ge [sflag:s22], $0x4000  }
0x62: {  	s9 =	sadd.s32 $0x100, s9;
	s11 =	smov.u32 s13;
	[sflag:s22] =	ssyncset.done $0x0  }
0x63: {  	s10 =	sadd.s32 s10, s17;
	[sflag:s22] =	ssyncadd.s32 $0xFFFFC000  }
0x64: {  	[tilespmem:s25], [sflag:$0x2] =	stream.linear.gather [hbm4b:s10+s4], $0x80, $0x38;
	[tilespmem:$0x1E180] =	vst v63  }
0x65: {  	_ = 	snop  }
0x66: {  	[tilespmem:s28], [sflag:$0x4] =	stream.indirect.gather [hbm4b:s1+s26], $0x80, s9, s26, $0xb8;
	[tilespmem:$0x1E180] =	vst v63  }
0x67: {  	_ =	swait.ge [sflag:s29], $0x4000  }
0x68: {  	[sflag:s29] =	ssyncset.done $0x0  }
0x69: {  	[sflag:s29] =	ssyncadd.s32 $0xFFFFC000  }
0x6a: {  	_ =	swait.ge [sflag:s30], $0x80  }
0x6b: {  	[sflag:s30] =	ssyncset.done $0x0  }
0x6c: {  	[sflag:s30] =	ssyncadd.s32 $0xFFFFFF80  }
0x6d: {  	[spmem:s3] =	stream.indirect.scatter.add.f32 [tilespmem:s24], [sflag:$0x5], $0x80, s23, s26, $0xb8;
	[tilespmem:$0x1E180] =	vst v63  }
0x6e: {  	_ =	swait.ge [sflag:s22], $0x4000  }
0x6f: {  	s0 =	sshrl.u32 s0, $0x3;
	[sflag:s22] =	ssyncset.done $0x0  }
0x70: {  	s0 =	sadd.s32 s5, s0;
	[sflag:s22] =	ssyncadd.s32 $0xFFFFC000  }
0x71: {  	[tilespmem:s23], [sflag:$0x1] =	stream.linear.gather [hbm4b:s0+s4], $0x80, $0x38;
	[tilespmem:$0x1E180] =	vst v63  }
0x72: {  	s13 =	sadd.s32 $0x80, s9  }
0x73: {  	[tilespmem:s24], [sflag:$0x3] =	stream.indirect.gather [hbm4b:s1+s26], $0x80, s13, s26, $0xb8;
	[tilespmem:$0x1E180] =	vst v63  }
0x74: {  	_ =	swait.ge [sflag:s31], $0x4000  }
0x75: {  	[sflag:s31] =	ssyncset.done $0x0  }
0x76: {  	[sflag:s31] =	ssyncadd.s32 $0xFFFFC000  }
0x77: {  	_ =	swait.ge [sflag:s2], $0x80  }
0x78: {  	[sflag:s2] =	ssyncset.done $0x0  }
0x79: {  	[sflag:s2] =	ssyncadd.s32 $0xFFFFFF80  }
0x7a: {  	[spmem:s3] =	stream.indirect.scatter.add.f32 [tilespmem:s28], [sflag:$0x5], $0x80, s25, s26, $0xb8;
	[tilespmem:$0x1E180] =	vst v63  }
0x7b: {  	_ =	swait.ge [sflag:s22], $0x4000  }
0x7c: {  	[sflag:s22] =	ssyncset.done $0x0  }
0x7d: {  	[sflag:s22] =	ssyncadd.s32 $0xFFFFC000  }
0x7e: {  	_ =	swait.ge [sflag:s29], $0x4000  }
0x7f: {  	[sflag:s29] =	ssyncset.done $0x0  }
0x80: {  	[sflag:s29] =	ssyncadd.s32 $0xFFFFC000  }
0x81: {  	_ =	swait.ge [sflag:s30], $0x80  }
0x82: {  	[sflag:s30] =	ssyncset.done $0x0  }
0x83: {  	[sflag:s30] =	ssyncadd.s32 $0xFFFFFF80  }
0x84: {  	[spmem:s3] =	stream.indirect.scatter.add.f32 [tilespmem:s24], [sflag:$0x5], $0x80, s23, s26, $0xb8;
	[tilespmem:$0x1E180] =	vst v63  }
0x85: {  	_ =	swait.ge [sflag:s22], $0x4000  }
0x86: {  	[sflag:s22] =	ssyncset.done $0x0  }
0x87: {  	[sflag:s22] =	ssyncadd.s32 $0xFFFFC000  }
0x88: {  	s9 =	simm.s32 @!p1 $0x1FC5;
	s0 =	sshrl.u32 @!p1 s8, $0x3;
	[bflag:$0x0] =	sbarrier.arrive $0xFFFF  }
0x89: {  	[hbm:s15], [sflag:s9] =	dma.local @!p1 [spmem:s0], $0x2080  }
0x8a: {  	s0 =	simm.s32 @!p1 $0x5  }
0x8b: {  	s11 =	stileid.u32;
	_ =	swait.ge @!p1 [sflag:s0], $0x2080  }
0x8c: {  	s9 =	sshll.u32 @!p2 s11, $0x6;
	[sflag:s0] =	ssyncset.done @!p1 $0x0  }
0x8d: {  	[sflag:s0] =	ssyncadd.s32 @!p1 $0xFFFFDF80;
	s0 =	sor.u32 @!p2 $0x1C05, s9;
	s9 =	sshrl.u32 @!p2 s6, $0x3  }
0x8e: {  	[hbm:s14], [sflag:s0] =	dma.local @!p2 [spmem:s9], $0x2780  }
0x8f: {  	s0 =	simm.s32 @!p2 $0x5  }
0x90: {  	_ =	swait.ge @!p2 [sflag:s0], $0x2780  }
0x91: {  	s9 =	simm.s32 @!p3 $0x1FC5;
	[sflag:s0] =	ssyncset.done @!p2 $0x0  }
0x92: {  	s10 =	rddreg [dreg:$0xa];
	[sflag:s0] =	ssyncadd.s32 @!p2 $0xFFFFD880;
	s0 =	sshrl.u32 @!p3 s8, $0x3  }
0x93: {  	[hbm:s10], [sflag:s9] =	dma.local @!p3 [spmem:s0], $0x2080  }
0x94: {  	s7 =	sadd.s32 $0x1, s7;
	s0 =	simm.s32 @!p3 $0x5  }
0x95: {  	p5 =	sne.s32 s7, s16;
	_ =	swait.ge @!p3 [sflag:s0], $0x2080  }
0x96: {  	s9 =	sshll.u32 @!p4 s11, $0x6;
	[sflag:s0] =	ssyncset.done @!p3 $0x0;
	s11 =	rddreg [dreg:$0x9]  }
0x97: {  	[sflag:s0] =	ssyncadd.s32 @!p3 $0xFFFFDF80;
	s0 =	sor.u32 @!p4 $0x1C05, s9;
	s9 =	sshrl.u32 @!p4 s6, $0x3  }
0x98: {  	[hbm:s11], [sflag:s0] =	dma.local @!p4 [spmem:s9], $0x2780  }
.Ltmp1:
0x99: {  	_ = 	snop;
	(pc) =	sbr.rel @p5 .LBB2_1-.Ltmp1, $4  }
0x9a: {  	s0 =	simm.s32 @!p4 $0x5  }
0x9b: {  	_ =	swait.ge @!p4 [sflag:s0], $0x2780  }
0x9c: {  	[sflag:s0] =	ssyncset.done @!p4 $0x0  }
0x9d: {  	s10 =	stileid.u32;
	[sflag:s0] =	ssyncadd.s32 @!p4 $0xFFFFD880  }
0x9e: {  	_ =	sfence.sel $0x180000  }
0x9f: {  	[bflag:$0x0] =	sbarrier.arrive $0xFFFF  }
0xa0: {  	_ =	strace $0x9000004A  }
0xa1: {  	[bflag:$0x2] =	sbarrier.arrive $0xFFFF  }
0xa2: {  	p0 =	sne.s32 s10, $0x0;
	s0 =	rddreg [dreg:$0x4]  }
0xa3: {  	s0 =	sadd.s32 @!p0 $0x100000, s0  }
0xa4: {  	[sflag:s0] =	ssyncadd.tile.s32 @!p0 $0x1;
	_ =	shalt  }
.Lfunc_end2:
_tile_overlayer_lowered:
.L_overlay_start_2:
0xa5: {  	(tag) =	ssettag $0x2  }
0xa6: {  	s0 =	rddreg [dreg:$0x0];
	s2 =	stileid.u32  }
0xa7: {  	s1 =	rddreg [dreg:$0x1];
	p0 =	sne.s32 s2, $0x0  }
0xa8: {  	s3 =	rddreg [dreg:$0x2];
	[bflag:$0x3] =	sbarrier.arrive $0xFFFF;
	s2 =	simm.s32 @!p0 $0x1C05  }
0xa9: {  	[timem:s3], [sflag:s2] =	dma.local @!p0 [hbm:s0], s1  }
0xaa: {  	s0 =	simm.s32 @!p0 $0x5  }
0xab: {  	_ =	swait.ge @!p0 [sflag:s0], s1  }
0xac: {  	s1 =	ssub.s32 @!p0 $0x0, s1;
	[sflag:s0] =	ssyncset.done @!p0 $0x0  }
0xad: {  	[sflag:s0] =	ssyncadd.s32 @!p0 s1  }
0xae: {  	[bflag:$0x3] =	sbarrier.arrive $0xFFFF  }
0xaf: {  	_ =	shalt  }

// kernel: _run.16.cloned.1.call-start
scs
__scs_entry_jumppad:
0x0: {  	(pc) =	sbr.rel $0x88, $3  }
0x1: {  	(tag) =	ssettag $0x0;
	lr =	simm.s32 $0x1  }
0x2: {  	[smem:$0x3F95] =	sst lr;
	_ =	strace $0xD0000000  }
0x3: {  	_ = 	snop  }
0x4: {  	_ = 	snop  }
0x5: {  	_ = 	snop  }
0x6: {  	_ = 	snop  }
0x7: {  	_ = 	snop  }
__scs_overlays_trampoline_lowered:
0x8: {  	[smem:$0x3FA4] =	sst s0  }
0x9: {  	[smem:$0x3FA5] =	sst s1  }
0xa: {  	[smem:$0x3FA6] =	sst s2  }
0xb: {  	[smem:$0x3FA7] =	sst s3  }
0xc: {  	[smem:$0x3FA8] =	sst s4  }
0xd: {  	[smem:$0x3FA9] =	sst s5  }
0xe: {  	[smem:$0x3FAA] =	sst s6  }
0xf: {  	[smem:$0x3FAB] =	sst s7  }
0x10: {  	[smem:$0x3FAC] =	sst s8  }
0x11: {  	[smem:$0x3FAD] =	sst s9;
	s0 =	simm.s32 @!p0 $0x0  }
0x12: {  	s1 =	sld [smem:$0x3F93];
	s0 =	simm.s32 @p0 $0x1  }
0x13: {  	[smem:$0x3FAE] =	sst s0;
	s0 =	simm.s32 @!p1 $0x0  }
0x14: {  	s2 =	sld [smem:$0x3F92];
	s0 =	simm.s32 @p1 $0x1  }
0x15: {  	[smem:$0x3FAF] =	sst s0;
	s0 =	simm.s32 @!p2 $0x0  }
0x16: {  	s3 =	sld [smem:$0x3FDB];
	s0 =	simm.s32 @p2 $0x1  }
0x17: {  	s4 =	simm.s32 $0x1BF5;
	[smem:$0x3FB1] =	sst s0  }
0x18: {  	s0 =	sld [smem:$0x3F94];
	_ =	swait.ge [sflag:s4], $0x0  }
0x19: {  	s7 =	sld [smem:$0x3F95]  }
0x1a: {  	s8 =	sadd.s32 $0xFFFFE003, lr  }
0x1b: {  	s9 =	sadd.s32 $0xFFFFFEF7, lr;
	s5 =	simm.s32 $0xFFFFFFFF;
	p2 =	slt.u32 s8, $0xFFFFF086  }
0x1c: {  	p1 =	slt.u32 s9, $0xF7A;
	s5 =	simm.s32 @!p2 $0x0  }
0x1d: {  	s5 =	simm.s32 @p1 $0x1;
	p0 =	seq.s32 s7, s2  }
0x1e: {  	s7 =	smul.u32 @!p0 $0xF7A, s2;
	p2 =	seq.s32 @!p0 s5, $0x0  }
0x1f: {  	s9 =	smul.u32 $0xF7A, s1;
	s8 =	simm.s32 @!p0 $0x1BF5;
	p2 =	por !p2, p0  }
0x20: {  	[sflag:s8] =	ssyncset.s32 @!p0 $0xFFFFF086;
	s6 =	sadd.s32 @!p0 s3, s7;
	s7 =	simm.s32 @!p0 $0x108  }
0x21: {  	s3 =	sadd.s32 s3, s9;
	s6 =	sadd.s32 @!p0 $0x88, s6;
	s7 =	simm.s32 @p2 $0x1082  }
0x22: {  	[simem:s7], [sflag:s8] =	dma.local @!p0 [hbm:s6], $0xF7A  }
0x23: {  	s9 =	sor.u32 $0xD0000000, s2;
	s6 =	simm.s32 $0x108;
	_ =	swait.ge @!p0 [sflag:s8], $0x0  }
0x24: {  	s3 =	sadd.s32 $0x88, s3;
	s6 =	simm.s32 @!p1 $0x1082;
	[sflag:s4] =	ssyncset.s32 $0xFFFFF086  }
0x25: {  	[simem:s6], [sflag:s4] =	dma.local [hbm:s3], $0xF7A  }
0x26: {  	[smem:$0x3F95] =	sst s1;
	(tag) =	ssettag s2;
	_ =	strace s9  }
0x27: {  	s1 =	sld [smem:$0x3FA5]  }
0x28: {  	s2 =	sld [smem:$0x3FA6]  }
0x29: {  	s4 =	sld [smem:$0x3FA8]  }
0x2a: {  	p0 =	seq.s32 s5, $0x0;
	s5 =	sld [smem:$0x3FA9]  }
0x2b: {  	s6 =	sld [smem:$0x3FAA]  }
0x2c: {  	s7 =	sld [smem:$0x3FAB]  }
0x2d: {  	s3 =	simm.s32 $0x108;
	s8 =	sld [smem:$0x3FAC]  }
0x2e: {  	s3 =	simm.s32 @!p0 $0x1082;
	s9 =	sld [smem:$0x3FAD]  }
0x2f: {  	lr =	sadd.s32 s0, s3;
	s0 =	sld [smem:$0x3FA4]  }
0x30: {  	s3 =	sld [smem:$0x3FA7]  }
0x31: {  	[smem:$0x3FB0] =	sst s10  }
0x32: {  	s10 =	sld [smem:$0x3FAE];
	_ =	sdelay $0x3  }
0x33: {  	p0 =	seq.s32 s10, $0x1;
	s10 =	sld [smem:$0x3FB0];
	_ =	sdelay $0x3  }
0x34: {  	[smem:$0x3FB0] =	sst s10  }
0x35: {  	s10 =	sld [smem:$0x3FAF];
	_ =	sdelay $0x3  }
0x36: {  	p1 =	seq.s32 s10, $0x1;
	s10 =	sld [smem:$0x3FB0];
	_ =	sdelay $0x3  }
0x37: {  	[smem:$0x3FB0] =	sst s10  }
0x38: {  	s10 =	sld [smem:$0x3FB1]  }
0x39: {  	_ = 	snop;
	(pc) =	sbr.ind lr, $3  }
0x3a: {  	_ = 	snop  }
0x3b: {  	_ = 	snop  }
0x3c: {  	p2 =	seq.s32 s10, $0x1;
	s10 =	sld [smem:$0x3FB0]  }
0x3d: {  	_ =	shalt  }
0x3e: {  	_ =	shalt  }
0x3f: {  	_ =	shalt  }
0x40: {  	_ =	shalt  }
0x41: {  	_ =	shalt  }
0x42: {  	_ =	shalt  }
0x43: {  	_ =	shalt  }
0x44: {  	_ =	shalt  }
0x45: {  	_ =	shalt  }
0x46: {  	_ =	shalt  }
0x47: {  	_ =	shalt  }
0x48: {  	_ =	shalt  }
0x49: {  	_ =	shalt  }
0x4a: {  	_ =	shalt  }
0x4b: {  	_ =	shalt  }
0x4c: {  	_ =	shalt  }
0x4d: {  	_ =	shalt  }
0x4e: {  	_ =	shalt  }
0x4f: {  	_ =	shalt  }
0x50: {  	_ =	shalt  }
0x51: {  	_ =	shalt  }
0x52: {  	_ =	shalt  }
0x53: {  	_ =	shalt  }
0x54: {  	_ =	shalt  }
0x55: {  	_ =	shalt  }
0x56: {  	_ =	shalt  }
0x57: {  	_ =	shalt  }
0x58: {  	_ =	shalt  }
0x59: {  	_ =	shalt  }
0x5a: {  	_ =	shalt  }
0x5b: {  	_ =	shalt  }
0x5c: {  	_ =	shalt  }
0x5d: {  	_ =	shalt  }
0x5e: {  	_ =	shalt  }
0x5f: {  	_ =	shalt  }
0x60: {  	_ =	shalt  }
0x61: {  	_ =	shalt  }
0x62: {  	_ =	shalt  }
0x63: {  	_ =	shalt  }
0x64: {  	_ =	shalt  }
0x65: {  	_ =	shalt  }
0x66: {  	_ =	shalt  }
0x67: {  	_ =	shalt  }
0x68: {  	_ =	shalt  }
0x69: {  	_ =	shalt  }
0x6a: {  	_ =	shalt  }
0x6b: {  	_ =	shalt  }
0x6c: {  	_ =	shalt  }
0x6d: {  	_ =	shalt  }
0x6e: {  	_ =	shalt  }
0x6f: {  	_ =	shalt  }
0x70: {  	_ =	shalt  }
0x71: {  	_ =	shalt  }
0x72: {  	_ =	shalt  }
0x73: {  	_ =	shalt  }
0x74: {  	_ =	shalt  }
0x75: {  	_ =	shalt  }
0x76: {  	_ =	shalt  }
0x77: {  	_ =	shalt  }
0x78: {  	_ =	shalt  }
0x79: {  	_ =	shalt  }
0x7a: {  	_ =	shalt  }
0x7b: {  	_ =	shalt  }
0x7c: {  	_ =	shalt  }
0x7d: {  	_ =	shalt  }
0x7e: {  	_ =	shalt  }
0x7f: {  	_ =	shalt  }
0x80: {  	_ =	shalt  }
0x81: {  	_ =	shalt  }
0x82: {  	_ =	shalt  }
0x83: {  	_ =	shalt  }
0x84: {  	_ =	shalt  }
0x85: {  	_ =	shalt  }
0x86: {  	_ =	shalt  }
0x87: {  	_ =	shalt  }
.Lfunc_end0:
.L_simem_size_0:
called_computation.2_lowered:
.L_overlay_start_0:
0x88: {  	s2 =	sld [smem:$0x3FD9]  }
0x89: {  	s3 =	sld [smem:$0x3FFE];
	_ =	sdelay $0x1  }
0x8a: {  	s1 =	srdreg.scid  }
0x8b: {  	s0 =	sand.u32 $0x1, s1  }
0x8c: {  	s14 =	sshll.u32 s0, $0xA;
	s2 =	sadd.s32 s3, s2  }
0x8d: {  	s2 =	sadd.s32 s2, s14  }
0x8e: {  	[smem:$0x3FBC] =	sst s2  }
0x8f: {  	_ = 	snop  }
0x90: {  	s2 =	sld [smem:$0x3FD0];
	_ =	sdelay $0x2  }
0x91: {  	s15 =	simm.s32 $0xA;
	s4 =	simm.s32 $0x10  }
0x92: {  	[smem:s4], [sflag:s15] =	dma.local [hbm:s2], $0x1  }
0x93: {  	_ =	swait.eq [sflag:s15], $0x1  }
0x94: {  	[sflag:s15] =	ssyncset.done $0x0  }
0x95: {  	s16 =	sld [smem:$0x10];
	[sflag:s15] =	ssyncadd.s32 $0xFFFFFFFF  }
0x96: {  	s17 =	sld [smem:$0x11];
	(tm) =	ssettm $0x1  }
0x97: {  	s18 =	sld [smem:$0x3FFB];
	_ =	sdelay $0x3  }
0x98: {  	_ =	strace s18  }
0x99: {  	s4 =	sld [smem:$0x3FFC];
	_ =	sdelay $0x3  }
0x9a: {  	_ =	strace s4  }
0x9b: {  	s4 =	sld [smem:$0x3FFD];
	_ =	sdelay $0x3  }
0x9c: {  	_ =	strace s4  }
0x9d: {  	_ =	strace $0x8FFFFFFF  }
0x9e: {  	s19 =	sld [smem:$0x3FDB];
	_ =	sdelay $0x1  }
0x9f: {  	s5 =	simm.s32 $_scs_section_size  }
0xa0: {  	s6 =	simm.s32 $_size__tile_overlayer_lowered;
	s7 =	simm.s32 $_tile_overlayer_lowered  }
0xa1: {  	s22 =	simm.s32 $0x1BFF;
	s21 =	sshll.u32 s7, $0x1;
	s4 =	sadd.s32 s5, s19  }
0xa2: {  	s8 =	simm.s32 $0x0;
	s20 =	sshll.u32 s6, $0x1;
	s6 =	sadd.s32 s21, s4  }
0xa3: {  	[timem:s8], [sflag:s22] =	dma.local [hbm:s6], s20  }
0xa4: {  	_ =	swait.ge [sflag:s22], s20  }
0xa5: {  	s5 =	ssub.s32 $0x0, s20;
	[sflag:s22] =	ssyncset.done $0x0  }
0xa6: {  	[sflag:s22] =	ssyncadd.s32 s5;
	_ =	sdelay $0x1  }
0xa7: {  	s23 =	simm.s32 $0x1B8B  }
0xa8: {  	_ =	swait.ge [sflag:s23], $0x1  }
0xa9: {  	[sflag:s23] =	ssyncset.done $0x0  }
0xaa: {  	s25 =	simm.s32 $0x1B8E;
	s24 =	sld [smem:$0x3FFE];
	[sflag:s23] =	ssyncadd.s32 $0xFFFFFFFF  }
0xab: {  	s26 =	simm.s32 $execute0_lowered;
	[smem:$0x3FD2] =	sst s25  }
0xac: {  	s6 =	sshll.u32 s26, $0x1;
	_ =	strace $0x8000004C;
	[dreg:$0x1] =	wrdreg $0xFFFFFFFF  }
0xad: {  	s28 =	simm.s32 $_size_execute0_lowered;
	s4 =	sadd.s32 s4, s6;
	[dreg:$0x0] =	wrdreg $0x0  }
0xae: {  	s6 =	sshll.u32 s28, $0x1;
	[dreg:$0x2] =	wrdreg s4  }
0xaf: {  	[dreg:$0x3] =	wrdreg s6  }
0xb0: {  	[dreg:$0x4] =	wrdreg $0xC0  }
0xb1: {  	_ =	task [dreg:s8], $0x5FFFF  }
0xb2: {  	[dreg:$0x1] =	wrdreg $0xFFFFFFFF  }
0xb3: {  	[dreg:$0x0] =	wrdreg $0x60  }
0xb4: {  	[dreg:$0x2] =	wrdreg s16  }
0xb5: {  	[dreg:$0x3] =	wrdreg s24  }
0xb6: {  	[dreg:$0x4] =	wrdreg s17  }
0xb7: {  	[dreg:$0x5] =	wrdreg $0xA8800  }
0xb8: {  	[dreg:$0x6] =	wrdreg $0x9  }
0xb9: {  	_ =	task.clear_ibuf [dreg:s8], $0x7FFFF;
	_ =	strace $0x9000004C  }
0xba: {  	s29 =	simm.s32 $0x9;
	_ =	strace $0x8000004E  }
0xbb: {  	_ =	swait.ge [sflag:s29], $0x1  }
0xbc: {  	[sflag:s29] =	ssyncadd.s32 $0xFFFFFFFF  }
0xbd: {  	_ =	strace $0x9000004E  }
0xbe: {  	_ =	sfence  }
0xbf: {  	s30 =	sld [smem:$0x0];
	_ =	sdelay $0x2  }
0xc0: {  	s31 =	sshll.u32 s1, $0xD;
	s1 =	sshrl.u32 s1, $0x2  }
0xc1: {  	s3 =	sand.u32 $0x4000, s31;
	s1 =	sadd.s32 s1, s30  }
0xc2: {  	s0 =	sor.u32 s3, s0;
	s1 =	sshll.u32 s1, $0x11  }
0xc3: {  	s0 =	sor.u32 s1, s0  }
0xc4: {  	s0 =	sadd.s32 $0x8F2B, s0  }
0xc5: {  	[sflag:s0] =	ssyncadd.remote.s32 $0x1  }
0xc6: {  	_ =	sfence.sel $0xFFFF  }
0xc7: {  	[dreg:$0x0] =	wrdreg $0xFFFFFFFF;
	(pc) =	sbr.abs _section_cstart, $3  }
0xc8: {  	[dreg:$0x1] =	wrdreg $0xFFFFFFFF  }
0xc9: {  	_ =	task.clear_ibuf [dreg:s8], $0x2FFFF;
	_ =	strace $0x9FFFFFFF  }
0xca: {  	(tm) =	ssettm $0x7FFFFFFF  }
0xcb: {  	_ =	shalt  }
tec
execute0_lowered:
.L_overlay_start_1:
0x0: {  	(tag) =	ssettag $0x1  }
0x1: {  	s1 =	rddreg [dreg:$0x0]  }
0x2: {  	s0 =	rddreg [dreg:$0x1]  }
0x3: {  	s2 =	srdreg.scid;
	s7 =	rddreg [dreg:$0x2]  }
0x4: {  	s26 =	stileid.u32;
	s3 =	rddreg [dreg:$0x3];
	s28 =	simm.s32 $0x6880  }
0x5: {  	s29 =	simm.s32 $0x3;
	s30 =	simm.s32 $0x1;
	s8 =	smul.u32 $0x2780, s26  }
0x6: {  	s31 =	simm.s32 $0x4;
	s2 =	sand.u32 $0x1, s2;
	s6 =	smul.u32 $0x4F000, s26  }
0x7: {  	s4 =	sshll.u32 s26, $0x1;
	s13 =	smul.u32 $0x4F00, s26;
	s23 =	sadd.s32 $0x65280, s0  }
0x8: {  	p0 =	seq.s32 s26, $0xF;
	s5 =	sor.u32 s2, s4;
	s4 =	simm.s32 $0x0  }
0x9: {  	s11 =	ssub.s32 $0x2, s2;
	s15 =	smul.u32 $0x2780, s2;
	p4 =	seq.s32 s2, $0x1  }
0xa: {  	s2 =	simm.s32 $0x2;
	s5 =	smul.u32 $0x2780, s5;
	[smem:$0x7FF] =	sst s4  }
0xb: {  	s14 =	sadd.s32 s8, s0;
	s12 =	sshrl.u32 s11, $0x1;
	s6 =	sshrl.u32 s6, $0x2  }
0xc: {  	s8 =	sadd.s32 s7, s8;
	s7 =	sadd.s32 $0x25080, s7;
	p2 =	seq.s32 @p4 s26, $0xF  }
0xd: {  	p5 =	seq.s32 @!p4 s26, $0xF;
	_ =	strace $0x8000004D;
	s11 =	ssub.s32 s11, s12  }
0xe: {  	s6 =	sadd.s32 s6, s3;
	[dreg:$0x5] =	wrdreg s8;
	s8 =	sadd.s32 $0x128400, s3  }
0xf: {  	[dreg:$0x6] =	wrdreg s7;
	s21 =	sadd.s32 $0x40200, s14;
	s22 =	sadd.s32 s15, s13  }
0x10: {  	[dreg:$0xa] =	wrdreg s23;
	s14 =	sadd.s32 $0x67400, s14;
	s15 =	sadd.s32 $0x8C480, s0  }
0x11: {  	s23 =	simm.s32 $0x2780;
	p1 =	por !p2, !p4;
	p2 =	por p2, !p4  }
0x12: {  	p3 =	por !p5, p4;
	p4 =	por p5, p4;
	s7 =	simm.s32 $0x0  }
0x13: {  	s9 =	sshrl.u32 s5, $0x3;
	s5 =	sadd.s32 $0x5400, s0;
	[dreg:$0x9] =	wrdreg s21  }
0x14: {  	s24 =	sadd.s32 $0x80, s22;
	s16 =	smax.u32 s11, $0x1;
	s18 =	sadd.s32 $0x100, s22  }
0x15: {  	s21 =	sshrl.u32 @!p0 s6, $0x3;
	s22 =	simm.s32 $0x5;
	s10 =	sadd.s32 s9, s0  }
0x16: {  	s20 =	sadd.s32 s5, s9;
	s25 =	sshrl.u32 s24, $0x3;
	s0 =	sshll.u32 @!p0 s26, $0x6  }
0x17: {  	s24 =	simm.s32 $0x2880;
	s26 =	simm.s32 $0x80;
	s19 =	sadd.s32 $0xF200, s10  }
0x18: {  	[dreg:$0x8] =	wrdreg s20;
	s17 =	sadd.s32 s25, s5;
	s20 =	sor.u32 @!p0 $0x1C05, s0  }
0x19: {  	s25 =	simm.s32 $0x2800;
	[dreg:$0x7] =	wrdreg s19;
	s19 =	sshrl.u32 @p0 s8, $0x3  }
.LBB2_1:
0x1a: {  	s0 =	simm.s32 @p0 $0x1FC5;
	s9 =	rddreg [dreg:$0x6]  }
0x1b: {  	[spmem:s19], [sflag:s0] =	dma.local @p0 [hbm:s9], $0x2080  }
0x1c: {  	s0 =	simm.s32 @p0 $0x5  }
0x1d: {  	_ =	swait.ge @p0 [sflag:s0], $0x2080  }
0x1e: {  	[sflag:s0] =	ssyncset.done @p0 $0x0  }
0x1f: {  	[sflag:s0] =	ssyncadd.s32 @p0 $0xFFFFDF80;
	s0 =	rddreg [dreg:$0x5]  }
0x20: {  	[spmem:s21], [sflag:s20] =	dma.local @!p0 [hbm:s0], $0x2780  }
0x21: {  	s0 =	simm.s32 @!p0 $0x5  }
0x22: {  	_ =	swait.ge @!p0 [sflag:s0], $0x2780  }
0x23: {  	[sflag:s0] =	ssyncset.done @!p0 $0x0  }
0x24: {  	s9 =	rddreg [dreg:$0x7];
	[sflag:s0] =	ssyncadd.s32 @!p0 $0xFFFFD880  }
0x25: {  	[tilespmem:s4], [sflag:$0x5] =	stream.linear.gather [hbm4b:s9+s4], $0x2780, $0x38;
	[tilespmem:$0x1E180] =	vst v63  }
0x26: {  	_ =	swait.ge [sflag:s22], $0x2780  }
0x27: {  	[sflag:s22] =	ssyncset.done $0x0  }
0x28: {  	[sflag:s22] =	ssyncadd.s32 $0xFFFFD880  }
0x29: {  	[bflag:$0x0] =	sbarrier.arrive $0xFFFF  }
0x2a: {  	s10 =	rddreg [dreg:$0x8]  }
0x2b: {  	[tilespmem:s23], [sflag:$0x1] =	stream.linear.gather [hbm4b:s10+s4], $0x80, $0x38;
	[tilespmem:$0x1E180] =	vst v63  }
0x2c: {  	_ = 	snop  }
0x2d: {  	[tilespmem:s24], [sflag:$0x3] =	stream.indirect.gather [hbm4b:s1+s26], $0x80, s4, s26, $0xb8;
	[tilespmem:$0x1E180] =	vst v63  }
0x2e: {  	s11 =	sadd.s32 $0x0, s17  }
0x2f: {  	[tilespmem:s25], [sflag:$0x2] =	stream.linear.gather [hbm4b:s11+s4], $0x80, $0x38;
	[tilespmem:$0x1E180] =	vst v63  }
0x30: {  	_ = 	snop  }
0x31: {  	[tilespmem:s28], [sflag:$0x4] =	stream.indirect.gather [hbm4b:s1+s26], $0x80, s26, s26, $0xb8;
	[tilespmem:$0x1E180] =	vst v63  }
0x32: {  	_ =	swait.ge [sflag:s29], $0x4000  }
0x33: {  	[sflag:s29] =	ssyncset.done $0x0  }
0x34: {  	[sflag:s29] =	ssyncadd.s32 $0xFFFFC000  }
0x35: {  	_ =	swait.ge [sflag:s30], $0x80  }
0x36: {  	[sflag:s30] =	ssyncset.done $0x0  }
0x37: {  	[sflag:s30] =	ssyncadd.s32 $0xFFFFFF80  }
0x38: {  	[spmem:s3] =	stream.indirect.scatter.add.f32 [tilespmem:s24], [sflag:$0x5], $0x80, s23, s26, $0xb8;
	[tilespmem:$0x1E180] =	vst v63  }
0x39: {  	_ =	swait.ge [sflag:s22], $0x4000  }
0x3a: {  	s12 =	sshrl.u32 s18, $0x3;
	[sflag:s22] =	ssyncset.done $0x0  }
0x3b: {  	s0 =	sadd.s32 s5, s12;
	[sflag:s22] =	ssyncadd.s32 $0xFFFFC000  }
0x3c: {  	[tilespmem:s23], [sflag:$0x1] =	stream.linear.gather [hbm4b:s0+s4], $0x80, $0x38;
	[tilespmem:$0x1E180] =	vst v63  }
0x3d: {  	s13 =	simm.s32 $0x100  }
0x3e: {  	[tilespmem:s24], [sflag:$0x3] =	stream.indirect.gather [hbm4b:s1+s26], $0x80, s13, s26, $0xb8;
	[tilespmem:$0x1E180] =	vst v63  }
0x3f: {  	_ =	swait.ge [sflag:s31], $0x4000  }
0x40: {  	[sflag:s31] =	ssyncset.done $0x0  }
0x41: {  	[sflag:s31] =	ssyncadd.s32 $0xFFFFC000  }
0x42: {  	_ =	swait.ge [sflag:s2], $0x80  }
0x43: {  	[sflag:s2] =	ssyncset.done $0x0  }
0x44: {  	[sflag:s2] =	ssyncadd.s32 $0xFFFFFF80  }
0x45: {  	[spmem:s3] =	stream.indirect.scatter.add.f32 [tilespmem:s28], [sflag:$0x5], $0x80, s25, s26, $0xb8;
	[tilespmem:$0x1E180] =	vst v63  }
0x46: {  	s9 =	simm.s32 $0x180;
	s10 =	simm.s32 $0x20;
	_ =	swait.ge [sflag:s22], $0x4000  }
0x47: {  	s11 =	simm.s32 $0x40;
	s0 =	sadd.s32 $0x100, s18;
	[sflag:s22] =	ssyncset.done $0x0  }
.LBB2_2:
0x48: {  	s12 =	sadd.s32 s10, s17  }
0x49: {  	[sflag:s22] =	ssyncadd.s32 $0xFFFFC000;
	s10 =	smov.u32 s11;
	s13 =	sadd.s32 $0x20, s11  }
0x4a: {  	[tilespmem:s25], [sflag:$0x2] =	stream.linear.gather [hbm4b:s12+s4], $0x80, $0x38;
	[tilespmem:$0x1E180] =	vst v63  }
0x4b: {  	p5 =	sne.s32 s11, $0x4C0  }
0x4c: {  	[tilespmem:s28], [sflag:$0x4] =	stream.indirect.gather [hbm4b:s1+s26], $0x80, s9, s26, $0xb8;
	[tilespmem:$0x1E180] =	vst v63  }
0x4d: {  	_ =	swait.ge [sflag:s29], $0x4000  }
0x4e: {  	[sflag:s29] =	ssyncset.done $0x0  }
0x4f: {  	[sflag:s29] =	ssyncadd.s32 $0xFFFFC000  }
0x50: {  	_ =	swait.ge [sflag:s30], $0x80  }
0x51: {  	[sflag:s30] =	ssyncset.done $0x0  }
0x52: {  	[sflag:s30] =	ssyncadd.s32 $0xFFFFFF80  }
0x53: {  	[spmem:s3] =	stream.indirect.scatter.add.f32 [tilespmem:s24], [sflag:$0x5], $0x80, s23, s26, $0xb8;
	[tilespmem:$0x1E180] =	vst v63  }
0x54: {  	_ =	swait.ge [sflag:s22], $0x4000  }
0x55: {  	s11 =	sshrl.u32 s0, $0x3;
	[sflag:s22] =	ssyncset.done $0x0  }
0x56: {  	s11 =	sadd.s32 s5, s11;
	[sflag:s22] =	ssyncadd.s32 $0xFFFFC000  }
0x57: {  	[tilespmem:s23], [sflag:$0x1] =	stream.linear.gather [hbm4b:s11+s4], $0x80, $0x38;
	[tilespmem:$0x1E180] =	vst v63  }
0x58: {  	s11 =	sadd.s32 $0x80, s9  }
0x59: {  	[tilespmem:s24], [sflag:$0x3] =	stream.indirect.gather [hbm4b:s1+s26], $0x80, s11, s26, $0xb8;
	[tilespmem:$0x1E180] =	vst v63  }
0x5a: {  	_ =	swait.ge [sflag:s31], $0x4000  }
0x5b: {  	[sflag:s31] =	ssyncset.done $0x0  }
0x5c: {  	[sflag:s31] =	ssyncadd.s32 $0xFFFFC000  }
0x5d: {  	_ =	swait.ge [sflag:s2], $0x80  }
.Ltmp0:
0x5e: {  	[sflag:s2] =	ssyncset.done $0x0;
	(pc) =	sbr.rel @p5 .LBB2_2-.Ltmp0, $4  }
0x5f: {  	[sflag:s2] =	ssyncadd.s32 $0xFFFFFF80  }
0x60: {  	[spmem:s3] =	stream.indirect.scatter.add.f32 [tilespmem:s28], [sflag:$0x5], $0x80, s25, s26, $0xb8;
	[tilespmem:$0x1E180] =	vst v63  }
0x61: {  	s0 =	sadd.s32 $0x100, s0;
	_ =	swait.ge [sflag:s22], $0x4000  }
0x62: {  	s9 =	sadd.s32 $0x100, s9;
	s11 =	smov.u32 s13;
	[sflag:s22] =	ssyncset.done $0x0  }
0x63: {  	s10 =	sadd.s32 s10, s17;
	[sflag:s22] =	ssyncadd.s32 $0xFFFFC000  }
0x64: {  	[tilespmem:s25], [sflag:$0x2] =	stream.linear.gather [hbm4b:s10+s4], $0x80, $0x38;
	[tilespmem:$0x1E180] =	vst v63  }
0x65: {  	_ = 	snop  }
0x66: {  	[tilespmem:s28], [sflag:$0x4] =	stream.indirect.gather [hbm4b:s1+s26], $0x80, s9, s26, $0xb8;
	[tilespmem:$0x1E180] =	vst v63  }
0x67: {  	_ =	swait.ge [sflag:s29], $0x4000  }
0x68: {  	[sflag:s29] =	ssyncset.done $0x0  }
0x69: {  	[sflag:s29] =	ssyncadd.s32 $0xFFFFC000  }
0x6a: {  	_ =	swait.ge [sflag:s30], $0x80  }
0x6b: {  	[sflag:s30] =	ssyncset.done $0x0  }
0x6c: {  	[sflag:s30] =	ssyncadd.s32 $0xFFFFFF80  }
0x6d: {  	[spmem:s3] =	stream.indirect.scatter.add.f32 [tilespmem:s24], [sflag:$0x5], $0x80, s23, s26, $0xb8;
	[tilespmem:$0x1E180] =	vst v63  }
0x6e: {  	_ =	swait.ge [sflag:s22], $0x4000  }
0x6f: {  	s0 =	sshrl.u32 s0, $0x3;
	[sflag:s22] =	ssyncset.done $0x0  }
0x70: {  	s0 =	sadd.s32 s5, s0;
	[sflag:s22] =	ssyncadd.s32 $0xFFFFC000  }
0x71: {  	[tilespmem:s23], [sflag:$0x1] =	stream.linear.gather [hbm4b:s0+s4], $0x80, $0x38;
	[tilespmem:$0x1E180] =	vst v63  }
0x72: {  	s13 =	sadd.s32 $0x80, s9  }
0x73: {  	[tilespmem:s24], [sflag:$0x3] =	stream.indirect.gather [hbm4b:s1+s26], $0x80, s13, s26, $0xb8;
	[tilespmem:$0x1E180] =	vst v63  }
0x74: {  	_ =	swait.ge [sflag:s31], $0x4000  }
0x75: {  	[sflag:s31] =	ssyncset.done $0x0  }
0x76: {  	[sflag:s31] =	ssyncadd.s32 $0xFFFFC000  }
0x77: {  	_ =	swait.ge [sflag:s2], $0x80  }
0x78: {  	[sflag:s2] =	ssyncset.done $0x0  }
0x79: {  	[sflag:s2] =	ssyncadd.s32 $0xFFFFFF80  }
0x7a: {  	[spmem:s3] =	stream.indirect.scatter.add.f32 [tilespmem:s28], [sflag:$0x5], $0x80, s25, s26, $0xb8;
	[tilespmem:$0x1E180] =	vst v63  }
0x7b: {  	_ =	swait.ge [sflag:s22], $0x4000  }
0x7c: {  	[sflag:s22] =	ssyncset.done $0x0  }
0x7d: {  	[sflag:s22] =	ssyncadd.s32 $0xFFFFC000  }
0x7e: {  	_ =	swait.ge [sflag:s29], $0x4000  }
0x7f: {  	[sflag:s29] =	ssyncset.done $0x0  }
0x80: {  	[sflag:s29] =	ssyncadd.s32 $0xFFFFC000  }
0x81: {  	_ =	swait.ge [sflag:s30], $0x80  }
0x82: {  	[sflag:s30] =	ssyncset.done $0x0  }
0x83: {  	[sflag:s30] =	ssyncadd.s32 $0xFFFFFF80  }
0x84: {  	[spmem:s3] =	stream.indirect.scatter.add.f32 [tilespmem:s24], [sflag:$0x5], $0x80, s23, s26, $0xb8;
	[tilespmem:$0x1E180] =	vst v63  }
0x85: {  	_ =	swait.ge [sflag:s22], $0x4000  }
0x86: {  	[sflag:s22] =	ssyncset.done $0x0  }
0x87: {  	[sflag:s22] =	ssyncadd.s32 $0xFFFFC000  }
0x88: {  	s9 =	simm.s32 @!p1 $0x1FC5;
	s0 =	sshrl.u32 @!p1 s8, $0x3;
	[bflag:$0x0] =	sbarrier.arrive $0xFFFF  }
0x89: {  	[hbm:s15], [sflag:s9] =	dma.local @!p1 [spmem:s0], $0x2080  }
0x8a: {  	s0 =	simm.s32 @!p1 $0x5  }
0x8b: {  	s11 =	stileid.u32;
	_ =	swait.ge @!p1 [sflag:s0], $0x2080  }
0x8c: {  	s9 =	sshll.u32 @!p2 s11, $0x6;
	[sflag:s0] =	ssyncset.done @!p1 $0x0  }
0x8d: {  	[sflag:s0] =	ssyncadd.s32 @!p1 $0xFFFFDF80;
	s0 =	sor.u32 @!p2 $0x1C05, s9;
	s9 =	sshrl.u32 @!p2 s6, $0x3  }
0x8e: {  	[hbm:s14], [sflag:s0] =	dma.local @!p2 [spmem:s9], $0x2780  }
0x8f: {  	s0 =	simm.s32 @!p2 $0x5  }
0x90: {  	_ =	swait.ge @!p2 [sflag:s0], $0x2780  }
0x91: {  	s9 =	simm.s32 @!p3 $0x1FC5;
	[sflag:s0] =	ssyncset.done @!p2 $0x0  }
0x92: {  	s10 =	rddreg [dreg:$0xa];
	[sflag:s0] =	ssyncadd.s32 @!p2 $0xFFFFD880;
	s0 =	sshrl.u32 @!p3 s8, $0x3  }
0x93: {  	[hbm:s10], [sflag:s9] =	dma.local @!p3 [spmem:s0], $0x2080  }
0x94: {  	s7 =	sadd.s32 $0x1, s7;
	s0 =	simm.s32 @!p3 $0x5  }
0x95: {  	p5 =	sne.s32 s7, s16;
	_ =	swait.ge @!p3 [sflag:s0], $0x2080  }
0x96: {  	s9 =	sshll.u32 @!p4 s11, $0x6;
	[sflag:s0] =	ssyncset.done @!p3 $0x0;
	s11 =	rddreg [dreg:$0x9]  }
0x97: {  	[sflag:s0] =	ssyncadd.s32 @!p3 $0xFFFFDF80;
	s0 =	sor.u32 @!p4 $0x1C05, s9;
	s9 =	sshrl.u32 @!p4 s6, $0x3  }
0x98: {  	[hbm:s11], [sflag:s0] =	dma.local @!p4 [spmem:s9], $0x2780  }
.Ltmp1:
0x99: {  	_ = 	snop;
	(pc) =	sbr.rel @p5 .LBB2_1-.Ltmp1, $4  }
0x9a: {  	s0 =	simm.s32 @!p4 $0x5  }
0x9b: {  	_ =	swait.ge @!p4 [sflag:s0], $0x2780  }
0x9c: {  	[sflag:s0] =	ssyncset.done @!p4 $0x0  }
0x9d: {  	s10 =	stileid.u32;
	[sflag:s0] =	ssyncadd.s32 @!p4 $0xFFFFD880  }
0x9e: {  	_ =	sfence.sel $0x180000  }
0x9f: {  	[bflag:$0x0] =	sbarrier.arrive $0xFFFF  }
0xa0: {  	_ =	strace $0x9000004D  }
0xa1: {  	[bflag:$0x2] =	sbarrier.arrive $0xFFFF  }
0xa2: {  	p0 =	sne.s32 s10, $0x0;
	s0 =	rddreg [dreg:$0x4]  }
0xa3: {  	s0 =	sadd.s32 @!p0 $0x100000, s0  }
0xa4: {  	[sflag:s0] =	ssyncadd.tile.s32 @!p0 $0x1;
	_ =	shalt  }
.Lfunc_end2:
_tile_overlayer_lowered:
.L_overlay_start_2:
0xa5: {  	(tag) =	ssettag $0x2  }
0xa6: {  	s0 =	rddreg [dreg:$0x0];
	s2 =	stileid.u32  }
0xa7: {  	s1 =	rddreg [dreg:$0x1];
	p0 =	sne.s32 s2, $0x0  }
0xa8: {  	s3 =	rddreg [dreg:$0x2];
	[bflag:$0x3] =	sbarrier.arrive $0xFFFF;
	s2 =	simm.s32 @!p0 $0x1C05  }
0xa9: {  	[timem:s3], [sflag:s2] =	dma.local @!p0 [hbm:s0], s1  }
0xaa: {  	s0 =	simm.s32 @!p0 $0x5  }
0xab: {  	_ =	swait.ge @!p0 [sflag:s0], s1  }
0xac: {  	s1 =	ssub.s32 @!p0 $0x0, s1;
	[sflag:s0] =	ssyncset.done @!p0 $0x0  }
0xad: {  	[sflag:s0] =	ssyncadd.s32 @!p0 s1  }
0xae: {  	[bflag:$0x3] =	sbarrier.arrive $0xFFFF  }
0xaf: {  	_ =	shalt  }

// kernel: _run.19.cloned.1.call-start
scs
__scs_entry_jumppad:
0x0: {  	(pc) =	sbr.rel $0x88, $3  }
0x1: {  	(tag) =	ssettag $0x0;
	lr =	simm.s32 $0x1  }
0x2: {  	[smem:$0x3F95] =	sst lr;
	_ =	strace $0xD0000000  }
0x3: {  	_ = 	snop  }
0x4: {  	_ = 	snop  }
0x5: {  	_ = 	snop  }
0x6: {  	_ = 	snop  }
0x7: {  	_ = 	snop  }
__scs_overlays_trampoline_lowered:
0x8: {  	[smem:$0x3FA4] =	sst s0  }
0x9: {  	[smem:$0x3FA5] =	sst s1  }
0xa: {  	[smem:$0x3FA6] =	sst s2  }
0xb: {  	[smem:$0x3FA7] =	sst s3  }
0xc: {  	[smem:$0x3FA8] =	sst s4  }
0xd: {  	[smem:$0x3FA9] =	sst s5  }
0xe: {  	[smem:$0x3FAA] =	sst s6  }
0xf: {  	[smem:$0x3FAB] =	sst s7  }
0x10: {  	[smem:$0x3FAC] =	sst s8  }
0x11: {  	[smem:$0x3FAD] =	sst s9;
	s0 =	simm.s32 @!p0 $0x0  }
0x12: {  	s1 =	sld [smem:$0x3F93];
	s0 =	simm.s32 @p0 $0x1  }
0x13: {  	[smem:$0x3FAE] =	sst s0;
	s0 =	simm.s32 @!p1 $0x0  }
0x14: {  	s2 =	sld [smem:$0x3F92];
	s0 =	simm.s32 @p1 $0x1  }
0x15: {  	[smem:$0x3FAF] =	sst s0;
	s0 =	simm.s32 @!p2 $0x0  }
0x16: {  	s3 =	sld [smem:$0x3FDB];
	s0 =	simm.s32 @p2 $0x1  }
0x17: {  	s4 =	simm.s32 $0x1BF5;
	[smem:$0x3FB1] =	sst s0  }
0x18: {  	s0 =	sld [smem:$0x3F94];
	_ =	swait.ge [sflag:s4], $0x0  }
0x19: {  	s7 =	sld [smem:$0x3F95]  }
0x1a: {  	s8 =	sadd.s32 $0xFFFFE003, lr  }
0x1b: {  	s9 =	sadd.s32 $0xFFFFFEF7, lr;
	s5 =	simm.s32 $0xFFFFFFFF;
	p2 =	slt.u32 s8, $0xFFFFF086  }
0x1c: {  	p1 =	slt.u32 s9, $0xF7A;
	s5 =	simm.s32 @!p2 $0x0  }
0x1d: {  	s5 =	simm.s32 @p1 $0x1;
	p0 =	seq.s32 s7, s2  }
0x1e: {  	s7 =	smul.u32 @!p0 $0xF7A, s2;
	p2 =	seq.s32 @!p0 s5, $0x0  }
0x1f: {  	s9 =	smul.u32 $0xF7A, s1;
	s8 =	simm.s32 @!p0 $0x1BF5;
	p2 =	por !p2, p0  }
0x20: {  	[sflag:s8] =	ssyncset.s32 @!p0 $0xFFFFF086;
	s6 =	sadd.s32 @!p0 s3, s7;
	s7 =	simm.s32 @!p0 $0x108  }
0x21: {  	s3 =	sadd.s32 s3, s9;
	s6 =	sadd.s32 @!p0 $0x88, s6;
	s7 =	simm.s32 @p2 $0x1082  }
0x22: {  	[simem:s7], [sflag:s8] =	dma.local @!p0 [hbm:s6], $0xF7A  }
0x23: {  	s9 =	sor.u32 $0xD0000000, s2;
	s6 =	simm.s32 $0x108;
	_ =	swait.ge @!p0 [sflag:s8], $0x0  }
0x24: {  	s3 =	sadd.s32 $0x88, s3;
	s6 =	simm.s32 @!p1 $0x1082;
	[sflag:s4] =	ssyncset.s32 $0xFFFFF086  }
0x25: {  	[simem:s6], [sflag:s4] =	dma.local [hbm:s3], $0xF7A  }
0x26: {  	[smem:$0x3F95] =	sst s1;
	(tag) =	ssettag s2;
	_ =	strace s9  }
0x27: {  	s1 =	sld [smem:$0x3FA5]  }
0x28: {  	s2 =	sld [smem:$0x3FA6]  }
0x29: {  	s4 =	sld [smem:$0x3FA8]  }
0x2a: {  	p0 =	seq.s32 s5, $0x0;
	s5 =	sld [smem:$0x3FA9]  }
0x2b: {  	s6 =	sld [smem:$0x3FAA]  }
0x2c: {  	s7 =	sld [smem:$0x3FAB]  }
0x2d: {  	s3 =	simm.s32 $0x108;
	s8 =	sld [smem:$0x3FAC]  }
0x2e: {  	s3 =	simm.s32 @!p0 $0x1082;
	s9 =	sld [smem:$0x3FAD]  }
0x2f: {  	lr =	sadd.s32 s0, s3;
	s0 =	sld [smem:$0x3FA4]  }
0x30: {  	s3 =	sld [smem:$0x3FA7]  }
0x31: {  	[smem:$0x3FB0] =	sst s10  }
0x32: {  	s10 =	sld [smem:$0x3FAE];
	_ =	sdelay $0x3  }
0x33: {  	p0 =	seq.s32 s10, $0x1;
	s10 =	sld [smem:$0x3FB0];
	_ =	sdelay $0x3  }
0x34: {  	[smem:$0x3FB0] =	sst s10  }
0x35: {  	s10 =	sld [smem:$0x3FAF];
	_ =	sdelay $0x3  }
0x36: {  	p1 =	seq.s32 s10, $0x1;
	s10 =	sld [smem:$0x3FB0];
	_ =	sdelay $0x3  }
0x37: {  	[smem:$0x3FB0] =	sst s10  }
0x38: {  	s10 =	sld [smem:$0x3FB1]  }
0x39: {  	_ = 	snop;
	(pc) =	sbr.ind lr, $3  }
0x3a: {  	_ = 	snop  }
0x3b: {  	_ = 	snop  }
0x3c: {  	p2 =	seq.s32 s10, $0x1;
	s10 =	sld [smem:$0x3FB0]  }
0x3d: {  	_ =	shalt  }
0x3e: {  	_ =	shalt  }
0x3f: {  	_ =	shalt  }
0x40: {  	_ =	shalt  }
0x41: {  	_ =	shalt  }
0x42: {  	_ =	shalt  }
0x43: {  	_ =	shalt  }
0x44: {  	_ =	shalt  }
0x45: {  	_ =	shalt  }
0x46: {  	_ =	shalt  }
0x47: {  	_ =	shalt  }
0x48: {  	_ =	shalt  }
0x49: {  	_ =	shalt  }
0x4a: {  	_ =	shalt  }
0x4b: {  	_ =	shalt  }
0x4c: {  	_ =	shalt  }
0x4d: {  	_ =	shalt  }
0x4e: {  	_ =	shalt  }
0x4f: {  	_ =	shalt  }
0x50: {  	_ =	shalt  }
0x51: {  	_ =	shalt  }
0x52: {  	_ =	shalt  }
0x53: {  	_ =	shalt  }
0x54: {  	_ =	shalt  }
0x55: {  	_ =	shalt  }
0x56: {  	_ =	shalt  }
0x57: {  	_ =	shalt  }
0x58: {  	_ =	shalt  }
0x59: {  	_ =	shalt  }
0x5a: {  	_ =	shalt  }
0x5b: {  	_ =	shalt  }
0x5c: {  	_ =	shalt  }
0x5d: {  	_ =	shalt  }
0x5e: {  	_ =	shalt  }
0x5f: {  	_ =	shalt  }
0x60: {  	_ =	shalt  }
0x61: {  	_ =	shalt  }
0x62: {  	_ =	shalt  }
0x63: {  	_ =	shalt  }
0x64: {  	_ =	shalt  }
0x65: {  	_ =	shalt  }
0x66: {  	_ =	shalt  }
0x67: {  	_ =	shalt  }
0x68: {  	_ =	shalt  }
0x69: {  	_ =	shalt  }
0x6a: {  	_ =	shalt  }
0x6b: {  	_ =	shalt  }
0x6c: {  	_ =	shalt  }
0x6d: {  	_ =	shalt  }
0x6e: {  	_ =	shalt  }
0x6f: {  	_ =	shalt  }
0x70: {  	_ =	shalt  }
0x71: {  	_ =	shalt  }
0x72: {  	_ =	shalt  }
0x73: {  	_ =	shalt  }
0x74: {  	_ =	shalt  }
0x75: {  	_ =	shalt  }
0x76: {  	_ =	shalt  }
0x77: {  	_ =	shalt  }
0x78: {  	_ =	shalt  }
0x79: {  	_ =	shalt  }
0x7a: {  	_ =	shalt  }
0x7b: {  	_ =	shalt  }
0x7c: {  	_ =	shalt  }
0x7d: {  	_ =	shalt  }
0x7e: {  	_ =	shalt  }
0x7f: {  	_ =	shalt  }
0x80: {  	_ =	shalt  }
0x81: {  	_ =	shalt  }
0x82: {  	_ =	shalt  }
0x83: {  	_ =	shalt  }
0x84: {  	_ =	shalt  }
0x85: {  	_ =	shalt  }
0x86: {  	_ =	shalt  }
0x87: {  	_ =	shalt  }
.Lfunc_end0:
.L_simem_size_0:
called_computation.3_lowered:
.L_overlay_start_0:
0x88: {  	s2 =	sld [smem:$0x3FD9]  }
0x89: {  	s3 =	sld [smem:$0x3FFE];
	_ =	sdelay $0x1  }
0x8a: {  	s1 =	srdreg.scid  }
0x8b: {  	s0 =	sand.u32 $0x1, s1  }
0x8c: {  	s14 =	sshll.u32 s0, $0xA;
	s2 =	sadd.s32 s3, s2  }
0x8d: {  	s2 =	sadd.s32 s2, s14  }
0x8e: {  	[smem:$0x3FBC] =	sst s2  }
0x8f: {  	_ = 	snop  }
0x90: {  	s2 =	sld [smem:$0x3FD0];
	_ =	sdelay $0x2  }
0x91: {  	s15 =	simm.s32 $0xA;
	s4 =	simm.s32 $0x10  }
0x92: {  	[smem:s4], [sflag:s15] =	dma.local [hbm:s2], $0x1  }
0x93: {  	_ =	swait.eq [sflag:s15], $0x1  }
0x94: {  	[sflag:s15] =	ssyncset.done $0x0  }
0x95: {  	s16 =	sld [smem:$0x10];
	[sflag:s15] =	ssyncadd.s32 $0xFFFFFFFF  }
0x96: {  	s17 =	sld [smem:$0x11];
	(tm) =	ssettm $0x1  }
0x97: {  	s18 =	sld [smem:$0x3FFB];
	_ =	sdelay $0x3  }
0x98: {  	_ =	strace s18  }
0x99: {  	s4 =	sld [smem:$0x3FFC];
	_ =	sdelay $0x3  }
0x9a: {  	_ =	strace s4  }
0x9b: {  	s4 =	sld [smem:$0x3FFD];
	_ =	sdelay $0x3  }
0x9c: {  	_ =	strace s4  }
0x9d: {  	_ =	strace $0x8FFFFFFF  }
0x9e: {  	s19 =	sld [smem:$0x3FDB];
	_ =	sdelay $0x1  }
0x9f: {  	s5 =	simm.s32 $_scs_section_size  }
0xa0: {  	s6 =	simm.s32 $_size__tile_overlayer_lowered;
	s7 =	simm.s32 $_tile_overlayer_lowered  }
0xa1: {  	s22 =	simm.s32 $0x1BFF;
	s21 =	sshll.u32 s7, $0x1;
	s4 =	sadd.s32 s5, s19  }
0xa2: {  	s8 =	simm.s32 $0x0;
	s20 =	sshll.u32 s6, $0x1;
	s6 =	sadd.s32 s21, s4  }
0xa3: {  	[timem:s8], [sflag:s22] =	dma.local [hbm:s6], s20  }
0xa4: {  	_ =	swait.ge [sflag:s22], s20  }
0xa5: {  	s5 =	ssub.s32 $0x0, s20;
	[sflag:s22] =	ssyncset.done $0x0  }
0xa6: {  	[sflag:s22] =	ssyncadd.s32 s5;
	_ =	sdelay $0x1  }
0xa7: {  	s23 =	simm.s32 $0x1B8B  }
0xa8: {  	_ =	swait.ge [sflag:s23], $0x1  }
0xa9: {  	[sflag:s23] =	ssyncset.done $0x0  }
0xaa: {  	s25 =	simm.s32 $0x1B8E;
	s24 =	sld [smem:$0x3FFE];
	[sflag:s23] =	ssyncadd.s32 $0xFFFFFFFF  }
0xab: {  	s26 =	simm.s32 $execute0_lowered;
	[smem:$0x3FD2] =	sst s25  }
0xac: {  	s6 =	sshll.u32 s26, $0x1;
	_ =	strace $0x8000004F;
	[dreg:$0x1] =	wrdreg $0xFFFFFFFF  }
0xad: {  	s28 =	simm.s32 $_size_execute0_lowered;
	s4 =	sadd.s32 s4, s6;
	[dreg:$0x0] =	wrdreg $0x0  }
0xae: {  	s6 =	sshll.u32 s28, $0x1;
	[dreg:$0x2] =	wrdreg s4  }
0xaf: {  	[dreg:$0x3] =	wrdreg s6  }
0xb0: {  	[dreg:$0x4] =	wrdreg $0xC0  }
0xb1: {  	_ =	task [dreg:s8], $0x5FFFF  }
0xb2: {  	[dreg:$0x1] =	wrdreg $0xFFFFFFFF  }
0xb3: {  	[dreg:$0x0] =	wrdreg $0x60  }
0xb4: {  	[dreg:$0x2] =	wrdreg s16  }
0xb5: {  	[dreg:$0x3] =	wrdreg s24  }
0xb6: {  	[dreg:$0x4] =	wrdreg s17  }
0xb7: {  	[dreg:$0x5] =	wrdreg $0xA8800  }
0xb8: {  	[dreg:$0x6] =	wrdreg $0x9  }
0xb9: {  	_ =	task.clear_ibuf [dreg:s8], $0x7FFFF;
	_ =	strace $0x9000004F  }
0xba: {  	s29 =	simm.s32 $0x9;
	_ =	strace $0x80000051  }
0xbb: {  	_ =	swait.ge [sflag:s29], $0x1  }
0xbc: {  	[sflag:s29] =	ssyncadd.s32 $0xFFFFFFFF  }
0xbd: {  	_ =	strace $0x90000051  }
0xbe: {  	_ =	sfence  }
0xbf: {  	s30 =	sld [smem:$0x0];
	_ =	sdelay $0x2  }
0xc0: {  	s31 =	sshll.u32 s1, $0xD;
	s1 =	sshrl.u32 s1, $0x2  }
0xc1: {  	s3 =	sand.u32 $0x4000, s31;
	s1 =	sadd.s32 s1, s30  }
0xc2: {  	s0 =	sor.u32 s3, s0;
	s1 =	sshll.u32 s1, $0x11  }
0xc3: {  	s0 =	sor.u32 s1, s0  }
0xc4: {  	s0 =	sadd.s32 $0x8F2B, s0  }
0xc5: {  	[sflag:s0] =	ssyncadd.remote.s32 $0x1  }
0xc6: {  	_ =	sfence.sel $0xFFFF  }
0xc7: {  	[dreg:$0x0] =	wrdreg $0xFFFFFFFF;
	(pc) =	sbr.abs _section_cstart, $3  }
0xc8: {  	[dreg:$0x1] =	wrdreg $0xFFFFFFFF  }
0xc9: {  	_ =	task.clear_ibuf [dreg:s8], $0x2FFFF;
	_ =	strace $0x9FFFFFFF  }
0xca: {  	(tm) =	ssettm $0x7FFFFFFF  }
0xcb: {  	_ =	shalt  }
tec
execute0_lowered:
.L_overlay_start_1:
0x0: {  	(tag) =	ssettag $0x1  }
0x1: {  	s1 =	rddreg [dreg:$0x0]  }
0x2: {  	s0 =	rddreg [dreg:$0x1]  }
0x3: {  	s2 =	srdreg.scid;
	s7 =	rddreg [dreg:$0x2]  }
0x4: {  	s26 =	stileid.u32;
	s3 =	rddreg [dreg:$0x3];
	s28 =	simm.s32 $0x6880  }
0x5: {  	s29 =	simm.s32 $0x3;
	s30 =	simm.s32 $0x1;
	s8 =	smul.u32 $0x2780, s26  }
0x6: {  	s31 =	simm.s32 $0x4;
	s2 =	sand.u32 $0x1, s2;
	s6 =	smul.u32 $0x4F000, s26  }
0x7: {  	s4 =	sshll.u32 s26, $0x1;
	s13 =	smul.u32 $0x4F00, s26;
	s23 =	sadd.s32 $0x65280, s0  }
0x8: {  	p0 =	seq.s32 s26, $0xF;
	s5 =	sor.u32 s2, s4;
	s4 =	simm.s32 $0x0  }
0x9: {  	s11 =	ssub.s32 $0x2, s2;
	s15 =	smul.u32 $0x2780, s2;
	p4 =	seq.s32 s2, $0x1  }
0xa: {  	s2 =	simm.s32 $0x2;
	s5 =	smul.u32 $0x2780, s5;
	[smem:$0x7FF] =	sst s4  }
0xb: {  	s14 =	sadd.s32 s8, s0;
	s12 =	sshrl.u32 s11, $0x1;
	s6 =	sshrl.u32 s6, $0x2  }
0xc: {  	s8 =	sadd.s32 s7, s8;
	s7 =	sadd.s32 $0x25080, s7;
	p2 =	seq.s32 @p4 s26, $0xF  }
0xd: {  	p5 =	seq.s32 @!p4 s26, $0xF;
	_ =	strace $0x80000050;
	s11 =	ssub.s32 s11, s12  }
0xe: {  	s6 =	sadd.s32 s6, s3;
	[dreg:$0x5] =	wrdreg s8;
	s8 =	sadd.s32 $0x128400, s3  }
0xf: {  	[dreg:$0x6] =	wrdreg s7;
	s21 =	sadd.s32 $0x40200, s14;
	s22 =	sadd.s32 s15, s13  }
0x10: {  	[dreg:$0xa] =	wrdreg s23;
	s14 =	sadd.s32 $0x67400, s14;
	s15 =	sadd.s32 $0x8C480, s0  }
0x11: {  	s23 =	simm.s32 $0x2780;
	p1 =	por !p2, !p4;
	p2 =	por p2, !p4  }
0x12: {  	p3 =	por !p5, p4;
	p4 =	por p5, p4;
	s7 =	simm.s32 $0x0  }
0x13: {  	s9 =	sshrl.u32 s5, $0x3;
	s5 =	sadd.s32 $0x5400, s0;
	[dreg:$0x9] =	wrdreg s21  }
0x14: {  	s24 =	sadd.s32 $0x80, s22;
	s16 =	smax.u32 s11, $0x1;
	s18 =	sadd.s32 $0x100, s22  }
0x15: {  	s21 =	sshrl.u32 @!p0 s6, $0x3;
	s22 =	simm.s32 $0x5;
	s10 =	sadd.s32 s9, s0  }
0x16: {  	s20 =	sadd.s32 s5, s9;
	s25 =	sshrl.u32 s24, $0x3;
	s0 =	sshll.u32 @!p0 s26, $0x6  }
0x17: {  	s24 =	simm.s32 $0x2880;
	s26 =	simm.s32 $0x80;
	s19 =	sadd.s32 $0xF200, s10  }
0x18: {  	[dreg:$0x8] =	wrdreg s20;
	s17 =	sadd.s32 s25, s5;
	s20 =	sor.u32 @!p0 $0x1C05, s0  }
0x19: {  	s25 =	simm.s32 $0x2800;
	[dreg:$0x7] =	wrdreg s19;
	s19 =	sshrl.u32 @p0 s8, $0x3  }
.LBB2_1:
0x1a: {  	s0 =	simm.s32 @p0 $0x1FC5;
	s9 =	rddreg [dreg:$0x6]  }
0x1b: {  	[spmem:s19], [sflag:s0] =	dma.local @p0 [hbm:s9], $0x2080  }
0x1c: {  	s0 =	simm.s32 @p0 $0x5  }
0x1d: {  	_ =	swait.ge @p0 [sflag:s0], $0x2080  }
0x1e: {  	[sflag:s0] =	ssyncset.done @p0 $0x0  }
0x1f: {  	[sflag:s0] =	ssyncadd.s32 @p0 $0xFFFFDF80;
	s0 =	rddreg [dreg:$0x5]  }
0x20: {  	[spmem:s21], [sflag:s20] =	dma.local @!p0 [hbm:s0], $0x2780  }
0x21: {  	s0 =	simm.s32 @!p0 $0x5  }
0x22: {  	_ =	swait.ge @!p0 [sflag:s0], $0x2780  }
0x23: {  	[sflag:s0] =	ssyncset.done @!p0 $0x0  }
0x24: {  	s9 =	rddreg [dreg:$0x7];
	[sflag:s0] =	ssyncadd.s32 @!p0 $0xFFFFD880  }
0x25: {  	[tilespmem:s4], [sflag:$0x5] =	stream.linear.gather [hbm4b:s9+s4], $0x2780, $0x38;
	[tilespmem:$0x1E180] =	vst v63  }
0x26: {  	_ =	swait.ge [sflag:s22], $0x2780  }
0x27: {  	[sflag:s22] =	ssyncset.done $0x0  }
0x28: {  	[sflag:s22] =	ssyncadd.s32 $0xFFFFD880  }
0x29: {  	[bflag:$0x0] =	sbarrier.arrive $0xFFFF  }
0x2a: {  	s10 =	rddreg [dreg:$0x8]  }
0x2b: {  	[tilespmem:s23], [sflag:$0x1] =	stream.linear.gather [hbm4b:s10+s4], $0x80, $0x38;
	[tilespmem:$0x1E180] =	vst v63  }
0x2c: {  	_ = 	snop  }
0x2d: {  	[tilespmem:s24], [sflag:$0x3] =	stream.indirect.gather [hbm4b:s1+s26], $0x80, s4, s26, $0xb8;
	[tilespmem:$0x1E180] =	vst v63  }
0x2e: {  	s11 =	sadd.s32 $0x0, s17  }
0x2f: {  	[tilespmem:s25], [sflag:$0x2] =	stream.linear.gather [hbm4b:s11+s4], $0x80, $0x38;
	[tilespmem:$0x1E180] =	vst v63  }
0x30: {  	_ = 	snop  }
0x31: {  	[tilespmem:s28], [sflag:$0x4] =	stream.indirect.gather [hbm4b:s1+s26], $0x80, s26, s26, $0xb8;
	[tilespmem:$0x1E180] =	vst v63  }
0x32: {  	_ =	swait.ge [sflag:s29], $0x4000  }
0x33: {  	[sflag:s29] =	ssyncset.done $0x0  }
0x34: {  	[sflag:s29] =	ssyncadd.s32 $0xFFFFC000  }
0x35: {  	_ =	swait.ge [sflag:s30], $0x80  }
0x36: {  	[sflag:s30] =	ssyncset.done $0x0  }
0x37: {  	[sflag:s30] =	ssyncadd.s32 $0xFFFFFF80  }
0x38: {  	[spmem:s3] =	stream.indirect.scatter.add.f32 [tilespmem:s24], [sflag:$0x5], $0x80, s23, s26, $0xb8;
	[tilespmem:$0x1E180] =	vst v63  }
0x39: {  	_ =	swait.ge [sflag:s22], $0x4000  }
0x3a: {  	s12 =	sshrl.u32 s18, $0x3;
	[sflag:s22] =	ssyncset.done $0x0  }
0x3b: {  	s0 =	sadd.s32 s5, s12;
	[sflag:s22] =	ssyncadd.s32 $0xFFFFC000  }
0x3c: {  	[tilespmem:s23], [sflag:$0x1] =	stream.linear.gather [hbm4b:s0+s4], $0x80, $0x38;
	[tilespmem:$0x1E180] =	vst v63  }
0x3d: {  	s13 =	simm.s32 $0x100  }
0x3e: {  	[tilespmem:s24], [sflag:$0x3] =	stream.indirect.gather [hbm4b:s1+s26], $0x80, s13, s26, $0xb8;
	[tilespmem:$0x1E180] =	vst v63  }
0x3f: {  	_ =	swait.ge [sflag:s31], $0x4000  }
0x40: {  	[sflag:s31] =	ssyncset.done $0x0  }
0x41: {  	[sflag:s31] =	ssyncadd.s32 $0xFFFFC000  }
0x42: {  	_ =	swait.ge [sflag:s2], $0x80  }
0x43: {  	[sflag:s2] =	ssyncset.done $0x0  }
0x44: {  	[sflag:s2] =	ssyncadd.s32 $0xFFFFFF80  }
0x45: {  	[spmem:s3] =	stream.indirect.scatter.add.f32 [tilespmem:s28], [sflag:$0x5], $0x80, s25, s26, $0xb8;
	[tilespmem:$0x1E180] =	vst v63  }
0x46: {  	s9 =	simm.s32 $0x180;
	s10 =	simm.s32 $0x20;
	_ =	swait.ge [sflag:s22], $0x4000  }
0x47: {  	s11 =	simm.s32 $0x40;
	s0 =	sadd.s32 $0x100, s18;
	[sflag:s22] =	ssyncset.done $0x0  }
.LBB2_2:
0x48: {  	s12 =	sadd.s32 s10, s17  }
0x49: {  	[sflag:s22] =	ssyncadd.s32 $0xFFFFC000;
	s10 =	smov.u32 s11;
	s13 =	sadd.s32 $0x20, s11  }
0x4a: {  	[tilespmem:s25], [sflag:$0x2] =	stream.linear.gather [hbm4b:s12+s4], $0x80, $0x38;
	[tilespmem:$0x1E180] =	vst v63  }
0x4b: {  	p5 =	sne.s32 s11, $0x4C0  }
0x4c: {  	[tilespmem:s28], [sflag:$0x4] =	stream.indirect.gather [hbm4b:s1+s26], $0x80, s9, s26, $0xb8;
	[tilespmem:$0x1E180] =	vst v63  }
0x4d: {  	_ =	swait.ge [sflag:s29], $0x4000  }
0x4e: {  	[sflag:s29] =	ssyncset.done $0x0  }
0x4f: {  	[sflag:s29] =	ssyncadd.s32 $0xFFFFC000  }
0x50: {  	_ =	swait.ge [sflag:s30], $0x80  }
0x51: {  	[sflag:s30] =	ssyncset.done $0x0  }
0x52: {  	[sflag:s30] =	ssyncadd.s32 $0xFFFFFF80  }
0x53: {  	[spmem:s3] =	stream.indirect.scatter.add.f32 [tilespmem:s24], [sflag:$0x5], $0x80, s23, s26, $0xb8;
	[tilespmem:$0x1E180] =	vst v63  }
0x54: {  	_ =	swait.ge [sflag:s22], $0x4000  }
0x55: {  	s11 =	sshrl.u32 s0, $0x3;
	[sflag:s22] =	ssyncset.done $0x0  }
0x56: {  	s11 =	sadd.s32 s5, s11;
	[sflag:s22] =	ssyncadd.s32 $0xFFFFC000  }
0x57: {  	[tilespmem:s23], [sflag:$0x1] =	stream.linear.gather [hbm4b:s11+s4], $0x80, $0x38;
	[tilespmem:$0x1E180] =	vst v63  }
0x58: {  	s11 =	sadd.s32 $0x80, s9  }
0x59: {  	[tilespmem:s24], [sflag:$0x3] =	stream.indirect.gather [hbm4b:s1+s26], $0x80, s11, s26, $0xb8;
	[tilespmem:$0x1E180] =	vst v63  }
0x5a: {  	_ =	swait.ge [sflag:s31], $0x4000  }
0x5b: {  	[sflag:s31] =	ssyncset.done $0x0  }
0x5c: {  	[sflag:s31] =	ssyncadd.s32 $0xFFFFC000  }
0x5d: {  	_ =	swait.ge [sflag:s2], $0x80  }
.Ltmp0:
0x5e: {  	[sflag:s2] =	ssyncset.done $0x0;
	(pc) =	sbr.rel @p5 .LBB2_2-.Ltmp0, $4  }
0x5f: {  	[sflag:s2] =	ssyncadd.s32 $0xFFFFFF80  }
0x60: {  	[spmem:s3] =	stream.indirect.scatter.add.f32 [tilespmem:s28], [sflag:$0x5], $0x80, s25, s26, $0xb8;
	[tilespmem:$0x1E180] =	vst v63  }
0x61: {  	s0 =	sadd.s32 $0x100, s0;
	_ =	swait.ge [sflag:s22], $0x4000  }
0x62: {  	s9 =	sadd.s32 $0x100, s9;
	s11 =	smov.u32 s13;
	[sflag:s22] =	ssyncset.done $0x0  }
0x63: {  	s10 =	sadd.s32 s10, s17;
	[sflag:s22] =	ssyncadd.s32 $0xFFFFC000  }
0x64: {  	[tilespmem:s25], [sflag:$0x2] =	stream.linear.gather [hbm4b:s10+s4], $0x80, $0x38;
	[tilespmem:$0x1E180] =	vst v63  }
0x65: {  	_ = 	snop  }
0x66: {  	[tilespmem:s28], [sflag:$0x4] =	stream.indirect.gather [hbm4b:s1+s26], $0x80, s9, s26, $0xb8;
	[tilespmem:$0x1E180] =	vst v63  }
0x67: {  	_ =	swait.ge [sflag:s29], $0x4000  }
0x68: {  	[sflag:s29] =	ssyncset.done $0x0  }
0x69: {  	[sflag:s29] =	ssyncadd.s32 $0xFFFFC000  }
0x6a: {  	_ =	swait.ge [sflag:s30], $0x80  }
0x6b: {  	[sflag:s30] =	ssyncset.done $0x0  }
0x6c: {  	[sflag:s30] =	ssyncadd.s32 $0xFFFFFF80  }
0x6d: {  	[spmem:s3] =	stream.indirect.scatter.add.f32 [tilespmem:s24], [sflag:$0x5], $0x80, s23, s26, $0xb8;
	[tilespmem:$0x1E180] =	vst v63  }
0x6e: {  	_ =	swait.ge [sflag:s22], $0x4000  }
0x6f: {  	s0 =	sshrl.u32 s0, $0x3;
	[sflag:s22] =	ssyncset.done $0x0  }
0x70: {  	s0 =	sadd.s32 s5, s0;
	[sflag:s22] =	ssyncadd.s32 $0xFFFFC000  }
0x71: {  	[tilespmem:s23], [sflag:$0x1] =	stream.linear.gather [hbm4b:s0+s4], $0x80, $0x38;
	[tilespmem:$0x1E180] =	vst v63  }
0x72: {  	s13 =	sadd.s32 $0x80, s9  }
0x73: {  	[tilespmem:s24], [sflag:$0x3] =	stream.indirect.gather [hbm4b:s1+s26], $0x80, s13, s26, $0xb8;
	[tilespmem:$0x1E180] =	vst v63  }
0x74: {  	_ =	swait.ge [sflag:s31], $0x4000  }
0x75: {  	[sflag:s31] =	ssyncset.done $0x0  }
0x76: {  	[sflag:s31] =	ssyncadd.s32 $0xFFFFC000  }
0x77: {  	_ =	swait.ge [sflag:s2], $0x80  }
0x78: {  	[sflag:s2] =	ssyncset.done $0x0  }
0x79: {  	[sflag:s2] =	ssyncadd.s32 $0xFFFFFF80  }
0x7a: {  	[spmem:s3] =	stream.indirect.scatter.add.f32 [tilespmem:s28], [sflag:$0x5], $0x80, s25, s26, $0xb8;
	[tilespmem:$0x1E180] =	vst v63  }
0x7b: {  	_ =	swait.ge [sflag:s22], $0x4000  }
0x7c: {  	[sflag:s22] =	ssyncset.done $0x0  }
0x7d: {  	[sflag:s22] =	ssyncadd.s32 $0xFFFFC000  }
0x7e: {  	_ =	swait.ge [sflag:s29], $0x4000  }
0x7f: {  	[sflag:s29] =	ssyncset.done $0x0  }
0x80: {  	[sflag:s29] =	ssyncadd.s32 $0xFFFFC000  }
0x81: {  	_ =	swait.ge [sflag:s30], $0x80  }
0x82: {  	[sflag:s30] =	ssyncset.done $0x0  }
0x83: {  	[sflag:s30] =	ssyncadd.s32 $0xFFFFFF80  }
0x84: {  	[spmem:s3] =	stream.indirect.scatter.add.f32 [tilespmem:s24], [sflag:$0x5], $0x80, s23, s26, $0xb8;
	[tilespmem:$0x1E180] =	vst v63  }
0x85: {  	_ =	swait.ge [sflag:s22], $0x4000  }
0x86: {  	[sflag:s22] =	ssyncset.done $0x0  }
0x87: {  	[sflag:s22] =	ssyncadd.s32 $0xFFFFC000  }
0x88: {  	s9 =	simm.s32 @!p1 $0x1FC5;
	s0 =	sshrl.u32 @!p1 s8, $0x3;
	[bflag:$0x0] =	sbarrier.arrive $0xFFFF  }
0x89: {  	[hbm:s15], [sflag:s9] =	dma.local @!p1 [spmem:s0], $0x2080  }
0x8a: {  	s0 =	simm.s32 @!p1 $0x5  }
0x8b: {  	s11 =	stileid.u32;
	_ =	swait.ge @!p1 [sflag:s0], $0x2080  }
0x8c: {  	s9 =	sshll.u32 @!p2 s11, $0x6;
	[sflag:s0] =	ssyncset.done @!p1 $0x0  }
0x8d: {  	[sflag:s0] =	ssyncadd.s32 @!p1 $0xFFFFDF80;
	s0 =	sor.u32 @!p2 $0x1C05, s9;
	s9 =	sshrl.u32 @!p2 s6, $0x3  }
0x8e: {  	[hbm:s14], [sflag:s0] =	dma.local @!p2 [spmem:s9], $0x2780  }
0x8f: {  	s0 =	simm.s32 @!p2 $0x5  }
0x90: {  	_ =	swait.ge @!p2 [sflag:s0], $0x2780  }
0x91: {  	s9 =	simm.s32 @!p3 $0x1FC5;
	[sflag:s0] =	ssyncset.done @!p2 $0x0  }
0x92: {  	s10 =	rddreg [dreg:$0xa];
	[sflag:s0] =	ssyncadd.s32 @!p2 $0xFFFFD880;
	s0 =	sshrl.u32 @!p3 s8, $0x3  }
0x93: {  	[hbm:s10], [sflag:s9] =	dma.local @!p3 [spmem:s0], $0x2080  }
0x94: {  	s7 =	sadd.s32 $0x1, s7;
	s0 =	simm.s32 @!p3 $0x5  }
0x95: {  	p5 =	sne.s32 s7, s16;
	_ =	swait.ge @!p3 [sflag:s0], $0x2080  }
0x96: {  	s9 =	sshll.u32 @!p4 s11, $0x6;
	[sflag:s0] =	ssyncset.done @!p3 $0x0;
	s11 =	rddreg [dreg:$0x9]  }
0x97: {  	[sflag:s0] =	ssyncadd.s32 @!p3 $0xFFFFDF80;
	s0 =	sor.u32 @!p4 $0x1C05, s9;
	s9 =	sshrl.u32 @!p4 s6, $0x3  }
0x98: {  	[hbm:s11], [sflag:s0] =	dma.local @!p4 [spmem:s9], $0x2780  }
.Ltmp1:
0x99: {  	_ = 	snop;
	(pc) =	sbr.rel @p5 .LBB2_1-.Ltmp1, $4  }
0x9a: {  	s0 =	simm.s32 @!p4 $0x5  }
0x9b: {  	_ =	swait.ge @!p4 [sflag:s0], $0x2780  }
0x9c: {  	[sflag:s0] =	ssyncset.done @!p4 $0x0  }
0x9d: {  	s10 =	stileid.u32;
	[sflag:s0] =	ssyncadd.s32 @!p4 $0xFFFFD880  }
0x9e: {  	_ =	sfence.sel $0x180000  }
0x9f: {  	[bflag:$0x0] =	sbarrier.arrive $0xFFFF  }
0xa0: {  	_ =	strace $0x90000050  }
0xa1: {  	[bflag:$0x2] =	sbarrier.arrive $0xFFFF  }
0xa2: {  	p0 =	sne.s32 s10, $0x0;
	s0 =	rddreg [dreg:$0x4]  }
0xa3: {  	s0 =	sadd.s32 @!p0 $0x100000, s0  }
0xa4: {  	[sflag:s0] =	ssyncadd.tile.s32 @!p0 $0x1;
	_ =	shalt  }
.Lfunc_end2:
_tile_overlayer_lowered:
.L_overlay_start_2:
0xa5: {  	(tag) =	ssettag $0x2  }
0xa6: {  	s0 =	rddreg [dreg:$0x0];
	s2 =	stileid.u32  }
0xa7: {  	s1 =	rddreg [dreg:$0x1];
	p0 =	sne.s32 s2, $0x0  }
0xa8: {  	s3 =	rddreg [dreg:$0x2];
	[bflag:$0x3] =	sbarrier.arrive $0xFFFF;
	s2 =	simm.s32 @!p0 $0x1C05  }
0xa9: {  	[timem:s3], [sflag:s2] =	dma.local @!p0 [hbm:s0], s1  }
0xaa: {  	s0 =	simm.s32 @!p0 $0x5  }
0xab: {  	_ =	swait.ge @!p0 [sflag:s0], s1  }
0xac: {  	s1 =	ssub.s32 @!p0 $0x0, s1;
	[sflag:s0] =	ssyncset.done @!p0 $0x0  }
0xad: {  	[sflag:s0] =	ssyncadd.s32 @!p0 s1  }
0xae: {  	[bflag:$0x3] =	sbarrier.arrive $0xFFFF  }
0xaf: {  	_ =	shalt  }

</sc_bundles>
